<compile_context>
chip_gen: v7x
topology: tpu7x:2x2x1
jax: 0.10.2.dev20260603
libtpu: 0.0.44.dev20260713+nightly
codegen_flags: <defaults>
</compile_context>

<pallas_src>
import functools

import jax
import jax.numpy as jnp
from jax import lax
from jax.experimental import pallas as pl
from jax.experimental.pallas import tpu as pltpu
from jax.experimental.pallas import tpu_sc as plsc

N = 10000
E = 320000
D_IN = 128
D_HID = 256
D_OUT = 128

NC = 2
NS = 16
NW = NC * NS

CH = 128
NP = 10240
ROWS_PER_TILE = NP // NS
EP = 327680
FB = 128
NPS = 10112

_mesh = plsc.VectorSubcoreMesh(core_axis_name="c", subcore_axis_name="s")


def _deg_body(dst_hbm, zeros_hbm, out_hbm, dst_v, ones_v, acc, _sem):
    c = lax.axis_index("c")
    s = lax.axis_index("s")
    r0 = s * ROWS_PER_TILE
    pltpu.sync_copy(zeros_hbm.at[pl.ds(r0, ROWS_PER_TILE)],
                    acc.at[pl.ds(r0, ROWS_PER_TILE)])
    for i in range(CH // 16):
        ones_v[pl.ds(i * 16, 16)] = jnp.ones((16,), jnp.float32)

    nch = EP // NW // CH
    ch0 = (c * NS + s) * nch
    pltpu.sync_copy(dst_hbm.at[pl.ds(ch0, nch)], dst_v)
    plsc.subcore_barrier()

    def body(i, carry):
        pltpu.sync_copy(ones_v, acc.at[dst_v.at[i]], add=True)
        return carry

    lax.fori_loop(0, nch, body, 0)
    plsc.subcore_barrier()
    pltpu.sync_copy(acc.at[pl.ds(r0, ROWS_PER_TILE)],
                    out_hbm.at[c, pl.ds(r0, ROWS_PER_TILE)])


_deg_call = pl.kernel(
    _deg_body,
    out_type=jax.ShapeDtypeStruct((NC, NP), jnp.float32),
    mesh=_mesh,
    scratch_types=[
        pltpu.VMEM((EP // NW // CH, CH), jnp.int32),
        pltpu.VMEM((CH,), jnp.float32),
        pltpu.VMEM_SHARED((NP,), jnp.float32),
        pltpu.SemaphoreType.DMA,
    ],
)


def _gat_body(src_hbm, g_hbm, er_hbm,
              src0, src1, src2, rows0, rows1, rows2, stbl,
              gsem0, gsem1, gsem2, isem0, isem1, isem2,
              wsem0, wsem1, wsem2, *, ncb):
    srcb = [src0, src1, src2]
    rows = [rows0, rows1, rows2]
    gsem = [gsem0, gsem1, gsem2]
    isem = [isem0, isem1, isem2]
    wsem = [wsem0, wsem1, wsem2]
    c = lax.axis_index("c")
    s = lax.axis_index("s")
    rpt = pl.ds(s * ROWS_PER_TILE, ROWS_PER_TILE)
    if ncb == 2:
        nch = EP // NS // CH
        ch0 = s * nch
        kb = c
    else:
        nch = EP // NW // CH
        ch0 = (c * NS + s) * nch
        kb = 0
    rps = pl.ds(s * (NPS // NS), NPS // NS)
    pltpu.sync_copy(g_hbm.at[kb].at[rps], stbl.at[rps])
    plsc.subcore_barrier()

    def _er(ch):
        return er_hbm.at[kb].at[pl.ds((ch0 + ch) * CH, CH)]

    pltpu.sync_copy(src_hbm.at[ch0], srcb[0])
    pltpu.async_copy(src_hbm.at[ch0 + 1], srcb[1], isem[1])
    pltpu.async_copy(src_hbm.at[ch0 + 2], srcb[2], isem[2])
    pltpu.async_copy(stbl.at[srcb[0]], rows[0], gsem[0])

    def body(jj, carry):
        for b in range(3):
            ch = jj * 3 + b
            o = (b + 1) % 3
            pltpu.make_async_copy(stbl.at[srcb[b]], rows[b], gsem[b]).wait()

            @pl.when(ch + 1 < nch)
            def _():
                pltpu.make_async_copy(src_hbm.at[ch0], srcb[o], isem[o]).wait()

                @pl.when(ch >= 2)
                def _():
                    pltpu.make_async_copy(rows[o], _er(0), wsem[o]).wait()

                pltpu.async_copy(stbl.at[srcb[o]], rows[o], gsem[o])

            pltpu.async_copy(rows[b], _er(ch), wsem[b])

            @pl.when(ch + 3 < nch)
            def _():
                pltpu.async_copy(src_hbm.at[ch0 + ch + 3], srcb[b], isem[b])
        return carry

    lax.fori_loop(0, nch // 3, body, 0)
    for ch in range(3 * (nch // 3), nch):
        b = ch % 3
        o = (ch + 1) % 3
        pltpu.make_async_copy(stbl.at[srcb[b]], rows[b], gsem[b]).wait()
        if ch + 1 < nch:
            pltpu.make_async_copy(src_hbm.at[ch0], srcb[o], isem[o]).wait()
            pltpu.make_async_copy(rows[o], _er(0), wsem[o]).wait()
            pltpu.async_copy(stbl.at[srcb[o]], rows[o], gsem[o])
        pltpu.async_copy(rows[b], _er(ch), wsem[b])
    for ch in range(nch - 3, nch):
        pltpu.make_async_copy(rows[ch % 3], _er(0), wsem[ch % 3]).wait()


def _make_gat(ncb):
    return pl.kernel(
        functools.partial(_gat_body, ncb=ncb),
        out_type=jax.ShapeDtypeStruct((ncb, EP, FB), jnp.float32),
        mesh=_mesh,
        scratch_types=[
            pltpu.VMEM((CH,), jnp.int32),
            pltpu.VMEM((CH,), jnp.int32),
            pltpu.VMEM((CH,), jnp.int32),
            pltpu.VMEM((CH, FB), jnp.float32),
            pltpu.VMEM((CH, FB), jnp.float32),
            pltpu.VMEM((CH, FB), jnp.float32),
            pltpu.VMEM_SHARED((NPS, FB), jnp.float32),
            pltpu.SemaphoreType.DMA,
            pltpu.SemaphoreType.DMA,
            pltpu.SemaphoreType.DMA,
            pltpu.SemaphoreType.DMA,
            pltpu.SemaphoreType.DMA,
            pltpu.SemaphoreType.DMA,
            pltpu.SemaphoreType.DMA,
            pltpu.SemaphoreType.DMA,
            pltpu.SemaphoreType.DMA,
        ],
    )


def _sca_body(dst_hbm, er_hbm, zeros_hbm, out_hbm,
              dst0, dst1, rows0, rows1, acc,
              rsem0, rsem1, isem0, isem1, *, ncb):
    dstb = [dst0, dst1]
    rows = [rows0, rows1]
    rsem = [rsem0, rsem1]
    isem = [isem0, isem1]
    c = lax.axis_index("c")
    s = lax.axis_index("s")
    rpt = pl.ds(s * ROWS_PER_TILE, ROWS_PER_TILE)
    if ncb == 2:
        nch = EP // NS // CH
        ch0 = s * nch
        kb = c
    else:
        nch = EP // NW // CH
        ch0 = (c * NS + s) * nch
        kb = 0
    pltpu.sync_copy(zeros_hbm.at[rpt], acc.at[rpt])
    plsc.subcore_barrier()

    def _er(ch):
        return er_hbm.at[kb].at[pl.ds((ch0 + ch) * CH, CH)]

    pltpu.sync_copy(dst_hbm.at[ch0], dstb[0])
    pltpu.async_copy(dst_hbm.at[ch0 + 1], dstb[1], isem[1])
    pltpu.async_copy(_er(0), rows[0], rsem[0])

    def body(jj, carry):
        for b in range(2):
            ch = jj * 2 + b
            o = 1 - b
            pltpu.make_async_copy(_er(ch), rows[b], rsem[b]).wait()

            @pl.when(ch + 1 < nch)
            def _():
                pltpu.async_copy(_er(ch + 1), rows[o], rsem[o])

            @pl.when(ch >= 1)
            def _():
                pltpu.make_async_copy(dst_hbm.at[ch0], dstb[b], isem[b]).wait()

            pltpu.sync_copy(rows[b], acc.at[dstb[b]], add=True)

            @pl.when(ch + 2 < nch)
            def _():
                pltpu.async_copy(dst_hbm.at[ch0 + ch + 2], dstb[b], isem[b])
        return carry

    lax.fori_loop(0, nch // 2, body, 0)
    if nch % 2:
        pltpu.make_async_copy(_er(nch - 1), rows[0], rsem[0]).wait()
        pltpu.make_async_copy(dst_hbm.at[ch0], dstb[0], isem[0]).wait()
        pltpu.sync_copy(rows[0], acc.at[dstb[0]], add=True)
    plsc.subcore_barrier()
    pltpu.sync_copy(acc.at[rpt], out_hbm.at[c].at[rpt])


def _make_sca(ncb):
    return pl.kernel(
        functools.partial(_sca_body, ncb=ncb),
        out_type=jax.ShapeDtypeStruct((NC, NP, FB), jnp.float32),
        mesh=_mesh,
        scratch_types=[
            pltpu.VMEM((CH,), jnp.int32),
            pltpu.VMEM((CH,), jnp.int32),
            pltpu.VMEM((CH, FB), jnp.float32),
            pltpu.VMEM((CH, FB), jnp.float32),
            pltpu.VMEM_SHARED((NP, FB), jnp.float32),
            pltpu.SemaphoreType.DMA,
            pltpu.SemaphoreType.DMA,
            pltpu.SemaphoreType.DMA,
            pltpu.SemaphoreType.DMA,
        ],
    )


_gat2 = _make_gat(2)
_gat1 = _make_gat(1)
_sca2 = _make_sca(2)
_sca1 = _make_sca(1)


def _tc_b(embed_ref, w1_ref, degt_ref, g1_ref, dinv_ref):
    degt = degt_ref[...]
    deg = degt[:, 0:1] + degt[:, 1:2] + 1.0
    dinv = lax.rsqrt(deg)
    h = jnp.dot(embed_ref[...], w1_ref[...],
                preferred_element_type=jnp.float32)
    g = h * dinv
    for k in range(D_HID // FB):
        g1_ref[k] = g[:, k * FB:(k + 1) * FB]
    dinv_ref[...] = dinv


def _tc_d(res1_ref, g1_ref, dinv_ref, b1_ref, w2_ref, g2_ref):
    dinv = dinv_ref[...]
    b1 = b1_ref[...]
    w2 = w2_ref[...]
    acc = jnp.zeros((res1_ref.shape[1], D_OUT), jnp.float32)
    for k in range(D_HID // FB):
        hk = (res1_ref[k] + g1_ref[k]) * dinv + b1[:, k * FB:(k + 1) * FB]
        acc = acc + jnp.dot(hk, w2[k * FB:(k + 1) * FB],
                            preferred_element_type=jnp.float32)
    g2 = acc * dinv
    for k in range(D_OUT // FB):
        g2_ref[k] = g2[:, k * FB:(k + 1) * FB]


def _tc_f(res2_ref, g2_ref, dinv_ref, b2_ref, gamma_ref, beta_ref, out_ref):
    o = res2_ref[0] + res2_ref[1] + g2_ref[0]
    o = o * dinv_ref[...] + b2_ref[...]
    rowid = lax.broadcasted_iota(jnp.int32, (NP, 1), 0)
    mask = (rowid < N).astype(jnp.float32)
    mu = jnp.sum(o * mask, axis=0, keepdims=True) * (1.0 / N)
    d = (o - mu) * mask
    var = jnp.sum(d * d, axis=0, keepdims=True) * (1.0 / N)
    y = (o - mu) * lax.rsqrt(var + 1e-5) * gamma_ref[...] + beta_ref[...]
    out_ref[...] = y[:N]


_RB = 2048

_tc_b_call = pl.pallas_call(
    _tc_b,
    grid=(NP // _RB,),
    in_specs=[pl.BlockSpec((_RB, D_IN), lambda i: (i, 0)),
              pl.BlockSpec((D_IN, D_HID), lambda i: (0, 0)),
              pl.BlockSpec((_RB, NC), lambda i: (i, 0))],
    out_specs=(pl.BlockSpec((D_HID // FB, _RB, FB), lambda i: (0, i, 0)),
               pl.BlockSpec((_RB, 1), lambda i: (i, 0))),
    out_shape=(jax.ShapeDtypeStruct((D_HID // FB, NP, FB), jnp.float32),
               jax.ShapeDtypeStruct((NP, 1), jnp.float32)),
)

_tc_d_call = pl.pallas_call(
    _tc_d,
    grid=(NP // _RB,),
    in_specs=[pl.BlockSpec((D_HID // FB, _RB, FB), lambda i: (0, i, 0)),
              pl.BlockSpec((D_HID // FB, _RB, FB), lambda i: (0, i, 0)),
              pl.BlockSpec((_RB, 1), lambda i: (i, 0)),
              pl.BlockSpec((1, D_HID), lambda i: (0, 0)),
              pl.BlockSpec((D_HID, D_OUT), lambda i: (0, 0))],
    out_specs=pl.BlockSpec((D_OUT // FB, _RB, FB), lambda i: (0, i, 0)),
    out_shape=jax.ShapeDtypeStruct((D_OUT // FB, NP, FB), jnp.float32),
)

_tc_f_call = pl.pallas_call(
    _tc_f,
    out_shape=jax.ShapeDtypeStruct((N, D_OUT), jnp.float32),
)


@jax.jit
def kernel(embed, edge_index, W1, b1, W2, b2, gamma, beta):
    src = edge_index[0]
    dst = edge_index[1]
    pad_idx = jnp.full((EP - E,), N, dtype=jnp.int32)
    src_p = jnp.concatenate([src, pad_idx]).reshape(EP // CH, CH)
    dst_p = jnp.concatenate([dst, pad_idx]).reshape(EP // CH, CH)
    embed_p = jnp.pad(embed, ((0, NP - N), (0, 0)))
    zeros1 = jnp.zeros((NP,), jnp.float32)
    zeros2 = jnp.zeros((NP, FB), jnp.float32)

    degs = _deg_call(dst_p, zeros1)
    degt = jnp.transpose(degs)

    g1, dinv = _tc_b_call(embed_p, W1, degt)
    er1 = _gat2(src_p, g1)
    res1 = _sca2(dst_p, er1, zeros2)
    g2 = _tc_d_call(res1, g1, dinv, b1.reshape(1, D_HID), W2)
    er2 = _gat1(src_p, g2)
    res2 = _sca1(dst_p, er2, zeros2)
    out = _tc_f_call(res2, g2, dinv, b2.reshape(1, D_OUT),
                     gamma.reshape(1, D_OUT), beta.reshape(1, D_OUT))
    return out

# --- scband reference (transcript-rebuilt; emitter-appended) ---
"""Pipeline reference for scband-embed-init-18098992185556 (READ-ONLY COPY).

The authoritative reference and input builder live on the scoring server;
editing this copy changes nothing except your own understanding.
"""

import jax, jax.numpy as jnp
import numpy as np

N = 10000
E = 320000
D_IN = 128
D_HID = 256
D_OUT = 128


def setup_inputs(seed: int = 0) -> dict:
    key = jax.random.key(seed)
    ks = jax.random.split(key, 8)
    embed = jax.random.normal(ks[0], (N, D_IN), dtype=jnp.float32)
    edge_index = jax.random.randint(ks[1], (2, E), 0, N, dtype=jnp.int32)
    # GCNConv params (glorot-ish scaling)
    W1 = jax.random.normal(ks[2], (D_IN, D_HID), dtype=jnp.float32) * (1.0 / np.sqrt(D_IN))
    b1 = jnp.zeros((D_HID,), dtype=jnp.float32)
    W2 = jax.random.normal(ks[3], (D_HID, D_OUT), dtype=jnp.float32) * (1.0 / np.sqrt(D_HID))
    b2 = jnp.zeros((D_OUT,), dtype=jnp.float32)
    # BatchNorm1d affine params
    gamma = jnp.ones((D_OUT,), dtype=jnp.float32)
    beta = jnp.zeros((D_OUT,), dtype=jnp.float32)
    return {"embed": embed, "edge_index": edge_index, "W1": W1, "b1": b1,
            "W2": W2, "b2": b2, "gamma": gamma, "beta": beta}


def _gcn_conv(x, W, b, src, dst):
    # PyG GCNConv: x' = D^{-1/2} (A + I) D^{-1/2} X W + b
    n = x.shape[0]
    loop = jnp.arange(n, dtype=src.dtype)
    s = jnp.concatenate([src, loop])
    d = jnp.concatenate([dst, loop])
    deg = jnp.zeros((n,), dtype=x.dtype).at[d].add(1.0)
    dinv = jax.lax.rsqrt(deg)  # deg >= 1 due to self loops
    norm = dinv[s] * dinv[d]
    h = x @ W
    msg = h[s] * norm[:, None]
    out = jnp.zeros((n, h.shape[1]), dtype=x.dtype).at[d].add(msg)
    return out + b


def reference(embed, edge_index, W1, b1, W2, b2, gamma, beta):
    src = edge_index[0]
    dst = edge_index[1]
    h = _gcn_conv(embed, W1, b1, src, dst)
    # dropout: identity in eval mode
    out = _gcn_conv(h, W2, b2, src, dst)
    # BatchNorm1d with batch statistics (training-mode math)
    mu = out.mean(axis=0)
    var = out.var(axis=0)
    out = (out - mu) * jax.lax.rsqrt(var + 1e-5) * gamma + beta
    return out

if __name__ == "__main__":
    import jax
    _d = setup_inputs()
    print(jax.jit(kernel)(*tuple(_d.values())))

</pallas_src>

<mosaic_0001>
#map = affine_map<(d0, d1) -> (0, 0)>
#map1 = affine_map<(d0, d1) -> (0, 0, 0)>
module attributes {stable_mosaic.version = 14 : i64} {
  func.func @_gat_body(%arg0: i32, %arg1: i32, %arg2: memref<2560x128xi32, #tpu.memory_space<hbm>>, %arg3: memref<2x10240x128xf32, #tpu.memory_space<hbm>>, %arg4: memref<2x327680x128xf32, #tpu.memory_space<hbm>>, %arg5: memref<128xi32, #tpu.memory_space<vmem>>, %arg6: memref<128xi32, #tpu.memory_space<vmem>>, %arg7: memref<128xi32, #tpu.memory_space<vmem>>, %arg8: memref<128x128xf32, #tpu.memory_space<vmem>>, %arg9: memref<128x128xf32, #tpu.memory_space<vmem>>, %arg10: memref<128x128xf32, #tpu.memory_space<vmem>>, %arg11: memref<10112x128xf32, #tpu.memory_space<vmem_shared>>, %arg12: memref<!tpu.dma_semaphore, #tpu.memory_space<semaphore_mem>>, %arg13: memref<!tpu.dma_semaphore, #tpu.memory_space<semaphore_mem>>, %arg14: memref<!tpu.dma_semaphore, #tpu.memory_space<semaphore_mem>>, %arg15: memref<!tpu.dma_semaphore, #tpu.memory_space<semaphore_mem>>, %arg16: memref<!tpu.dma_semaphore, #tpu.memory_space<semaphore_mem>>, %arg17: memref<!tpu.dma_semaphore, #tpu.memory_space<semaphore_mem>>, %arg18: memref<!tpu.dma_semaphore, #tpu.memory_space<semaphore_mem>>, %arg19: memref<!tpu.dma_semaphore, #tpu.memory_space<semaphore_mem>>, %arg20: memref<!tpu.dma_semaphore, #tpu.memory_space<semaphore_mem>>) attributes {dimension_semantics = [#tpu.dimension_semantics<core_parallel>, #tpu.dimension_semantics<subcore_parallel>], iteration_bounds = array<i64: 2, 16>, scalar_prefetch = 0 : i64, scratch_operands = 16 : i64, tpu.core_type = #tpu.core_type<sc_vector_subcore>, window_params = [{transform_indices = #map}, {transform_indices = #map1}, {transform_indices = #map1}]} {
    %mul3A = arith.constant 640 : i32
    %mul3A_0 = arith.muli %arg1, %mul3A : i32
    %mul3A_1 = arith.constant 160 : i32
    %mul3A_2 = arith.muli %arg1, %mul3A_1 : i32
    %mul3A_3 = arith.constant 632 : i32
    %mul3A_4 = arith.muli %arg1, %mul3A_3 : i32
    "tpu.region"() ({
      %run_scoped3A = tpu.sem_alloc : memref<!tpu.dma_semaphore, #tpu.memory_space<semaphore_mem>>
      %dma_start3A_93 = arith.constant 0 : i32
      %dma_start3A_94 = tpu.memref_slice %arg11[%mul3A_4, %dma_start3A_93] : memref<10112x128xf32, #tpu.memory_space<vmem_shared>> -> memref<632x128xf32, #tpu.memory_space<vmem_shared>>
      %dma_start3A_95 = arith.constant 0 : i32
      %dma_start3A_96 = arith.constant 0 : i32
      %dma_start3A_97 = tpu.memref_slice %arg3[%arg0, %dma_start3A_95, %dma_start3A_96] : memref<2x10240x128xf32, #tpu.memory_space<hbm>> -> memref<1x10240x128xf32, #tpu.memory_space<hbm>>
      %dma_start3A_98 = tpu.memref_squeeze %dma_start3A_97 : memref<1x10240x128xf32, #tpu.memory_space<hbm>> -> memref<10240x128xf32, #tpu.memory_space<hbm>>
      %dma_start3A_99 = arith.constant 0 : i32
      %dma_start3A_100 = tpu.memref_slice %dma_start3A_98[%mul3A_4, %dma_start3A_99] : memref<10240x128xf32, #tpu.memory_space<hbm>> -> memref<632x128xf32, #tpu.memory_space<hbm>>
      tpu.enqueue_dma source(%dma_start3A_100 : memref<632x128xf32, #tpu.memory_space<hbm>>) target(%dma_start3A_94 : memref<632x128xf32, #tpu.memory_space<vmem_shared>>) target_semaphore(%run_scoped3A : memref<!tpu.dma_semaphore, #tpu.memory_space<semaphore_mem>>)
      %dma_wait3A_101 = arith.constant 0 : i32
      %dma_wait3A_102 = tpu.memref_slice %arg11[%mul3A_4, %dma_wait3A_101] : memref<10112x128xf32, #tpu.memory_space<vmem_shared>> -> memref<632x128xf32, #tpu.memory_space<vmem_shared>>
      %dma_wait3A_103 = arith.constant 0 : i32
      %dma_wait3A_104 = arith.constant 0 : i32
      %dma_wait3A_105 = tpu.memref_slice %arg3[%arg0, %dma_wait3A_103, %dma_wait3A_104] : memref<2x10240x128xf32, #tpu.memory_space<hbm>> -> memref<1x10240x128xf32, #tpu.memory_space<hbm>>
      %dma_wait3A_106 = tpu.memref_squeeze %dma_wait3A_105 : memref<1x10240x128xf32, #tpu.memory_space<hbm>> -> memref<10240x128xf32, #tpu.memory_space<hbm>>
      %dma_wait3A_107 = arith.constant 0 : i32
      %dma_wait3A_108 = tpu.memref_slice %dma_wait3A_106[%mul3A_4, %dma_wait3A_107] : memref<10240x128xf32, #tpu.memory_space<hbm>> -> memref<632x128xf32, #tpu.memory_space<hbm>>
      tpu.wait_dma2 semaphore(%run_scoped3A : memref<!tpu.dma_semaphore, #tpu.memory_space<semaphore_mem>>) src(%dma_wait3A_108 : memref<632x128xf32, #tpu.memory_space<hbm>>) dst(%dma_wait3A_102 : memref<632x128xf32, #tpu.memory_space<vmem_shared>>)
      tpu.yield
    }) : () -> ()
    %barrier3A = arith.constant 0 : index
    tpu.barrier barrier_id(%barrier3A)
    "tpu.region"() ({
      %run_scoped3A = tpu.sem_alloc : memref<!tpu.dma_semaphore, #tpu.memory_space<semaphore_mem>>
      %dma_start3A_93 = arith.constant 0 : i32
      %dma_start3A_94 = tpu.memref_slice %arg2[%mul3A_2, %dma_start3A_93] : memref<2560x128xi32, #tpu.memory_space<hbm>> -> memref<1x128xi32, #tpu.memory_space<hbm>>
      %dma_start3A_95 = tpu.memref_squeeze %dma_start3A_94 : memref<1x128xi32, #tpu.memory_space<hbm>> -> memref<128xi32, #tpu.memory_space<hbm>>
      %dma_start3A_96 = arith.constant 0 : i32
      %dma_start3A_97 = tpu.memref_slice %arg2[%mul3A_2, %dma_start3A_96] : memref<2560x128xi32, #tpu.memory_space<hbm>> -> memref<1x128xi32, #tpu.memory_space<hbm>>
      %dma_start3A_98 = tpu.memref_squeeze %dma_start3A_97 : memref<1x128xi32, #tpu.memory_space<hbm>> -> memref<128xi32, #tpu.memory_space<hbm>>
      tpu.enqueue_dma source(%dma_start3A_98 : memref<128xi32, #tpu.memory_space<hbm>>) target(%arg5 : memref<128xi32, #tpu.memory_space<vmem>>) target_semaphore(%run_scoped3A : memref<!tpu.dma_semaphore, #tpu.memory_space<semaphore_mem>>)
      %dma_wait3A_99 = arith.constant 0 : i32
      %dma_wait3A_100 = tpu.memref_slice %arg2[%mul3A_2, %dma_wait3A_99] : memref<2560x128xi32, #tpu.memory_space<hbm>> -> memref<1x128xi32, #tpu.memory_space<hbm>>
      %dma_wait3A_101 = tpu.memref_squeeze %dma_wait3A_100 : memref<1x128xi32, #tpu.memory_space<hbm>> -> memref<128xi32, #tpu.memory_space<hbm>>
      %dma_wait3A_102 = arith.constant 0 : i32
      %dma_wait3A_103 = tpu.memref_slice %arg2[%mul3A_2, %dma_wait3A_102] : memref<2560x128xi32, #tpu.memory_space<hbm>> -> memref<1x128xi32, #tpu.memory_space<hbm>>
      %dma_wait3A_104 = tpu.memref_squeeze %dma_wait3A_103 : memref<1x128xi32, #tpu.memory_space<hbm>> -> memref<128xi32, #tpu.memory_space<hbm>>
      tpu.wait_dma2 semaphore(%run_scoped3A : memref<!tpu.dma_semaphore, #tpu.memory_space<semaphore_mem>>) src(%dma_wait3A_104 : memref<128xi32, #tpu.memory_space<hbm>>) dst(%arg5 : memref<128xi32, #tpu.memory_space<vmem>>)
      tpu.yield
    }) : () -> ()
    %add3A = arith.constant 1 : i32
    %add3A_5 = arith.addi %mul3A_2, %add3A : i32
    %dma_start3A = arith.constant 0 : i32
    %dma_start3A_6 = tpu.memref_slice %arg2[%add3A_5, %dma_start3A] : memref<2560x128xi32, #tpu.memory_space<hbm>> -> memref<1x128xi32, #tpu.memory_space<hbm>>
    %dma_start3A_7 = tpu.memref_squeeze %dma_start3A_6 : memref<1x128xi32, #tpu.memory_space<hbm>> -> memref<128xi32, #tpu.memory_space<hbm>>
    %dma_start3A_8 = arith.constant 0 : i32
    %dma_start3A_9 = tpu.memref_slice %arg2[%add3A_5, %dma_start3A_8] : memref<2560x128xi32, #tpu.memory_space<hbm>> -> memref<1x128xi32, #tpu.memory_space<hbm>>
    %dma_start3A_10 = tpu.memref_squeeze %dma_start3A_9 : memref<1x128xi32, #tpu.memory_space<hbm>> -> memref<128xi32, #tpu.memory_space<hbm>>
    tpu.enqueue_dma source(%dma_start3A_10 : memref<128xi32, #tpu.memory_space<hbm>>) target(%arg6 : memref<128xi32, #tpu.memory_space<vmem>>) target_semaphore(%arg16 : memref<!tpu.dma_semaphore, #tpu.memory_space<semaphore_mem>>)
    %add3A_11 = arith.constant 2 : i32
    %add3A_12 = arith.addi %mul3A_2, %add3A_11 : i32
    %dma_start3A_13 = arith.constant 0 : i32
    %dma_start3A_14 = tpu.memref_slice %arg2[%add3A_12, %dma_start3A_13] : memref<2560x128xi32, #tpu.memory_space<hbm>> -> memref<1x128xi32, #tpu.memory_space<hbm>>
    %dma_start3A_15 = tpu.memref_squeeze %dma_start3A_14 : memref<1x128xi32, #tpu.memory_space<hbm>> -> memref<128xi32, #tpu.memory_space<hbm>>
    %dma_start3A_16 = arith.constant 0 : i32
    %dma_start3A_17 = tpu.memref_slice %arg2[%add3A_12, %dma_start3A_16] : memref<2560x128xi32, #tpu.memory_space<hbm>> -> memref<1x128xi32, #tpu.memory_space<hbm>>
    %dma_start3A_18 = tpu.memref_squeeze %dma_start3A_17 : memref<1x128xi32, #tpu.memory_space<hbm>> -> memref<128xi32, #tpu.memory_space<hbm>>
    tpu.enqueue_dma source(%dma_start3A_18 : memref<128xi32, #tpu.memory_space<hbm>>) target(%arg7 : memref<128xi32, #tpu.memory_space<vmem>>) target_semaphore(%arg17 : memref<!tpu.dma_semaphore, #tpu.memory_space<semaphore_mem>>)
    %dma_start3A_19 = arith.constant 0 : i32
    %dma_start3A_20 = arith.constant 0 : i32
    %dma_start3A_21 = tpu.memref_slice %arg11[%dma_start3A_19, %dma_start3A_20] : memref<10112x128xf32, #tpu.memory_space<vmem_shared>> -> memref<10112x128xf32, #tpu.memory_space<vmem_shared>>
    tpu.enqueue_indirect_dma source(%dma_start3A_21 : memref<10112x128xf32, #tpu.memory_space<vmem_shared>>) target(%arg8 : memref<128x128xf32, #tpu.memory_space<vmem>>) offsets(%arg5 : memref<128xi32, #tpu.memory_space<vmem>>) semaphore(%arg12 : memref<!tpu.dma_semaphore, #tpu.memory_space<semaphore_mem>>)
    %scan3A = arith.constant 0 : i32
    %scan3A_22 = arith.constant 0 : i32
    %scan3A_23 = arith.constant 53 : i32
    %scan3A_24 = arith.addi %scan3A_22, %scan3A_23 : i32
    %scan3A_25 = arith.constant 1 : i32
    scf.for %scan3A_93 = %scan3A_22 to %scan3A_24 step %scan3A_25  : i32 {
      %mul3A_94 = arith.constant 3 : i32
      %mul3A_95 = arith.muli %scan3A_93, %mul3A_94 : i32
      %add3A_96 = arith.constant 0 : i32
      %add3A_97 = arith.addi %mul3A_95, %add3A_96 : i32
      %dma_wait3A_98 = arith.constant 0 : i32
      %dma_wait3A_99 = arith.constant 0 : i32
      %dma_wait3A_100 = tpu.memref_slice %arg11[%dma_wait3A_98, %dma_wait3A_99] : memref<10112x128xf32, #tpu.memory_space<vmem_shared>> -> memref<10112x128xf32, #tpu.memory_space<vmem_shared>>
      tpu.wait_indirect_dma semaphore(%arg12 : memref<!tpu.dma_semaphore, #tpu.memory_space<semaphore_mem>>) src(%dma_wait3A_100 : memref<10112x128xf32, #tpu.memory_space<vmem_shared>>) dst(%arg8 : memref<128x128xf32, #tpu.memory_space<vmem>>)
      %add3A_101 = arith.constant 1 : i32
      %add3A_102 = arith.addi %add3A_97, %add3A_101 : i32
      %lt3A = arith.constant 160 : i32
      %lt3A_103 = arith.cmpi slt, %add3A_102, %lt3A : i32
      %convert_element_type3A = arith.extui %lt3A_103 : i1 to i32
      %cond3A = arith.constant 0 : i32
      %cond3A_104 = arith.cmpi ne, %convert_element_type3A, %cond3A : i32
      scf.if %cond3A_104 {
        %dma_wait3A_199 = arith.constant 0 : i32
        %dma_wait3A_200 = tpu.memref_slice %arg2[%mul3A_2, %dma_wait3A_199] : memref<2560x128xi32, #tpu.memory_space<hbm>> -> memref<1x128xi32, #tpu.memory_space<hbm>>
        %dma_wait3A_201 = tpu.memref_squeeze %dma_wait3A_200 : memref<1x128xi32, #tpu.memory_space<hbm>> -> memref<128xi32, #tpu.memory_space<hbm>>
        %dma_wait3A_202 = arith.constant 0 : i32
        %dma_wait3A_203 = tpu.memref_slice %arg2[%mul3A_2, %dma_wait3A_202] : memref<2560x128xi32, #tpu.memory_space<hbm>> -> memref<1x128xi32, #tpu.memory_space<hbm>>
        %dma_wait3A_204 = tpu.memref_squeeze %dma_wait3A_203 : memref<1x128xi32, #tpu.memory_space<hbm>> -> memref<128xi32, #tpu.memory_space<hbm>>
        tpu.wait_dma2 semaphore(%arg16 : memref<!tpu.dma_semaphore, #tpu.memory_space<semaphore_mem>>) src(%dma_wait3A_204 : memref<128xi32, #tpu.memory_space<hbm>>) dst(%arg6 : memref<128xi32, #tpu.memory_space<vmem>>)
        %ge3A = arith.constant 2 : i32
        %ge3A_205 = arith.cmpi sge, %add3A_97, %ge3A : i32
        %convert_element_type3A_206 = arith.extui %ge3A_205 : i1 to i32
        %cond3A_207 = arith.constant 0 : i32
        %cond3A_208 = arith.cmpi ne, %convert_element_type3A_206, %cond3A_207 : i32
        scf.if %cond3A_208 {
          %add3A_212 = arith.constant 0 : i32
          %add3A_213 = arith.addi %mul3A_2, %add3A_212 : i32
          %mul3A_214 = arith.constant 128 : i32
          %mul3A_215 = arith.muli %add3A_213, %mul3A_214 : i32
          %dma_wait3A_216 = arith.constant 0 : i32
          %dma_wait3A_217 = arith.constant 0 : i32
          %dma_wait3A_218 = tpu.memref_slice %arg4[%arg0, %dma_wait3A_216, %dma_wait3A_217] : memref<2x327680x128xf32, #tpu.memory_space<hbm>> -> memref<1x327680x128xf32, #tpu.memory_space<hbm>>
          %dma_wait3A_219 = tpu.memref_squeeze %dma_wait3A_218 : memref<1x327680x128xf32, #tpu.memory_space<hbm>> -> memref<327680x128xf32, #tpu.memory_space<hbm>>
          %dma_wait3A_220 = arith.constant 0 : i32
          %dma_wait3A_221 = tpu.memref_slice %dma_wait3A_219[%mul3A_215, %dma_wait3A_220] : memref<327680x128xf32, #tpu.memory_space<hbm>> -> memref<128x128xf32, #tpu.memory_space<hbm>>
          %dma_wait3A_222 = arith.constant 0 : i32
          %dma_wait3A_223 = arith.constant 0 : i32
          %dma_wait3A_224 = tpu.memref_slice %arg4[%arg0, %dma_wait3A_222, %dma_wait3A_223] : memref<2x327680x128xf32, #tpu.memory_space<hbm>> -> memref<1x327680x128xf32, #tpu.memory_space<hbm>>
          %dma_wait3A_225 = tpu.memref_squeeze %dma_wait3A_224 : memref<1x327680x128xf32, #tpu.memory_space<hbm>> -> memref<327680x128xf32, #tpu.memory_space<hbm>>
          %dma_wait3A_226 = arith.constant 0 : i32
          %dma_wait3A_227 = tpu.memref_slice %dma_wait3A_225[%mul3A_215, %dma_wait3A_226] : memref<327680x128xf32, #tpu.memory_space<hbm>> -> memref<128x128xf32, #tpu.memory_space<hbm>>
          tpu.wait_dma2 semaphore(%arg19 : memref<!tpu.dma_semaphore, #tpu.memory_space<semaphore_mem>>) src(%arg9 : memref<128x128xf32, #tpu.memory_space<vmem>>) dst(%dma_wait3A_227 : memref<128x128xf32, #tpu.memory_space<hbm>>)
        } else {
        }
        %dma_start3A_209 = arith.constant 0 : i32
        %dma_start3A_210 = arith.constant 0 : i32
        %dma_start3A_211 = tpu.memref_slice %arg11[%dma_start3A_209, %dma_start3A_210] : memref<10112x128xf32, #tpu.memory_space<vmem_shared>> -> memref<10112x128xf32, #tpu.memory_space<vmem_shared>>
        tpu.enqueue_indirect_dma source(%dma_start3A_211 : memref<10112x128xf32, #tpu.memory_space<vmem_shared>>) target(%arg9 : memref<128x128xf32, #tpu.memory_space<vmem>>) offsets(%arg6 : memref<128xi32, #tpu.memory_space<vmem>>) semaphore(%arg13 : memref<!tpu.dma_semaphore, #tpu.memory_space<semaphore_mem>>)
      } else {
      }
      %add3A_105 = arith.addi %mul3A_2, %add3A_97 : i32
      %mul3A_106 = arith.constant 128 : i32
      %mul3A_107 = arith.muli %add3A_105, %mul3A_106 : i32
      %dma_start3A_108 = arith.constant 0 : i32
      %dma_start3A_109 = arith.constant 0 : i32
      %dma_start3A_110 = tpu.memref_slice %arg4[%arg0, %dma_start3A_108, %dma_start3A_109] : memref<2x327680x128xf32, #tpu.memory_space<hbm>> -> memref<1x327680x128xf32, #tpu.memory_space<hbm>>
      %dma_start3A_111 = tpu.memref_squeeze %dma_start3A_110 : memref<1x327680x128xf32, #tpu.memory_space<hbm>> -> memref<327680x128xf32, #tpu.memory_space<hbm>>
      %dma_start3A_112 = arith.constant 0 : i32
      %dma_start3A_113 = tpu.memref_slice %dma_start3A_111[%mul3A_107, %dma_start3A_112] : memref<327680x128xf32, #tpu.memory_space<hbm>> -> memref<128x128xf32, #tpu.memory_space<hbm>>
      %dma_start3A_114 = arith.constant 0 : i32
      %dma_start3A_115 = arith.constant 0 : i32
      %dma_start3A_116 = tpu.memref_slice %arg4[%arg0, %dma_start3A_114, %dma_start3A_115] : memref<2x327680x128xf32, #tpu.memory_space<hbm>> -> memref<1x327680x128xf32, #tpu.memory_space<hbm>>
      %dma_start3A_117 = tpu.memref_squeeze %dma_start3A_116 : memref<1x327680x128xf32, #tpu.memory_space<hbm>> -> memref<327680x128xf32, #tpu.memory_space<hbm>>
      %dma_start3A_118 = arith.constant 0 : i32
      %dma_start3A_119 = tpu.memref_slice %dma_start3A_117[%mul3A_107, %dma_start3A_118] : memref<327680x128xf32, #tpu.memory_space<hbm>> -> memref<128x128xf32, #tpu.memory_space<hbm>>
      tpu.enqueue_dma source(%arg8 : memref<128x128xf32, #tpu.memory_space<vmem>>) target(%dma_start3A_119 : memref<128x128xf32, #tpu.memory_space<hbm>>) target_semaphore(%arg18 : memref<!tpu.dma_semaphore, #tpu.memory_space<semaphore_mem>>)
      %add3A_120 = arith.constant 3 : i32
      %add3A_121 = arith.addi %add3A_97, %add3A_120 : i32
      %lt3A_122 = arith.constant 160 : i32
      %lt3A_123 = arith.cmpi slt, %add3A_121, %lt3A_122 : i32
      %convert_element_type3A_124 = arith.extui %lt3A_123 : i1 to i32
      %cond3A_125 = arith.constant 0 : i32
      %cond3A_126 = arith.cmpi ne, %convert_element_type3A_124, %cond3A_125 : i32
      scf.if %cond3A_126 {
        %add3A_199 = arith.addi %mul3A_2, %add3A_97 : i32
        %add3A_200 = arith.constant 3 : i32
        %add3A_201 = arith.addi %add3A_199, %add3A_200 : i32
        %dma_start3A_202 = arith.constant 0 : i32
        %dma_start3A_203 = tpu.memref_slice %arg2[%add3A_201, %dma_start3A_202] : memref<2560x128xi32, #tpu.memory_space<hbm>> -> memref<1x128xi32, #tpu.memory_space<hbm>>
        %dma_start3A_204 = tpu.memref_squeeze %dma_start3A_203 : memref<1x128xi32, #tpu.memory_space<hbm>> -> memref<128xi32, #tpu.memory_space<hbm>>
        %dma_start3A_205 = arith.constant 0 : i32
        %dma_start3A_206 = tpu.memref_slice %arg2[%add3A_201, %dma_start3A_205] : memref<2560x128xi32, #tpu.memory_space<hbm>> -> memref<1x128xi32, #tpu.memory_space<hbm>>
        %dma_start3A_207 = tpu.memref_squeeze %dma_start3A_206 : memref<1x128xi32, #tpu.memory_space<hbm>> -> memref<128xi32, #tpu.memory_space<hbm>>
        tpu.enqueue_dma source(%dma_start3A_207 : memref<128xi32, #tpu.memory_space<hbm>>) target(%arg5 : memref<128xi32, #tpu.memory_space<vmem>>) target_semaphore(%arg15 : memref<!tpu.dma_semaphore, #tpu.memory_space<semaphore_mem>>)
      } else {
      }
      %mul3A_127 = arith.constant 3 : i32
      %mul3A_128 = arith.muli %scan3A_93, %mul3A_127 : i32
      %add3A_129 = arith.constant 1 : i32
      %add3A_130 = arith.addi %mul3A_128, %add3A_129 : i32
      %dma_wait3A_131 = arith.constant 0 : i32
      %dma_wait3A_132 = arith.constant 0 : i32
      %dma_wait3A_133 = tpu.memref_slice %arg11[%dma_wait3A_131, %dma_wait3A_132] : memref<10112x128xf32, #tpu.memory_space<vmem_shared>> -> memref<10112x128xf32, #tpu.memory_space<vmem_shared>>
      tpu.wait_indirect_dma semaphore(%arg13 : memref<!tpu.dma_semaphore, #tpu.memory_space<semaphore_mem>>) src(%dma_wait3A_133 : memref<10112x128xf32, #tpu.memory_space<vmem_shared>>) dst(%arg9 : memref<128x128xf32, #tpu.memory_space<vmem>>)
      %add3A_134 = arith.constant 1 : i32
      %add3A_135 = arith.addi %add3A_130, %add3A_134 : i32
      %lt3A_136 = arith.constant 160 : i32
      %lt3A_137 = arith.cmpi slt, %add3A_135, %lt3A_136 : i32
      %convert_element_type3A_138 = arith.extui %lt3A_137 : i1 to i32
      %cond3A_139 = arith.constant 0 : i32
      %cond3A_140 = arith.cmpi ne, %convert_element_type3A_138, %cond3A_139 : i32
      scf.if %cond3A_140 {
        %dma_wait3A_199 = arith.constant 0 : i32
        %dma_wait3A_200 = tpu.memref_slice %arg2[%mul3A_2, %dma_wait3A_199] : memref<2560x128xi32, #tpu.memory_space<hbm>> -> memref<1x128xi32, #tpu.memory_space<hbm>>
        %dma_wait3A_201 = tpu.memref_squeeze %dma_wait3A_200 : memref<1x128xi32, #tpu.memory_space<hbm>> -> memref<128xi32, #tpu.memory_space<hbm>>
        %dma_wait3A_202 = arith.constant 0 : i32
        %dma_wait3A_203 = tpu.memref_slice %arg2[%mul3A_2, %dma_wait3A_202] : memref<2560x128xi32, #tpu.memory_space<hbm>> -> memref<1x128xi32, #tpu.memory_space<hbm>>
        %dma_wait3A_204 = tpu.memref_squeeze %dma_wait3A_203 : memref<1x128xi32, #tpu.memory_space<hbm>> -> memref<128xi32, #tpu.memory_space<hbm>>
        tpu.wait_dma2 semaphore(%arg17 : memref<!tpu.dma_semaphore, #tpu.memory_space<semaphore_mem>>) src(%dma_wait3A_204 : memref<128xi32, #tpu.memory_space<hbm>>) dst(%arg7 : memref<128xi32, #tpu.memory_space<vmem>>)
        %ge3A = arith.constant 2 : i32
        %ge3A_205 = arith.cmpi sge, %add3A_130, %ge3A : i32
        %convert_element_type3A_206 = arith.extui %ge3A_205 : i1 to i32
        %cond3A_207 = arith.constant 0 : i32
        %cond3A_208 = arith.cmpi ne, %convert_element_type3A_206, %cond3A_207 : i32
        scf.if %cond3A_208 {
          %add3A_212 = arith.constant 0 : i32
          %add3A_213 = arith.addi %mul3A_2, %add3A_212 : i32
          %mul3A_214 = arith.constant 128 : i32
          %mul3A_215 = arith.muli %add3A_213, %mul3A_214 : i32
          %dma_wait3A_216 = arith.constant 0 : i32
          %dma_wait3A_217 = arith.constant 0 : i32
          %dma_wait3A_218 = tpu.memref_slice %arg4[%arg0, %dma_wait3A_216, %dma_wait3A_217] : memref<2x327680x128xf32, #tpu.memory_space<hbm>> -> memref<1x327680x128xf32, #tpu.memory_space<hbm>>
          %dma_wait3A_219 = tpu.memref_squeeze %dma_wait3A_218 : memref<1x327680x128xf32, #tpu.memory_space<hbm>> -> memref<327680x128xf32, #tpu.memory_space<hbm>>
          %dma_wait3A_220 = arith.constant 0 : i32
          %dma_wait3A_221 = tpu.memref_slice %dma_wait3A_219[%mul3A_215, %dma_wait3A_220] : memref<327680x128xf32, #tpu.memory_space<hbm>> -> memref<128x128xf32, #tpu.memory_space<hbm>>
          %dma_wait3A_222 = arith.constant 0 : i32
          %dma_wait3A_223 = arith.constant 0 : i32
          %dma_wait3A_224 = tpu.memref_slice %arg4[%arg0, %dma_wait3A_222, %dma_wait3A_223] : memref<2x327680x128xf32, #tpu.memory_space<hbm>> -> memref<1x327680x128xf32, #tpu.memory_space<hbm>>
          %dma_wait3A_225 = tpu.memref_squeeze %dma_wait3A_224 : memref<1x327680x128xf32, #tpu.memory_space<hbm>> -> memref<327680x128xf32, #tpu.memory_space<hbm>>
          %dma_wait3A_226 = arith.constant 0 : i32
          %dma_wait3A_227 = tpu.memref_slice %dma_wait3A_225[%mul3A_215, %dma_wait3A_226] : memref<327680x128xf32, #tpu.memory_space<hbm>> -> memref<128x128xf32, #tpu.memory_space<hbm>>
          tpu.wait_dma2 semaphore(%arg20 : memref<!tpu.dma_semaphore, #tpu.memory_space<semaphore_mem>>) src(%arg10 : memref<128x128xf32, #tpu.memory_space<vmem>>) dst(%dma_wait3A_227 : memref<128x128xf32, #tpu.memory_space<hbm>>)
        } else {
        }
        %dma_start3A_209 = arith.constant 0 : i32
        %dma_start3A_210 = arith.constant 0 : i32
        %dma_start3A_211 = tpu.memref_slice %arg11[%dma_start3A_209, %dma_start3A_210] : memref<10112x128xf32, #tpu.memory_space<vmem_shared>> -> memref<10112x128xf32, #tpu.memory_space<vmem_shared>>
        tpu.enqueue_indirect_dma source(%dma_start3A_211 : memref<10112x128xf32, #tpu.memory_space<vmem_shared>>) target(%arg10 : memref<128x128xf32, #tpu.memory_space<vmem>>) offsets(%arg7 : memref<128xi32, #tpu.memory_space<vmem>>) semaphore(%arg14 : memref<!tpu.dma_semaphore, #tpu.memory_space<semaphore_mem>>)
      } else {
      }
      %add3A_141 = arith.addi %mul3A_2, %add3A_130 : i32
      %mul3A_142 = arith.constant 128 : i32
      %mul3A_143 = arith.muli %add3A_141, %mul3A_142 : i32
      %dma_start3A_144 = arith.constant 0 : i32
      %dma_start3A_145 = arith.constant 0 : i32
      %dma_start3A_146 = tpu.memref_slice %arg4[%arg0, %dma_start3A_144, %dma_start3A_145] : memref<2x327680x128xf32, #tpu.memory_space<hbm>> -> memref<1x327680x128xf32, #tpu.memory_space<hbm>>
      %dma_start3A_147 = tpu.memref_squeeze %dma_start3A_146 : memref<1x327680x128xf32, #tpu.memory_space<hbm>> -> memref<327680x128xf32, #tpu.memory_space<hbm>>
      %dma_start3A_148 = arith.constant 0 : i32
      %dma_start3A_149 = tpu.memref_slice %dma_start3A_147[%mul3A_143, %dma_start3A_148] : memref<327680x128xf32, #tpu.memory_space<hbm>> -> memref<128x128xf32, #tpu.memory_space<hbm>>
      %dma_start3A_150 = arith.constant 0 : i32
      %dma_start3A_151 = arith.constant 0 : i32
      %dma_start3A_152 = tpu.memref_slice %arg4[%arg0, %dma_start3A_150, %dma_start3A_151] : memref<2x327680x128xf32, #tpu.memory_space<hbm>> -> memref<1x327680x128xf32, #tpu.memory_space<hbm>>
      %dma_start3A_153 = tpu.memref_squeeze %dma_start3A_152 : memref<1x327680x128xf32, #tpu.memory_space<hbm>> -> memref<327680x128xf32, #tpu.memory_space<hbm>>
      %dma_start3A_154 = arith.constant 0 : i32
      %dma_start3A_155 = tpu.memref_slice %dma_start3A_153[%mul3A_143, %dma_start3A_154] : memref<327680x128xf32, #tpu.memory_space<hbm>> -> memref<128x128xf32, #tpu.memory_space<hbm>>
      tpu.enqueue_dma source(%arg9 : memref<128x128xf32, #tpu.memory_space<vmem>>) target(%dma_start3A_155 : memref<128x128xf32, #tpu.memory_space<hbm>>) target_semaphore(%arg19 : memref<!tpu.dma_semaphore, #tpu.memory_space<semaphore_mem>>)
      %add3A_156 = arith.constant 3 : i32
      %add3A_157 = arith.addi %add3A_130, %add3A_156 : i32
      %lt3A_158 = arith.constant 160 : i32
      %lt3A_159 = arith.cmpi slt, %add3A_157, %lt3A_158 : i32
      %convert_element_type3A_160 = arith.extui %lt3A_159 : i1 to i32
      %cond3A_161 = arith.constant 0 : i32
      %cond3A_162 = arith.cmpi ne, %convert_element_type3A_160, %cond3A_161 : i32
      scf.if %cond3A_162 {
        %add3A_199 = arith.addi %mul3A_2, %add3A_130 : i32
        %add3A_200 = arith.constant 3 : i32
        %add3A_201 = arith.addi %add3A_199, %add3A_200 : i32
        %dma_start3A_202 = arith.constant 0 : i32
        %dma_start3A_203 = tpu.memref_slice %arg2[%add3A_201, %dma_start3A_202] : memref<2560x128xi32, #tpu.memory_space<hbm>> -> memref<1x128xi32, #tpu.memory_space<hbm>>
        %dma_start3A_204 = tpu.memref_squeeze %dma_start3A_203 : memref<1x128xi32, #tpu.memory_space<hbm>> -> memref<128xi32, #tpu.memory_space<hbm>>
        %dma_start3A_205 = arith.constant 0 : i32
        %dma_start3A_206 = tpu.memref_slice %arg2[%add3A_201, %dma_start3A_205] : memref<2560x128xi32, #tpu.memory_space<hbm>> -> memref<1x128xi32, #tpu.memory_space<hbm>>
        %dma_start3A_207 = tpu.memref_squeeze %dma_start3A_206 : memref<1x128xi32, #tpu.memory_space<hbm>> -> memref<128xi32, #tpu.memory_space<hbm>>
        tpu.enqueue_dma source(%dma_start3A_207 : memref<128xi32, #tpu.memory_space<hbm>>) target(%arg6 : memref<128xi32, #tpu.memory_space<vmem>>) target_semaphore(%arg16 : memref<!tpu.dma_semaphore, #tpu.memory_space<semaphore_mem>>)
      } else {
      }
      %mul3A_163 = arith.constant 3 : i32
      %mul3A_164 = arith.muli %scan3A_93, %mul3A_163 : i32
      %add3A_165 = arith.constant 2 : i32
      %add3A_166 = arith.addi %mul3A_164, %add3A_165 : i32
      %dma_wait3A_167 = arith.constant 0 : i32
      %dma_wait3A_168 = arith.constant 0 : i32
      %dma_wait3A_169 = tpu.memref_slice %arg11[%dma_wait3A_167, %dma_wait3A_168] : memref<10112x128xf32, #tpu.memory_space<vmem_shared>> -> memref<10112x128xf32, #tpu.memory_space<vmem_shared>>
      tpu.wait_indirect_dma semaphore(%arg14 : memref<!tpu.dma_semaphore, #tpu.memory_space<semaphore_mem>>) src(%dma_wait3A_169 : memref<10112x128xf32, #tpu.memory_space<vmem_shared>>) dst(%arg10 : memref<128x128xf32, #tpu.memory_space<vmem>>)
      %add3A_170 = arith.constant 1 : i32
      %add3A_171 = arith.addi %add3A_166, %add3A_170 : i32
      %lt3A_172 = arith.constant 160 : i32
      %lt3A_173 = arith.cmpi slt, %add3A_171, %lt3A_172 : i32
      %convert_element_type3A_174 = arith.extui %lt3A_173 : i1 to i32
      %cond3A_175 = arith.constant 0 : i32
      %cond3A_176 = arith.cmpi ne, %convert_element_type3A_174, %cond3A_175 : i32
      scf.if %cond3A_176 {
        %dma_wait3A_199 = arith.constant 0 : i32
        %dma_wait3A_200 = tpu.memref_slice %arg2[%mul3A_2, %dma_wait3A_199] : memref<2560x128xi32, #tpu.memory_space<hbm>> -> memref<1x128xi32, #tpu.memory_space<hbm>>
        %dma_wait3A_201 = tpu.memref_squeeze %dma_wait3A_200 : memref<1x128xi32, #tpu.memory_space<hbm>> -> memref<128xi32, #tpu.memory_space<hbm>>
        %dma_wait3A_202 = arith.constant 0 : i32
        %dma_wait3A_203 = tpu.memref_slice %arg2[%mul3A_2, %dma_wait3A_202] : memref<2560x128xi32, #tpu.memory_space<hbm>> -> memref<1x128xi32, #tpu.memory_space<hbm>>
        %dma_wait3A_204 = tpu.memref_squeeze %dma_wait3A_203 : memref<1x128xi32, #tpu.memory_space<hbm>> -> memref<128xi32, #tpu.memory_space<hbm>>
        tpu.wait_dma2 semaphore(%arg15 : memref<!tpu.dma_semaphore, #tpu.memory_space<semaphore_mem>>) src(%dma_wait3A_204 : memref<128xi32, #tpu.memory_space<hbm>>) dst(%arg5 : memref<128xi32, #tpu.memory_space<vmem>>)
        %ge3A = arith.constant 2 : i32
        %ge3A_205 = arith.cmpi sge, %add3A_166, %ge3A : i32
        %convert_element_type3A_206 = arith.extui %ge3A_205 : i1 to i32
        %cond3A_207 = arith.constant 0 : i32
        %cond3A_208 = arith.cmpi ne, %convert_element_type3A_206, %cond3A_207 : i32
        scf.if %cond3A_208 {
          %add3A_212 = arith.constant 0 : i32
          %add3A_213 = arith.addi %mul3A_2, %add3A_212 : i32
          %mul3A_214 = arith.constant 128 : i32
          %mul3A_215 = arith.muli %add3A_213, %mul3A_214 : i32
          %dma_wait3A_216 = arith.constant 0 : i32
          %dma_wait3A_217 = arith.constant 0 : i32
          %dma_wait3A_218 = tpu.memref_slice %arg4[%arg0, %dma_wait3A_216, %dma_wait3A_217] : memref<2x327680x128xf32, #tpu.memory_space<hbm>> -> memref<1x327680x128xf32, #tpu.memory_space<hbm>>
          %dma_wait3A_219 = tpu.memref_squeeze %dma_wait3A_218 : memref<1x327680x128xf32, #tpu.memory_space<hbm>> -> memref<327680x128xf32, #tpu.memory_space<hbm>>
          %dma_wait3A_220 = arith.constant 0 : i32
          %dma_wait3A_221 = tpu.memref_slice %dma_wait3A_219[%mul3A_215, %dma_wait3A_220] : memref<327680x128xf32, #tpu.memory_space<hbm>> -> memref<128x128xf32, #tpu.memory_space<hbm>>
          %dma_wait3A_222 = arith.constant 0 : i32
          %dma_wait3A_223 = arith.constant 0 : i32
          %dma_wait3A_224 = tpu.memref_slice %arg4[%arg0, %dma_wait3A_222, %dma_wait3A_223] : memref<2x327680x128xf32, #tpu.memory_space<hbm>> -> memref<1x327680x128xf32, #tpu.memory_space<hbm>>
          %dma_wait3A_225 = tpu.memref_squeeze %dma_wait3A_224 : memref<1x327680x128xf32, #tpu.memory_space<hbm>> -> memref<327680x128xf32, #tpu.memory_space<hbm>>
          %dma_wait3A_226 = arith.constant 0 : i32
          %dma_wait3A_227 = tpu.memref_slice %dma_wait3A_225[%mul3A_215, %dma_wait3A_226] : memref<327680x128xf32, #tpu.memory_space<hbm>> -> memref<128x128xf32, #tpu.memory_space<hbm>>
          tpu.wait_dma2 semaphore(%arg18 : memref<!tpu.dma_semaphore, #tpu.memory_space<semaphore_mem>>) src(%arg8 : memref<128x128xf32, #tpu.memory_space<vmem>>) dst(%dma_wait3A_227 : memref<128x128xf32, #tpu.memory_space<hbm>>)
        } else {
        }
        %dma_start3A_209 = arith.constant 0 : i32
        %dma_start3A_210 = arith.constant 0 : i32
        %dma_start3A_211 = tpu.memref_slice %arg11[%dma_start3A_209, %dma_start3A_210] : memref<10112x128xf32, #tpu.memory_space<vmem_shared>> -> memref<10112x128xf32, #tpu.memory_space<vmem_shared>>
        tpu.enqueue_indirect_dma source(%dma_start3A_211 : memref<10112x128xf32, #tpu.memory_space<vmem_shared>>) target(%arg8 : memref<128x128xf32, #tpu.memory_space<vmem>>) offsets(%arg5 : memref<128xi32, #tpu.memory_space<vmem>>) semaphore(%arg12 : memref<!tpu.dma_semaphore, #tpu.memory_space<semaphore_mem>>)
      } else {
      }
      %add3A_177 = arith.addi %mul3A_2, %add3A_166 : i32
      %mul3A_178 = arith.constant 128 : i32
      %mul3A_179 = arith.muli %add3A_177, %mul3A_178 : i32
      %dma_start3A_180 = arith.constant 0 : i32
      %dma_start3A_181 = arith.constant 0 : i32
      %dma_start3A_182 = tpu.memref_slice %arg4[%arg0, %dma_start3A_180, %dma_start3A_181] : memref<2x327680x128xf32, #tpu.memory_space<hbm>> -> memref<1x327680x128xf32, #tpu.memory_space<hbm>>
      %dma_start3A_183 = tpu.memref_squeeze %dma_start3A_182 : memref<1x327680x128xf32, #tpu.memory_space<hbm>> -> memref<327680x128xf32, #tpu.memory_space<hbm>>
      %dma_start3A_184 = arith.constant 0 : i32
      %dma_start3A_185 = tpu.memref_slice %dma_start3A_183[%mul3A_179, %dma_start3A_184] : memref<327680x128xf32, #tpu.memory_space<hbm>> -> memref<128x128xf32, #tpu.memory_space<hbm>>
      %dma_start3A_186 = arith.constant 0 : i32
      %dma_start3A_187 = arith.constant 0 : i32
      %dma_start3A_188 = tpu.memref_slice %arg4[%arg0, %dma_start3A_186, %dma_start3A_187] : memref<2x327680x128xf32, #tpu.memory_space<hbm>> -> memref<1x327680x128xf32, #tpu.memory_space<hbm>>
      %dma_start3A_189 = tpu.memref_squeeze %dma_start3A_188 : memref<1x327680x128xf32, #tpu.memory_space<hbm>> -> memref<327680x128xf32, #tpu.memory_space<hbm>>
      %dma_start3A_190 = arith.constant 0 : i32
      %dma_start3A_191 = tpu.memref_slice %dma_start3A_189[%mul3A_179, %dma_start3A_190] : memref<327680x128xf32, #tpu.memory_space<hbm>> -> memref<128x128xf32, #tpu.memory_space<hbm>>
      tpu.enqueue_dma source(%arg10 : memref<128x128xf32, #tpu.memory_space<vmem>>) target(%dma_start3A_191 : memref<128x128xf32, #tpu.memory_space<hbm>>) target_semaphore(%arg20 : memref<!tpu.dma_semaphore, #tpu.memory_space<semaphore_mem>>)
      %add3A_192 = arith.constant 3 : i32
      %add3A_193 = arith.addi %add3A_166, %add3A_192 : i32
      %lt3A_194 = arith.constant 160 : i32
      %lt3A_195 = arith.cmpi slt, %add3A_193, %lt3A_194 : i32
      %convert_element_type3A_196 = arith.extui %lt3A_195 : i1 to i32
      %cond3A_197 = arith.constant 0 : i32
      %cond3A_198 = arith.cmpi ne, %convert_element_type3A_196, %cond3A_197 : i32
      scf.if %cond3A_198 {
        %add3A_199 = arith.addi %mul3A_2, %add3A_166 : i32
        %add3A_200 = arith.constant 3 : i32
        %add3A_201 = arith.addi %add3A_199, %add3A_200 : i32
        %dma_start3A_202 = arith.constant 0 : i32
        %dma_start3A_203 = tpu.memref_slice %arg2[%add3A_201, %dma_start3A_202] : memref<2560x128xi32, #tpu.memory_space<hbm>> -> memref<1x128xi32, #tpu.memory_space<hbm>>
        %dma_start3A_204 = tpu.memref_squeeze %dma_start3A_203 : memref<1x128xi32, #tpu.memory_space<hbm>> -> memref<128xi32, #tpu.memory_space<hbm>>
        %dma_start3A_205 = arith.constant 0 : i32
        %dma_start3A_206 = tpu.memref_slice %arg2[%add3A_201, %dma_start3A_205] : memref<2560x128xi32, #tpu.memory_space<hbm>> -> memref<1x128xi32, #tpu.memory_space<hbm>>
        %dma_start3A_207 = tpu.memref_squeeze %dma_start3A_206 : memref<1x128xi32, #tpu.memory_space<hbm>> -> memref<128xi32, #tpu.memory_space<hbm>>
        tpu.enqueue_dma source(%dma_start3A_207 : memref<128xi32, #tpu.memory_space<hbm>>) target(%arg7 : memref<128xi32, #tpu.memory_space<vmem>>) target_semaphore(%arg17 : memref<!tpu.dma_semaphore, #tpu.memory_space<semaphore_mem>>)
      } else {
      }
    }
    %scan3A_26 = arith.constant 53 : i32
    %dma_wait3A = arith.constant 0 : i32
    %dma_wait3A_27 = arith.constant 0 : i32
    %dma_wait3A_28 = tpu.memref_slice %arg11[%dma_wait3A, %dma_wait3A_27] : memref<10112x128xf32, #tpu.memory_space<vmem_shared>> -> memref<10112x128xf32, #tpu.memory_space<vmem_shared>>
    tpu.wait_indirect_dma semaphore(%arg12 : memref<!tpu.dma_semaphore, #tpu.memory_space<semaphore_mem>>) src(%dma_wait3A_28 : memref<10112x128xf32, #tpu.memory_space<vmem_shared>>) dst(%arg8 : memref<128x128xf32, #tpu.memory_space<vmem>>)
    %add3A_29 = arith.constant 159 : i32
    %add3A_30 = arith.addi %mul3A_2, %add3A_29 : i32
    %mul3A_31 = arith.constant 128 : i32
    %mul3A_32 = arith.muli %add3A_30, %mul3A_31 : i32
    %dma_start3A_33 = arith.constant 0 : i32
    %dma_start3A_34 = arith.constant 0 : i32
    %dma_start3A_35 = tpu.memref_slice %arg4[%arg0, %dma_start3A_33, %dma_start3A_34] : memref<2x327680x128xf32, #tpu.memory_space<hbm>> -> memref<1x327680x128xf32, #tpu.memory_space<hbm>>
    %dma_start3A_36 = tpu.memref_squeeze %dma_start3A_35 : memref<1x327680x128xf32, #tpu.memory_space<hbm>> -> memref<327680x128xf32, #tpu.memory_space<hbm>>
    %dma_start3A_37 = arith.constant 0 : i32
    %dma_start3A_38 = tpu.memref_slice %dma_start3A_36[%mul3A_32, %dma_start3A_37] : memref<327680x128xf32, #tpu.memory_space<hbm>> -> memref<128x128xf32, #tpu.memory_space<hbm>>
    %dma_start3A_39 = arith.constant 0 : i32
    %dma_start3A_40 = arith.constant 0 : i32
    %dma_start3A_41 = tpu.memref_slice %arg4[%arg0, %dma_start3A_39, %dma_start3A_40] : memref<2x327680x128xf32, #tpu.memory_space<hbm>> -> memref<1x327680x128xf32, #tpu.memory_space<hbm>>
    %dma_start3A_42 = tpu.memref_squeeze %dma_start3A_41 : memref<1x327680x128xf32, #tpu.memory_space<hbm>> -> memref<327680x128xf32, #tpu.memory_space<hbm>>
    %dma_start3A_43 = arith.constant 0 : i32
    %dma_start3A_44 = tpu.memref_slice %dma_start3A_42[%mul3A_32, %dma_start3A_43] : memref<327680x128xf32, #tpu.memory_space<hbm>> -> memref<128x128xf32, #tpu.memory_space<hbm>>
    tpu.enqueue_dma source(%arg8 : memref<128x128xf32, #tpu.memory_space<vmem>>) target(%dma_start3A_44 : memref<128x128xf32, #tpu.memory_space<hbm>>) target_semaphore(%arg18 : memref<!tpu.dma_semaphore, #tpu.memory_space<semaphore_mem>>)
    %add3A_45 = arith.constant 0 : i32
    %add3A_46 = arith.addi %mul3A_2, %add3A_45 : i32
    %mul3A_47 = arith.constant 128 : i32
    %mul3A_48 = arith.muli %add3A_46, %mul3A_47 : i32
    %dma_wait3A_49 = arith.constant 0 : i32
    %dma_wait3A_50 = arith.constant 0 : i32
    %dma_wait3A_51 = tpu.memref_slice %arg4[%arg0, %dma_wait3A_49, %dma_wait3A_50] : memref<2x327680x128xf32, #tpu.memory_space<hbm>> -> memref<1x327680x128xf32, #tpu.memory_space<hbm>>
    %dma_wait3A_52 = tpu.memref_squeeze %dma_wait3A_51 : memref<1x327680x128xf32, #tpu.memory_space<hbm>> -> memref<327680x128xf32, #tpu.memory_space<hbm>>
    %dma_wait3A_53 = arith.constant 0 : i32
    %dma_wait3A_54 = tpu.memref_slice %dma_wait3A_52[%mul3A_48, %dma_wait3A_53] : memref<327680x128xf32, #tpu.memory_space<hbm>> -> memref<128x128xf32, #tpu.memory_space<hbm>>
    %dma_wait3A_55 = arith.constant 0 : i32
    %dma_wait3A_56 = arith.constant 0 : i32
    %dma_wait3A_57 = tpu.memref_slice %arg4[%arg0, %dma_wait3A_55, %dma_wait3A_56] : memref<2x327680x128xf32, #tpu.memory_space<hbm>> -> memref<1x327680x128xf32, #tpu.memory_space<hbm>>
    %dma_wait3A_58 = tpu.memref_squeeze %dma_wait3A_57 : memref<1x327680x128xf32, #tpu.memory_space<hbm>> -> memref<327680x128xf32, #tpu.memory_space<hbm>>
    %dma_wait3A_59 = arith.constant 0 : i32
    %dma_wait3A_60 = tpu.memref_slice %dma_wait3A_58[%mul3A_48, %dma_wait3A_59] : memref<327680x128xf32, #tpu.memory_space<hbm>> -> memref<128x128xf32, #tpu.memory_space<hbm>>
    tpu.wait_dma2 semaphore(%arg19 : memref<!tpu.dma_semaphore, #tpu.memory_space<semaphore_mem>>) src(%arg9 : memref<128x128xf32, #tpu.memory_space<vmem>>) dst(%dma_wait3A_60 : memref<128x128xf32, #tpu.memory_space<hbm>>)
    %add3A_61 = arith.constant 0 : i32
    %add3A_62 = arith.addi %mul3A_2, %add3A_61 : i32
    %mul3A_63 = arith.constant 128 : i32
    %mul3A_64 = arith.muli %add3A_62, %mul3A_63 : i32
    %dma_wait3A_65 = arith.constant 0 : i32
    %dma_wait3A_66 = arith.constant 0 : i32
    %dma_wait3A_67 = tpu.memref_slice %arg4[%arg0, %dma_wait3A_65, %dma_wait3A_66] : memref<2x327680x128xf32, #tpu.memory_space<hbm>> -> memref<1x327680x128xf32, #tpu.memory_space<hbm>>
    %dma_wait3A_68 = tpu.memref_squeeze %dma_wait3A_67 : memref<1x327680x128xf32, #tpu.memory_space<hbm>> -> memref<327680x128xf32, #tpu.memory_space<hbm>>
    %dma_wait3A_69 = arith.constant 0 : i32
    %dma_wait3A_70 = tpu.memref_slice %dma_wait3A_68[%mul3A_64, %dma_wait3A_69] : memref<327680x128xf32, #tpu.memory_space<hbm>> -> memref<128x128xf32, #tpu.memory_space<hbm>>
    %dma_wait3A_71 = arith.constant 0 : i32
    %dma_wait3A_72 = arith.constant 0 : i32
    %dma_wait3A_73 = tpu.memref_slice %arg4[%arg0, %dma_wait3A_71, %dma_wait3A_72] : memref<2x327680x128xf32, #tpu.memory_space<hbm>> -> memref<1x327680x128xf32, #tpu.memory_space<hbm>>
    %dma_wait3A_74 = tpu.memref_squeeze %dma_wait3A_73 : memref<1x327680x128xf32, #tpu.memory_space<hbm>> -> memref<327680x128xf32, #tpu.memory_space<hbm>>
    %dma_wait3A_75 = arith.constant 0 : i32
    %dma_wait3A_76 = tpu.memref_slice %dma_wait3A_74[%mul3A_64, %dma_wait3A_75] : memref<327680x128xf32, #tpu.memory_space<hbm>> -> memref<128x128xf32, #tpu.memory_space<hbm>>
    tpu.wait_dma2 semaphore(%arg20 : memref<!tpu.dma_semaphore, #tpu.memory_space<semaphore_mem>>) src(%arg10 : memref<128x128xf32, #tpu.memory_space<vmem>>) dst(%dma_wait3A_76 : memref<128x128xf32, #tpu.memory_space<hbm>>)
    %add3A_77 = arith.constant 0 : i32
    %add3A_78 = arith.addi %mul3A_2, %add3A_77 : i32
    %mul3A_79 = arith.constant 128 : i32
    %mul3A_80 = arith.muli %add3A_78, %mul3A_79 : i32
    %dma_wait3A_81 = arith.constant 0 : i32
    %dma_wait3A_82 = arith.constant 0 : i32
    %dma_wait3A_83 = tpu.memref_slice %arg4[%arg0, %dma_wait3A_81, %dma_wait3A_82] : memref<2x327680x128xf32, #tpu.memory_space<hbm>> -> memref<1x327680x128xf32, #tpu.memory_space<hbm>>
    %dma_wait3A_84 = tpu.memref_squeeze %dma_wait3A_83 : memref<1x327680x128xf32, #tpu.memory_space<hbm>> -> memref<327680x128xf32, #tpu.memory_space<hbm>>
    %dma_wait3A_85 = arith.constant 0 : i32
    %dma_wait3A_86 = tpu.memref_slice %dma_wait3A_84[%mul3A_80, %dma_wait3A_85] : memref<327680x128xf32, #tpu.memory_space<hbm>> -> memref<128x128xf32, #tpu.memory_space<hbm>>
    %dma_wait3A_87 = arith.constant 0 : i32
    %dma_wait3A_88 = arith.constant 0 : i32
    %dma_wait3A_89 = tpu.memref_slice %arg4[%arg0, %dma_wait3A_87, %dma_wait3A_88] : memref<2x327680x128xf32, #tpu.memory_space<hbm>> -> memref<1x327680x128xf32, #tpu.memory_space<hbm>>
    %dma_wait3A_90 = tpu.memref_squeeze %dma_wait3A_89 : memref<1x327680x128xf32, #tpu.memory_space<hbm>> -> memref<327680x128xf32, #tpu.memory_space<hbm>>
    %dma_wait3A_91 = arith.constant 0 : i32
    %dma_wait3A_92 = tpu.memref_slice %dma_wait3A_90[%mul3A_80, %dma_wait3A_91] : memref<327680x128xf32, #tpu.memory_space<hbm>> -> memref<128x128xf32, #tpu.memory_space<hbm>>
    tpu.wait_dma2 semaphore(%arg18 : memref<!tpu.dma_semaphore, #tpu.memory_space<semaphore_mem>>) src(%arg8 : memref<128x128xf32, #tpu.memory_space<vmem>>) dst(%dma_wait3A_92 : memref<128x128xf32, #tpu.memory_space<hbm>>)
    return
  }
}

#map = affine_map<(d0, d1) -> (0, 0)>
#map1 = affine_map<(d0, d1) -> (0, 0, 0)>
module attributes {stable_mosaic.version = 14 : i64} {
  func.func @_sca_body(%arg0: i32, %arg1: i32, %arg2: memref<2560x128xi32, #tpu.memory_space<hbm>>, %arg3: memref<2x327680x128xf32, #tpu.memory_space<hbm>>, %arg4: memref<10240x128xf32, #tpu.memory_space<hbm>>, %arg5: memref<2x10240x128xf32, #tpu.memory_space<hbm>>, %arg6: memref<128xi32, #tpu.memory_space<vmem>>, %arg7: memref<128xi32, #tpu.memory_space<vmem>>, %arg8: memref<128x128xf32, #tpu.memory_space<vmem>>, %arg9: memref<128x128xf32, #tpu.memory_space<vmem>>, %arg10: memref<10240x128xf32, #tpu.memory_space<vmem_shared>>, %arg11: memref<!tpu.dma_semaphore, #tpu.memory_space<semaphore_mem>>, %arg12: memref<!tpu.dma_semaphore, #tpu.memory_space<semaphore_mem>>, %arg13: memref<!tpu.dma_semaphore, #tpu.memory_space<semaphore_mem>>, %arg14: memref<!tpu.dma_semaphore, #tpu.memory_space<semaphore_mem>>) attributes {dimension_semantics = [#tpu.dimension_semantics<core_parallel>, #tpu.dimension_semantics<subcore_parallel>], iteration_bounds = array<i64: 2, 16>, scalar_prefetch = 0 : i64, scratch_operands = 9 : i64, tpu.core_type = #tpu.core_type<sc_vector_subcore>, window_params = [{transform_indices = #map}, {transform_indices = #map1}, {transform_indices = #map}, {transform_indices = #map1}]} {
    %mul3A = arith.constant 640 : i32
    %mul3A_0 = arith.muli %arg1, %mul3A : i32
    %mul3A_1 = arith.constant 160 : i32
    %mul3A_2 = arith.muli %arg1, %mul3A_1 : i32
    "tpu.region"() ({
      %run_scoped3A = tpu.sem_alloc : memref<!tpu.dma_semaphore, #tpu.memory_space<semaphore_mem>>
      %dma_start3A_31 = arith.constant 0 : i32
      %dma_start3A_32 = tpu.memref_slice %arg10[%mul3A_0, %dma_start3A_31] : memref<10240x128xf32, #tpu.memory_space<vmem_shared>> -> memref<640x128xf32, #tpu.memory_space<vmem_shared>>
      %dma_start3A_33 = arith.constant 0 : i32
      %dma_start3A_34 = tpu.memref_slice %arg4[%mul3A_0, %dma_start3A_33] : memref<10240x128xf32, #tpu.memory_space<hbm>> -> memref<640x128xf32, #tpu.memory_space<hbm>>
      tpu.enqueue_dma source(%dma_start3A_34 : memref<640x128xf32, #tpu.memory_space<hbm>>) target(%dma_start3A_32 : memref<640x128xf32, #tpu.memory_space<vmem_shared>>) target_semaphore(%run_scoped3A : memref<!tpu.dma_semaphore, #tpu.memory_space<semaphore_mem>>)
      %dma_wait3A = arith.constant 0 : i32
      %dma_wait3A_35 = tpu.memref_slice %arg10[%mul3A_0, %dma_wait3A] : memref<10240x128xf32, #tpu.memory_space<vmem_shared>> -> memref<640x128xf32, #tpu.memory_space<vmem_shared>>
      %dma_wait3A_36 = arith.constant 0 : i32
      %dma_wait3A_37 = tpu.memref_slice %arg4[%mul3A_0, %dma_wait3A_36] : memref<10240x128xf32, #tpu.memory_space<hbm>> -> memref<640x128xf32, #tpu.memory_space<hbm>>
      tpu.wait_dma2 semaphore(%run_scoped3A : memref<!tpu.dma_semaphore, #tpu.memory_space<semaphore_mem>>) src(%dma_wait3A_37 : memref<640x128xf32, #tpu.memory_space<hbm>>) dst(%dma_wait3A_35 : memref<640x128xf32, #tpu.memory_space<vmem_shared>>)
      tpu.yield
    }) : () -> ()
    %barrier3A = arith.constant 0 : index
    tpu.barrier barrier_id(%barrier3A)
    "tpu.region"() ({
      %run_scoped3A = tpu.sem_alloc : memref<!tpu.dma_semaphore, #tpu.memory_space<semaphore_mem>>
      %dma_start3A_31 = arith.constant 0 : i32
      %dma_start3A_32 = tpu.memref_slice %arg2[%mul3A_2, %dma_start3A_31] : memref<2560x128xi32, #tpu.memory_space<hbm>> -> memref<1x128xi32, #tpu.memory_space<hbm>>
      %dma_start3A_33 = tpu.memref_squeeze %dma_start3A_32 : memref<1x128xi32, #tpu.memory_space<hbm>> -> memref<128xi32, #tpu.memory_space<hbm>>
      %dma_start3A_34 = arith.constant 0 : i32
      %dma_start3A_35 = tpu.memref_slice %arg2[%mul3A_2, %dma_start3A_34] : memref<2560x128xi32, #tpu.memory_space<hbm>> -> memref<1x128xi32, #tpu.memory_space<hbm>>
      %dma_start3A_36 = tpu.memref_squeeze %dma_start3A_35 : memref<1x128xi32, #tpu.memory_space<hbm>> -> memref<128xi32, #tpu.memory_space<hbm>>
      tpu.enqueue_dma source(%dma_start3A_36 : memref<128xi32, #tpu.memory_space<hbm>>) target(%arg6 : memref<128xi32, #tpu.memory_space<vmem>>) target_semaphore(%run_scoped3A : memref<!tpu.dma_semaphore, #tpu.memory_space<semaphore_mem>>)
      %dma_wait3A = arith.constant 0 : i32
      %dma_wait3A_37 = tpu.memref_slice %arg2[%mul3A_2, %dma_wait3A] : memref<2560x128xi32, #tpu.memory_space<hbm>> -> memref<1x128xi32, #tpu.memory_space<hbm>>
      %dma_wait3A_38 = tpu.memref_squeeze %dma_wait3A_37 : memref<1x128xi32, #tpu.memory_space<hbm>> -> memref<128xi32, #tpu.memory_space<hbm>>
      %dma_wait3A_39 = arith.constant 0 : i32
      %dma_wait3A_40 = tpu.memref_slice %arg2[%mul3A_2, %dma_wait3A_39] : memref<2560x128xi32, #tpu.memory_space<hbm>> -> memref<1x128xi32, #tpu.memory_space<hbm>>
      %dma_wait3A_41 = tpu.memref_squeeze %dma_wait3A_40 : memref<1x128xi32, #tpu.memory_space<hbm>> -> memref<128xi32, #tpu.memory_space<hbm>>
      tpu.wait_dma2 semaphore(%run_scoped3A : memref<!tpu.dma_semaphore, #tpu.memory_space<semaphore_mem>>) src(%dma_wait3A_41 : memref<128xi32, #tpu.memory_space<hbm>>) dst(%arg6 : memref<128xi32, #tpu.memory_space<vmem>>)
      tpu.yield
    }) : () -> ()
    %add3A = arith.constant 1 : i32
    %add3A_3 = arith.addi %mul3A_2, %add3A : i32
    %dma_start3A = arith.constant 0 : i32
    %dma_start3A_4 = tpu.memref_slice %arg2[%add3A_3, %dma_start3A] : memref<2560x128xi32, #tpu.memory_space<hbm>> -> memref<1x128xi32, #tpu.memory_space<hbm>>
    %dma_start3A_5 = tpu.memref_squeeze %dma_start3A_4 : memref<1x128xi32, #tpu.memory_space<hbm>> -> memref<128xi32, #tpu.memory_space<hbm>>
    %dma_start3A_6 = arith.constant 0 : i32
    %dma_start3A_7 = tpu.memref_slice %arg2[%add3A_3, %dma_start3A_6] : memref<2560x128xi32, #tpu.memory_space<hbm>> -> memref<1x128xi32, #tpu.memory_space<hbm>>
    %dma_start3A_8 = tpu.memref_squeeze %dma_start3A_7 : memref<1x128xi32, #tpu.memory_space<hbm>> -> memref<128xi32, #tpu.memory_space<hbm>>
    tpu.enqueue_dma source(%dma_start3A_8 : memref<128xi32, #tpu.memory_space<hbm>>) target(%arg7 : memref<128xi32, #tpu.memory_space<vmem>>) target_semaphore(%arg14 : memref<!tpu.dma_semaphore, #tpu.memory_space<semaphore_mem>>)
    %add3A_9 = arith.constant 0 : i32
    %add3A_10 = arith.addi %mul3A_2, %add3A_9 : i32
    %mul3A_11 = arith.constant 128 : i32
    %mul3A_12 = arith.muli %add3A_10, %mul3A_11 : i32
    %dma_start3A_13 = arith.constant 0 : i32
    %dma_start3A_14 = arith.constant 0 : i32
    %dma_start3A_15 = tpu.memref_slice %arg3[%arg0, %dma_start3A_13, %dma_start3A_14] : memref<2x327680x128xf32, #tpu.memory_space<hbm>> -> memref<1x327680x128xf32, #tpu.memory_space<hbm>>
    %dma_start3A_16 = tpu.memref_squeeze %dma_start3A_15 : memref<1x327680x128xf32, #tpu.memory_space<hbm>> -> memref<327680x128xf32, #tpu.memory_space<hbm>>
    %dma_start3A_17 = arith.constant 0 : i32
    %dma_start3A_18 = tpu.memref_slice %dma_start3A_16[%mul3A_12, %dma_start3A_17] : memref<327680x128xf32, #tpu.memory_space<hbm>> -> memref<128x128xf32, #tpu.memory_space<hbm>>
    %dma_start3A_19 = arith.constant 0 : i32
    %dma_start3A_20 = arith.constant 0 : i32
    %dma_start3A_21 = tpu.memref_slice %arg3[%arg0, %dma_start3A_19, %dma_start3A_20] : memref<2x327680x128xf32, #tpu.memory_space<hbm>> -> memref<1x327680x128xf32, #tpu.memory_space<hbm>>
    %dma_start3A_22 = tpu.memref_squeeze %dma_start3A_21 : memref<1x327680x128xf32, #tpu.memory_space<hbm>> -> memref<327680x128xf32, #tpu.memory_space<hbm>>
    %dma_start3A_23 = arith.constant 0 : i32
    %dma_start3A_24 = tpu.memref_slice %dma_start3A_22[%mul3A_12, %dma_start3A_23] : memref<327680x128xf32, #tpu.memory_space<hbm>> -> memref<128x128xf32, #tpu.memory_space<hbm>>
    tpu.enqueue_dma source(%dma_start3A_24 : memref<128x128xf32, #tpu.memory_space<hbm>>) target(%arg8 : memref<128x128xf32, #tpu.memory_space<vmem>>) target_semaphore(%arg11 : memref<!tpu.dma_semaphore, #tpu.memory_space<semaphore_mem>>)
    %scan3A = arith.constant 0 : i32
    %scan3A_25 = arith.constant 0 : i32
    %scan3A_26 = arith.constant 80 : i32
    %scan3A_27 = arith.addi %scan3A_25, %scan3A_26 : i32
    %scan3A_28 = arith.constant 1 : i32
    scf.for %scan3A_31 = %scan3A_25 to %scan3A_27 step %scan3A_28  : i32 {
      %mul3A_32 = arith.constant 2 : i32
      %mul3A_33 = arith.muli %scan3A_31, %mul3A_32 : i32
      %add3A_34 = arith.constant 0 : i32
      %add3A_35 = arith.addi %mul3A_33, %add3A_34 : i32
      %add3A_36 = arith.addi %mul3A_2, %add3A_35 : i32
      %mul3A_37 = arith.constant 128 : i32
      %mul3A_38 = arith.muli %add3A_36, %mul3A_37 : i32
      %dma_wait3A = arith.constant 0 : i32
      %dma_wait3A_39 = arith.constant 0 : i32
      %dma_wait3A_40 = tpu.memref_slice %arg3[%arg0, %dma_wait3A, %dma_wait3A_39] : memref<2x327680x128xf32, #tpu.memory_space<hbm>> -> memref<1x327680x128xf32, #tpu.memory_space<hbm>>
      %dma_wait3A_41 = tpu.memref_squeeze %dma_wait3A_40 : memref<1x327680x128xf32, #tpu.memory_space<hbm>> -> memref<327680x128xf32, #tpu.memory_space<hbm>>
      %dma_wait3A_42 = arith.constant 0 : i32
      %dma_wait3A_43 = tpu.memref_slice %dma_wait3A_41[%mul3A_38, %dma_wait3A_42] : memref<327680x128xf32, #tpu.memory_space<hbm>> -> memref<128x128xf32, #tpu.memory_space<hbm>>
      %dma_wait3A_44 = arith.constant 0 : i32
      %dma_wait3A_45 = arith.constant 0 : i32
      %dma_wait3A_46 = tpu.memref_slice %arg3[%arg0, %dma_wait3A_44, %dma_wait3A_45] : memref<2x327680x128xf32, #tpu.memory_space<hbm>> -> memref<1x327680x128xf32, #tpu.memory_space<hbm>>
      %dma_wait3A_47 = tpu.memref_squeeze %dma_wait3A_46 : memref<1x327680x128xf32, #tpu.memory_space<hbm>> -> memref<327680x128xf32, #tpu.memory_space<hbm>>
      %dma_wait3A_48 = arith.constant 0 : i32
      %dma_wait3A_49 = tpu.memref_slice %dma_wait3A_47[%mul3A_38, %dma_wait3A_48] : memref<327680x128xf32, #tpu.memory_space<hbm>> -> memref<128x128xf32, #tpu.memory_space<hbm>>
      tpu.wait_dma2 semaphore(%arg11 : memref<!tpu.dma_semaphore, #tpu.memory_space<semaphore_mem>>) src(%dma_wait3A_49 : memref<128x128xf32, #tpu.memory_space<hbm>>) dst(%arg8 : memref<128x128xf32, #tpu.memory_space<vmem>>)
      %add3A_50 = arith.constant 1 : i32
      %add3A_51 = arith.addi %add3A_35, %add3A_50 : i32
      %lt3A = arith.constant 160 : i32
      %lt3A_52 = arith.cmpi slt, %add3A_51, %lt3A : i32
      %convert_element_type3A = arith.extui %lt3A_52 : i1 to i32
      %cond3A = arith.constant 0 : i32
      %cond3A_53 = arith.cmpi ne, %convert_element_type3A, %cond3A : i32
      scf.if %cond3A_53 {
        %add3A_103 = arith.constant 1 : i32
        %add3A_104 = arith.addi %add3A_35, %add3A_103 : i32
        %add3A_105 = arith.addi %mul3A_2, %add3A_104 : i32
        %mul3A_106 = arith.constant 128 : i32
        %mul3A_107 = arith.muli %add3A_105, %mul3A_106 : i32
        %dma_start3A_108 = arith.constant 0 : i32
        %dma_start3A_109 = arith.constant 0 : i32
        %dma_start3A_110 = tpu.memref_slice %arg3[%arg0, %dma_start3A_108, %dma_start3A_109] : memref<2x327680x128xf32, #tpu.memory_space<hbm>> -> memref<1x327680x128xf32, #tpu.memory_space<hbm>>
        %dma_start3A_111 = tpu.memref_squeeze %dma_start3A_110 : memref<1x327680x128xf32, #tpu.memory_space<hbm>> -> memref<327680x128xf32, #tpu.memory_space<hbm>>
        %dma_start3A_112 = arith.constant 0 : i32
        %dma_start3A_113 = tpu.memref_slice %dma_start3A_111[%mul3A_107, %dma_start3A_112] : memref<327680x128xf32, #tpu.memory_space<hbm>> -> memref<128x128xf32, #tpu.memory_space<hbm>>
        %dma_start3A_114 = arith.constant 0 : i32
        %dma_start3A_115 = arith.constant 0 : i32
        %dma_start3A_116 = tpu.memref_slice %arg3[%arg0, %dma_start3A_114, %dma_start3A_115] : memref<2x327680x128xf32, #tpu.memory_space<hbm>> -> memref<1x327680x128xf32, #tpu.memory_space<hbm>>
        %dma_start3A_117 = tpu.memref_squeeze %dma_start3A_116 : memref<1x327680x128xf32, #tpu.memory_space<hbm>> -> memref<327680x128xf32, #tpu.memory_space<hbm>>
        %dma_start3A_118 = arith.constant 0 : i32
        %dma_start3A_119 = tpu.memref_slice %dma_start3A_117[%mul3A_107, %dma_start3A_118] : memref<327680x128xf32, #tpu.memory_space<hbm>> -> memref<128x128xf32, #tpu.memory_space<hbm>>
        tpu.enqueue_dma source(%dma_start3A_119 : memref<128x128xf32, #tpu.memory_space<hbm>>) target(%arg9 : memref<128x128xf32, #tpu.memory_space<vmem>>) target_semaphore(%arg12 : memref<!tpu.dma_semaphore, #tpu.memory_space<semaphore_mem>>)
      } else {
      }
      %ge3A = arith.constant 1 : i32
      %ge3A_54 = arith.cmpi sge, %add3A_35, %ge3A : i32
      %convert_element_type3A_55 = arith.extui %ge3A_54 : i1 to i32
      %cond3A_56 = arith.constant 0 : i32
      %cond3A_57 = arith.cmpi ne, %convert_element_type3A_55, %cond3A_56 : i32
      scf.if %cond3A_57 {
        %dma_wait3A_103 = arith.constant 0 : i32
        %dma_wait3A_104 = tpu.memref_slice %arg2[%mul3A_2, %dma_wait3A_103] : memref<2560x128xi32, #tpu.memory_space<hbm>> -> memref<1x128xi32, #tpu.memory_space<hbm>>
        %dma_wait3A_105 = tpu.memref_squeeze %dma_wait3A_104 : memref<1x128xi32, #tpu.memory_space<hbm>> -> memref<128xi32, #tpu.memory_space<hbm>>
        %dma_wait3A_106 = arith.constant 0 : i32
        %dma_wait3A_107 = tpu.memref_slice %arg2[%mul3A_2, %dma_wait3A_106] : memref<2560x128xi32, #tpu.memory_space<hbm>> -> memref<1x128xi32, #tpu.memory_space<hbm>>
        %dma_wait3A_108 = tpu.memref_squeeze %dma_wait3A_107 : memref<1x128xi32, #tpu.memory_space<hbm>> -> memref<128xi32, #tpu.memory_space<hbm>>
        tpu.wait_dma2 semaphore(%arg13 : memref<!tpu.dma_semaphore, #tpu.memory_space<semaphore_mem>>) src(%dma_wait3A_108 : memref<128xi32, #tpu.memory_space<hbm>>) dst(%arg6 : memref<128xi32, #tpu.memory_space<vmem>>)
      } else {
      }
      "tpu.region"() ({
        %run_scoped3A = tpu.sem_alloc : memref<!tpu.dma_semaphore, #tpu.memory_space<semaphore_mem>>
        %dma_start3A_103 = arith.constant 0 : i32
        %dma_start3A_104 = arith.constant 0 : i32
        %dma_start3A_105 = tpu.memref_slice %arg10[%dma_start3A_103, %dma_start3A_104] : memref<10240x128xf32, #tpu.memory_space<vmem_shared>> -> memref<10240x128xf32, #tpu.memory_space<vmem_shared>>
        tpu.enqueue_indirect_dma source(%arg8 : memref<128x128xf32, #tpu.memory_space<vmem>>) target(%dma_start3A_105 : memref<10240x128xf32, #tpu.memory_space<vmem_shared>>) offsets(%arg6 : memref<128xi32, #tpu.memory_space<vmem>>) semaphore(%run_scoped3A : memref<!tpu.dma_semaphore, #tpu.memory_space<semaphore_mem>>) {add = true}
        %dma_wait3A_106 = arith.constant 0 : i32
        %dma_wait3A_107 = arith.constant 0 : i32
        %dma_wait3A_108 = tpu.memref_slice %arg10[%dma_wait3A_106, %dma_wait3A_107] : memref<10240x128xf32, #tpu.memory_space<vmem_shared>> -> memref<10240x128xf32, #tpu.memory_space<vmem_shared>>
        tpu.wait_indirect_dma semaphore(%run_scoped3A : memref<!tpu.dma_semaphore, #tpu.memory_space<semaphore_mem>>) src(%arg8 : memref<128x128xf32, #tpu.memory_space<vmem>>) dst(%dma_wait3A_108 : memref<10240x128xf32, #tpu.memory_space<vmem_shared>>)
        tpu.yield
      }) : () -> ()
      %add3A_58 = arith.constant 2 : i32
      %add3A_59 = arith.addi %add3A_35, %add3A_58 : i32
      %lt3A_60 = arith.constant 160 : i32
      %lt3A_61 = arith.cmpi slt, %add3A_59, %lt3A_60 : i32
      %convert_element_type3A_62 = arith.extui %lt3A_61 : i1 to i32
      %cond3A_63 = arith.constant 0 : i32
      %cond3A_64 = arith.cmpi ne, %convert_element_type3A_62, %cond3A_63 : i32
      scf.if %cond3A_64 {
        %add3A_103 = arith.addi %mul3A_2, %add3A_35 : i32
        %add3A_104 = arith.constant 2 : i32
        %add3A_105 = arith.addi %add3A_103, %add3A_104 : i32
        %dma_start3A_106 = arith.constant 0 : i32
        %dma_start3A_107 = tpu.memref_slice %arg2[%add3A_105, %dma_start3A_106] : memref<2560x128xi32, #tpu.memory_space<hbm>> -> memref<1x128xi32, #tpu.memory_space<hbm>>
        %dma_start3A_108 = tpu.memref_squeeze %dma_start3A_107 : memref<1x128xi32, #tpu.memory_space<hbm>> -> memref<128xi32, #tpu.memory_space<hbm>>
        %dma_start3A_109 = arith.constant 0 : i32
        %dma_start3A_110 = tpu.memref_slice %arg2[%add3A_105, %dma_start3A_109] : memref<2560x128xi32, #tpu.memory_space<hbm>> -> memref<1x128xi32, #tpu.memory_space<hbm>>
        %dma_start3A_111 = tpu.memref_squeeze %dma_start3A_110 : memref<1x128xi32, #tpu.memory_space<hbm>> -> memref<128xi32, #tpu.memory_space<hbm>>
        tpu.enqueue_dma source(%dma_start3A_111 : memref<128xi32, #tpu.memory_space<hbm>>) target(%arg6 : memref<128xi32, #tpu.memory_space<vmem>>) target_semaphore(%arg13 : memref<!tpu.dma_semaphore, #tpu.memory_space<semaphore_mem>>)
      } else {
      }
      %mul3A_65 = arith.constant 2 : i32
      %mul3A_66 = arith.muli %scan3A_31, %mul3A_65 : i32
      %add3A_67 = arith.constant 1 : i32
      %add3A_68 = arith.addi %mul3A_66, %add3A_67 : i32
      %add3A_69 = arith.addi %mul3A_2, %add3A_68 : i32
      %mul3A_70 = arith.constant 128 : i32
      %mul3A_71 = arith.muli %add3A_69, %mul3A_70 : i32
      %dma_wait3A_72 = arith.constant 0 : i32
      %dma_wait3A_73 = arith.constant 0 : i32
      %dma_wait3A_74 = tpu.memref_slice %arg3[%arg0, %dma_wait3A_72, %dma_wait3A_73] : memref<2x327680x128xf32, #tpu.memory_space<hbm>> -> memref<1x327680x128xf32, #tpu.memory_space<hbm>>
      %dma_wait3A_75 = tpu.memref_squeeze %dma_wait3A_74 : memref<1x327680x128xf32, #tpu.memory_space<hbm>> -> memref<327680x128xf32, #tpu.memory_space<hbm>>
      %dma_wait3A_76 = arith.constant 0 : i32
      %dma_wait3A_77 = tpu.memref_slice %dma_wait3A_75[%mul3A_71, %dma_wait3A_76] : memref<327680x128xf32, #tpu.memory_space<hbm>> -> memref<128x128xf32, #tpu.memory_space<hbm>>
      %dma_wait3A_78 = arith.constant 0 : i32
      %dma_wait3A_79 = arith.constant 0 : i32
      %dma_wait3A_80 = tpu.memref_slice %arg3[%arg0, %dma_wait3A_78, %dma_wait3A_79] : memref<2x327680x128xf32, #tpu.memory_space<hbm>> -> memref<1x327680x128xf32, #tpu.memory_space<hbm>>
      %dma_wait3A_81 = tpu.memref_squeeze %dma_wait3A_80 : memref<1x327680x128xf32, #tpu.memory_space<hbm>> -> memref<327680x128xf32, #tpu.memory_space<hbm>>
      %dma_wait3A_82 = arith.constant 0 : i32
      %dma_wait3A_83 = tpu.memref_slice %dma_wait3A_81[%mul3A_71, %dma_wait3A_82] : memref<327680x128xf32, #tpu.memory_space<hbm>> -> memref<128x128xf32, #tpu.memory_space<hbm>>
      tpu.wait_dma2 semaphore(%arg12 : memref<!tpu.dma_semaphore, #tpu.memory_space<semaphore_mem>>) src(%dma_wait3A_83 : memref<128x128xf32, #tpu.memory_space<hbm>>) dst(%arg9 : memref<128x128xf32, #tpu.memory_space<vmem>>)
      %add3A_84 = arith.constant 1 : i32
      %add3A_85 = arith.addi %add3A_68, %add3A_84 : i32
      %lt3A_86 = arith.constant 160 : i32
      %lt3A_87 = arith.cmpi slt, %add3A_85, %lt3A_86 : i32
      %convert_element_type3A_88 = arith.extui %lt3A_87 : i1 to i32
      %cond3A_89 = arith.constant 0 : i32
      %cond3A_90 = arith.cmpi ne, %convert_element_type3A_88, %cond3A_89 : i32
      scf.if %cond3A_90 {
        %add3A_103 = arith.constant 1 : i32
        %add3A_104 = arith.addi %add3A_68, %add3A_103 : i32
        %add3A_105 = arith.addi %mul3A_2, %add3A_104 : i32
        %mul3A_106 = arith.constant 128 : i32
        %mul3A_107 = arith.muli %add3A_105, %mul3A_106 : i32
        %dma_start3A_108 = arith.constant 0 : i32
        %dma_start3A_109 = arith.constant 0 : i32
        %dma_start3A_110 = tpu.memref_slice %arg3[%arg0, %dma_start3A_108, %dma_start3A_109] : memref<2x327680x128xf32, #tpu.memory_space<hbm>> -> memref<1x327680x128xf32, #tpu.memory_space<hbm>>
        %dma_start3A_111 = tpu.memref_squeeze %dma_start3A_110 : memref<1x327680x128xf32, #tpu.memory_space<hbm>> -> memref<327680x128xf32, #tpu.memory_space<hbm>>
        %dma_start3A_112 = arith.constant 0 : i32
        %dma_start3A_113 = tpu.memref_slice %dma_start3A_111[%mul3A_107, %dma_start3A_112] : memref<327680x128xf32, #tpu.memory_space<hbm>> -> memref<128x128xf32, #tpu.memory_space<hbm>>
        %dma_start3A_114 = arith.constant 0 : i32
        %dma_start3A_115 = arith.constant 0 : i32
        %dma_start3A_116 = tpu.memref_slice %arg3[%arg0, %dma_start3A_114, %dma_start3A_115] : memref<2x327680x128xf32, #tpu.memory_space<hbm>> -> memref<1x327680x128xf32, #tpu.memory_space<hbm>>
        %dma_start3A_117 = tpu.memref_squeeze %dma_start3A_116 : memref<1x327680x128xf32, #tpu.memory_space<hbm>> -> memref<327680x128xf32, #tpu.memory_space<hbm>>
        %dma_start3A_118 = arith.constant 0 : i32
        %dma_start3A_119 = tpu.memref_slice %dma_start3A_117[%mul3A_107, %dma_start3A_118] : memref<327680x128xf32, #tpu.memory_space<hbm>> -> memref<128x128xf32, #tpu.memory_space<hbm>>
        tpu.enqueue_dma source(%dma_start3A_119 : memref<128x128xf32, #tpu.memory_space<hbm>>) target(%arg8 : memref<128x128xf32, #tpu.memory_space<vmem>>) target_semaphore(%arg11 : memref<!tpu.dma_semaphore, #tpu.memory_space<semaphore_mem>>)
      } else {
      }
      %ge3A_91 = arith.constant 1 : i32
      %ge3A_92 = arith.cmpi sge, %add3A_68, %ge3A_91 : i32
      %convert_element_type3A_93 = arith.extui %ge3A_92 : i1 to i32
      %cond3A_94 = arith.constant 0 : i32
      %cond3A_95 = arith.cmpi ne, %convert_element_type3A_93, %cond3A_94 : i32
      scf.if %cond3A_95 {
        %dma_wait3A_103 = arith.constant 0 : i32
        %dma_wait3A_104 = tpu.memref_slice %arg2[%mul3A_2, %dma_wait3A_103] : memref<2560x128xi32, #tpu.memory_space<hbm>> -> memref<1x128xi32, #tpu.memory_space<hbm>>
        %dma_wait3A_105 = tpu.memref_squeeze %dma_wait3A_104 : memref<1x128xi32, #tpu.memory_space<hbm>> -> memref<128xi32, #tpu.memory_space<hbm>>
        %dma_wait3A_106 = arith.constant 0 : i32
        %dma_wait3A_107 = tpu.memref_slice %arg2[%mul3A_2, %dma_wait3A_106] : memref<2560x128xi32, #tpu.memory_space<hbm>> -> memref<1x128xi32, #tpu.memory_space<hbm>>
        %dma_wait3A_108 = tpu.memref_squeeze %dma_wait3A_107 : memref<1x128xi32, #tpu.memory_space<hbm>> -> memref<128xi32, #tpu.memory_space<hbm>>
        tpu.wait_dma2 semaphore(%arg14 : memref<!tpu.dma_semaphore, #tpu.memory_space<semaphore_mem>>) src(%dma_wait3A_108 : memref<128xi32, #tpu.memory_space<hbm>>) dst(%arg7 : memref<128xi32, #tpu.memory_space<vmem>>)
      } else {
      }
      "tpu.region"() ({
        %run_scoped3A = tpu.sem_alloc : memref<!tpu.dma_semaphore, #tpu.memory_space<semaphore_mem>>
        %dma_start3A_103 = arith.constant 0 : i32
        %dma_start3A_104 = arith.constant 0 : i32
        %dma_start3A_105 = tpu.memref_slice %arg10[%dma_start3A_103, %dma_start3A_104] : memref<10240x128xf32, #tpu.memory_space<vmem_shared>> -> memref<10240x128xf32, #tpu.memory_space<vmem_shared>>
        tpu.enqueue_indirect_dma source(%arg9 : memref<128x128xf32, #tpu.memory_space<vmem>>) target(%dma_start3A_105 : memref<10240x128xf32, #tpu.memory_space<vmem_shared>>) offsets(%arg7 : memref<128xi32, #tpu.memory_space<vmem>>) semaphore(%run_scoped3A : memref<!tpu.dma_semaphore, #tpu.memory_space<semaphore_mem>>) {add = true}
        %dma_wait3A_106 = arith.constant 0 : i32
        %dma_wait3A_107 = arith.constant 0 : i32
        %dma_wait3A_108 = tpu.memref_slice %arg10[%dma_wait3A_106, %dma_wait3A_107] : memref<10240x128xf32, #tpu.memory_space<vmem_shared>> -> memref<10240x128xf32, #tpu.memory_space<vmem_shared>>
        tpu.wait_indirect_dma semaphore(%run_scoped3A : memref<!tpu.dma_semaphore, #tpu.memory_space<semaphore_mem>>) src(%arg9 : memref<128x128xf32, #tpu.memory_space<vmem>>) dst(%dma_wait3A_108 : memref<10240x128xf32, #tpu.memory_space<vmem_shared>>)
        tpu.yield
      }) : () -> ()
      %add3A_96 = arith.constant 2 : i32
      %add3A_97 = arith.addi %add3A_68, %add3A_96 : i32
      %lt3A_98 = arith.constant 160 : i32
      %lt3A_99 = arith.cmpi slt, %add3A_97, %lt3A_98 : i32
      %convert_element_type3A_100 = arith.extui %lt3A_99 : i1 to i32
      %cond3A_101 = arith.constant 0 : i32
      %cond3A_102 = arith.cmpi ne, %convert_element_type3A_100, %cond3A_101 : i32
      scf.if %cond3A_102 {
        %add3A_103 = arith.addi %mul3A_2, %add3A_68 : i32
        %add3A_104 = arith.constant 2 : i32
        %add3A_105 = arith.addi %add3A_103, %add3A_104 : i32
        %dma_start3A_106 = arith.constant 0 : i32
        %dma_start3A_107 = tpu.memref_slice %arg2[%add3A_105, %dma_start3A_106] : memref<2560x128xi32, #tpu.memory_space<hbm>> -> memref<1x128xi32, #tpu.memory_space<hbm>>
        %dma_start3A_108 = tpu.memref_squeeze %dma_start3A_107 : memref<1x128xi32, #tpu.memory_space<hbm>> -> memref<128xi32, #tpu.memory_space<hbm>>
        %dma_start3A_109 = arith.constant 0 : i32
        %dma_start3A_110 = tpu.memref_slice %arg2[%add3A_105, %dma_start3A_109] : memref<2560x128xi32, #tpu.memory_space<hbm>> -> memref<1x128xi32, #tpu.memory_space<hbm>>
        %dma_start3A_111 = tpu.memref_squeeze %dma_start3A_110 : memref<1x128xi32, #tpu.memory_space<hbm>> -> memref<128xi32, #tpu.memory_space<hbm>>
        tpu.enqueue_dma source(%dma_start3A_111 : memref<128xi32, #tpu.memory_space<hbm>>) target(%arg7 : memref<128xi32, #tpu.memory_space<vmem>>) target_semaphore(%arg14 : memref<!tpu.dma_semaphore, #tpu.memory_space<semaphore_mem>>)
      } else {
      }
    }
    %scan3A_29 = arith.constant 80 : i32
    %barrier3A_30 = arith.constant 0 : index
    tpu.barrier barrier_id(%barrier3A_30)
    "tpu.region"() ({
      %run_scoped3A = tpu.sem_alloc : memref<!tpu.dma_semaphore, #tpu.memory_space<semaphore_mem>>
      %dma_start3A_31 = arith.constant 0 : i32
      %dma_start3A_32 = arith.constant 0 : i32
      %dma_start3A_33 = tpu.memref_slice %arg5[%arg0, %dma_start3A_31, %dma_start3A_32] : memref<2x10240x128xf32, #tpu.memory_space<hbm>> -> memref<1x10240x128xf32, #tpu.memory_space<hbm>>
      %dma_start3A_34 = tpu.memref_squeeze %dma_start3A_33 : memref<1x10240x128xf32, #tpu.memory_space<hbm>> -> memref<10240x128xf32, #tpu.memory_space<hbm>>
      %dma_start3A_35 = arith.constant 0 : i32
      %dma_start3A_36 = tpu.memref_slice %dma_start3A_34[%mul3A_0, %dma_start3A_35] : memref<10240x128xf32, #tpu.memory_space<hbm>> -> memref<640x128xf32, #tpu.memory_space<hbm>>
      %dma_start3A_37 = arith.constant 0 : i32
      %dma_start3A_38 = tpu.memref_slice %arg10[%mul3A_0, %dma_start3A_37] : memref<10240x128xf32, #tpu.memory_space<vmem_shared>> -> memref<640x128xf32, #tpu.memory_space<vmem_shared>>
      tpu.enqueue_dma source(%dma_start3A_38 : memref<640x128xf32, #tpu.memory_space<vmem_shared>>) target(%dma_start3A_36 : memref<640x128xf32, #tpu.memory_space<hbm>>) target_semaphore(%run_scoped3A : memref<!tpu.dma_semaphore, #tpu.memory_space<semaphore_mem>>)
      %dma_wait3A = arith.constant 0 : i32
      %dma_wait3A_39 = arith.constant 0 : i32
      %dma_wait3A_40 = tpu.memref_slice %arg5[%arg0, %dma_wait3A, %dma_wait3A_39] : memref<2x10240x128xf32, #tpu.memory_space<hbm>> -> memref<1x10240x128xf32, #tpu.memory_space<hbm>>
      %dma_wait3A_41 = tpu.memref_squeeze %dma_wait3A_40 : memref<1x10240x128xf32, #tpu.memory_space<hbm>> -> memref<10240x128xf32, #tpu.memory_space<hbm>>
      %dma_wait3A_42 = arith.constant 0 : i32
      %dma_wait3A_43 = tpu.memref_slice %dma_wait3A_41[%mul3A_0, %dma_wait3A_42] : memref<10240x128xf32, #tpu.memory_space<hbm>> -> memref<640x128xf32, #tpu.memory_space<hbm>>
      %dma_wait3A_44 = arith.constant 0 : i32
      %dma_wait3A_45 = tpu.memref_slice %arg10[%mul3A_0, %dma_wait3A_44] : memref<10240x128xf32, #tpu.memory_space<vmem_shared>> -> memref<640x128xf32, #tpu.memory_space<vmem_shared>>
      tpu.wait_dma2 semaphore(%run_scoped3A : memref<!tpu.dma_semaphore, #tpu.memory_space<semaphore_mem>>) src(%dma_wait3A_45 : memref<640x128xf32, #tpu.memory_space<vmem_shared>>) dst(%dma_wait3A_43 : memref<640x128xf32, #tpu.memory_space<hbm>>)
      tpu.yield
    }) : () -> ()
    return
  }
}

#map = affine_map<(d0, d1) -> (0, 0)>
#map1 = affine_map<(d0, d1) -> (0)>
module attributes {stable_mosaic.version = 14 : i64} {
  func.func @_deg_body(%arg0: i32, %arg1: i32, %arg2: memref<2560x128xi32, #tpu.memory_space<hbm>>, %arg3: memref<10240xf32, #tpu.memory_space<hbm>>, %arg4: memref<2x10240xf32, #tpu.memory_space<hbm>>, %arg5: memref<80x128xi32, #tpu.memory_space<vmem>>, %arg6: memref<128xf32, #tpu.memory_space<vmem>>, %arg7: memref<10240xf32, #tpu.memory_space<vmem_shared>>, %arg8: memref<!tpu.dma_semaphore, #tpu.memory_space<semaphore_mem>>) attributes {dimension_semantics = [#tpu.dimension_semantics<core_parallel>, #tpu.dimension_semantics<subcore_parallel>], iteration_bounds = array<i64: 2, 16>, scalar_prefetch = 0 : i64, scratch_operands = 4 : i64, tpu.core_type = #tpu.core_type<sc_vector_subcore>, window_params = [{transform_indices = #map}, {transform_indices = #map1}, {transform_indices = #map}]} {
    %mul3A = arith.constant 640 : i32
    %mul3A_0 = arith.muli %arg1, %mul3A : i32
    "tpu.region"() ({
      %run_scoped3A = tpu.sem_alloc : memref<!tpu.dma_semaphore, #tpu.memory_space<semaphore_mem>>
      %dma_start3A = tpu.memref_slice %arg7[%mul3A_0] : memref<10240xf32, #tpu.memory_space<vmem_shared>> -> memref<640xf32, #tpu.memory_space<vmem_shared>>
      %dma_start3A_57 = tpu.memref_slice %arg3[%mul3A_0] : memref<10240xf32, #tpu.memory_space<hbm>> -> memref<640xf32, #tpu.memory_space<hbm>>
      tpu.enqueue_dma source(%dma_start3A_57 : memref<640xf32, #tpu.memory_space<hbm>>) target(%dma_start3A : memref<640xf32, #tpu.memory_space<vmem_shared>>) target_semaphore(%run_scoped3A : memref<!tpu.dma_semaphore, #tpu.memory_space<semaphore_mem>>)
      %dma_wait3A = tpu.memref_slice %arg7[%mul3A_0] : memref<10240xf32, #tpu.memory_space<vmem_shared>> -> memref<640xf32, #tpu.memory_space<vmem_shared>>
      %dma_wait3A_58 = tpu.memref_slice %arg3[%mul3A_0] : memref<10240xf32, #tpu.memory_space<hbm>> -> memref<640xf32, #tpu.memory_space<hbm>>
      tpu.wait_dma2 semaphore(%run_scoped3A : memref<!tpu.dma_semaphore, #tpu.memory_space<semaphore_mem>>) src(%dma_wait3A_58 : memref<640xf32, #tpu.memory_space<hbm>>) dst(%dma_wait3A : memref<640xf32, #tpu.memory_space<vmem_shared>>)
      tpu.yield
    }) : () -> ()
    %broadcast_in_dim3A = arith.constant 1.000000e+00 : f32
    %broadcast_in_dim3A_1 = vector.broadcast %broadcast_in_dim3A : f32 to vector<16xf32>
    %swap3A = arith.constant 0 : index
    %swap3A_2 = tpu.vector_load %arg6[%swap3A] {strides = array<i32>} : memref<128xf32, #tpu.memory_space<vmem>>, vector<16xf32>,
    %swap3A_3 = vector.shape_cast %swap3A_2 : vector<16xf32> to vector<16xf32>
    %swap3A_4 = vector.shape_cast %broadcast_in_dim3A_1 : vector<16xf32> to vector<16xf32>
    tpu.vector_store %arg6[%swap3A], %swap3A_4 {strides = array<i32>} : memref<128xf32, #tpu.memory_space<vmem>>, vector<16xf32>,
    %broadcast_in_dim3A_5 = arith.constant 1.000000e+00 : f32
    %broadcast_in_dim3A_6 = vector.broadcast %broadcast_in_dim3A_5 : f32 to vector<16xf32>
    %swap3A_7 = arith.constant 16 : index
    %swap3A_8 = tpu.vector_load %arg6[%swap3A_7] {strides = array<i32>} : memref<128xf32, #tpu.memory_space<vmem>>, vector<16xf32>,
    %swap3A_9 = vector.shape_cast %swap3A_8 : vector<16xf32> to vector<16xf32>
    %swap3A_10 = vector.shape_cast %broadcast_in_dim3A_6 : vector<16xf32> to vector<16xf32>
    tpu.vector_store %arg6[%swap3A_7], %swap3A_10 {strides = array<i32>} : memref<128xf32, #tpu.memory_space<vmem>>, vector<16xf32>,
    %broadcast_in_dim3A_11 = arith.constant 1.000000e+00 : f32
    %broadcast_in_dim3A_12 = vector.broadcast %broadcast_in_dim3A_11 : f32 to vector<16xf32>
    %swap3A_13 = arith.constant 32 : index
    %swap3A_14 = tpu.vector_load %arg6[%swap3A_13] {strides = array<i32>} : memref<128xf32, #tpu.memory_space<vmem>>, vector<16xf32>,
    %swap3A_15 = vector.shape_cast %swap3A_14 : vector<16xf32> to vector<16xf32>
    %swap3A_16 = vector.shape_cast %broadcast_in_dim3A_12 : vector<16xf32> to vector<16xf32>
    tpu.vector_store %arg6[%swap3A_13], %swap3A_16 {strides = array<i32>} : memref<128xf32, #tpu.memory_space<vmem>>, vector<16xf32>,
    %broadcast_in_dim3A_17 = arith.constant 1.000000e+00 : f32
    %broadcast_in_dim3A_18 = vector.broadcast %broadcast_in_dim3A_17 : f32 to vector<16xf32>
    %swap3A_19 = arith.constant 48 : index
    %swap3A_20 = tpu.vector_load %arg6[%swap3A_19] {strides = array<i32>} : memref<128xf32, #tpu.memory_space<vmem>>, vector<16xf32>,
    %swap3A_21 = vector.shape_cast %swap3A_20 : vector<16xf32> to vector<16xf32>
    %swap3A_22 = vector.shape_cast %broadcast_in_dim3A_18 : vector<16xf32> to vector<16xf32>
    tpu.vector_store %arg6[%swap3A_19], %swap3A_22 {strides = array<i32>} : memref<128xf32, #tpu.memory_space<vmem>>, vector<16xf32>,
    %broadcast_in_dim3A_23 = arith.constant 1.000000e+00 : f32
    %broadcast_in_dim3A_24 = vector.broadcast %broadcast_in_dim3A_23 : f32 to vector<16xf32>
    %swap3A_25 = arith.constant 64 : index
    %swap3A_26 = tpu.vector_load %arg6[%swap3A_25] {strides = array<i32>} : memref<128xf32, #tpu.memory_space<vmem>>, vector<16xf32>,
    %swap3A_27 = vector.shape_cast %swap3A_26 : vector<16xf32> to vector<16xf32>
    %swap3A_28 = vector.shape_cast %broadcast_in_dim3A_24 : vector<16xf32> to vector<16xf32>
    tpu.vector_store %arg6[%swap3A_25], %swap3A_28 {strides = array<i32>} : memref<128xf32, #tpu.memory_space<vmem>>, vector<16xf32>,
    %broadcast_in_dim3A_29 = arith.constant 1.000000e+00 : f32
    %broadcast_in_dim3A_30 = vector.broadcast %broadcast_in_dim3A_29 : f32 to vector<16xf32>
    %swap3A_31 = arith.constant 80 : index
    %swap3A_32 = tpu.vector_load %arg6[%swap3A_31] {strides = array<i32>} : memref<128xf32, #tpu.memory_space<vmem>>, vector<16xf32>,
    %swap3A_33 = vector.shape_cast %swap3A_32 : vector<16xf32> to vector<16xf32>
    %swap3A_34 = vector.shape_cast %broadcast_in_dim3A_30 : vector<16xf32> to vector<16xf32>
    tpu.vector_store %arg6[%swap3A_31], %swap3A_34 {strides = array<i32>} : memref<128xf32, #tpu.memory_space<vmem>>, vector<16xf32>,
    %broadcast_in_dim3A_35 = arith.constant 1.000000e+00 : f32
    %broadcast_in_dim3A_36 = vector.broadcast %broadcast_in_dim3A_35 : f32 to vector<16xf32>
    %swap3A_37 = arith.constant 96 : index
    %swap3A_38 = tpu.vector_load %arg6[%swap3A_37] {strides = array<i32>} : memref<128xf32, #tpu.memory_space<vmem>>, vector<16xf32>,
    %swap3A_39 = vector.shape_cast %swap3A_38 : vector<16xf32> to vector<16xf32>
    %swap3A_40 = vector.shape_cast %broadcast_in_dim3A_36 : vector<16xf32> to vector<16xf32>
    tpu.vector_store %arg6[%swap3A_37], %swap3A_40 {strides = array<i32>} : memref<128xf32, #tpu.memory_space<vmem>>, vector<16xf32>,
    %broadcast_in_dim3A_41 = arith.constant 1.000000e+00 : f32
    %broadcast_in_dim3A_42 = vector.broadcast %broadcast_in_dim3A_41 : f32 to vector<16xf32>
    %swap3A_43 = arith.constant 112 : index
    %swap3A_44 = tpu.vector_load %arg6[%swap3A_43] {strides = array<i32>} : memref<128xf32, #tpu.memory_space<vmem>>, vector<16xf32>,
    %swap3A_45 = vector.shape_cast %swap3A_44 : vector<16xf32> to vector<16xf32>
    %swap3A_46 = vector.shape_cast %broadcast_in_dim3A_42 : vector<16xf32> to vector<16xf32>
    tpu.vector_store %arg6[%swap3A_43], %swap3A_46 {strides = array<i32>} : memref<128xf32, #tpu.memory_space<vmem>>, vector<16xf32>,
    %mul3A_47 = arith.constant 16 : i32
    %mul3A_48 = arith.muli %arg0, %mul3A_47 : i32
    %add3A = arith.addi %mul3A_48, %arg1 : i32
    %mul3A_49 = arith.constant 80 : i32
    %mul3A_50 = arith.muli %add3A, %mul3A_49 : i32
    "tpu.region"() ({
      %run_scoped3A = tpu.sem_alloc : memref<!tpu.dma_semaphore, #tpu.memory_space<semaphore_mem>>
      %dma_start3A = arith.constant 0 : i32
      %dma_start3A_57 = tpu.memref_slice %arg2[%mul3A_50, %dma_start3A] : memref<2560x128xi32, #tpu.memory_space<hbm>> -> memref<80x128xi32, #tpu.memory_space<hbm>>
      %dma_start3A_58 = arith.constant 0 : i32
      %dma_start3A_59 = tpu.memref_slice %arg2[%mul3A_50, %dma_start3A_58] : memref<2560x128xi32, #tpu.memory_space<hbm>> -> memref<80x128xi32, #tpu.memory_space<hbm>>
      tpu.enqueue_dma source(%dma_start3A_59 : memref<80x128xi32, #tpu.memory_space<hbm>>) target(%arg5 : memref<80x128xi32, #tpu.memory_space<vmem>>) target_semaphore(%run_scoped3A : memref<!tpu.dma_semaphore, #tpu.memory_space<semaphore_mem>>)
      %dma_wait3A = arith.constant 0 : i32
      %dma_wait3A_60 = tpu.memref_slice %arg2[%mul3A_50, %dma_wait3A] : memref<2560x128xi32, #tpu.memory_space<hbm>> -> memref<80x128xi32, #tpu.memory_space<hbm>>
      %dma_wait3A_61 = arith.constant 0 : i32
      %dma_wait3A_62 = tpu.memref_slice %arg2[%mul3A_50, %dma_wait3A_61] : memref<2560x128xi32, #tpu.memory_space<hbm>> -> memref<80x128xi32, #tpu.memory_space<hbm>>
      tpu.wait_dma2 semaphore(%run_scoped3A : memref<!tpu.dma_semaphore, #tpu.memory_space<semaphore_mem>>) src(%dma_wait3A_62 : memref<80x128xi32, #tpu.memory_space<hbm>>) dst(%arg5 : memref<80x128xi32, #tpu.memory_space<vmem>>)
      tpu.yield
    }) : () -> ()
    %barrier3A = arith.constant 0 : index
    tpu.barrier barrier_id(%barrier3A)
    %scan3A = arith.constant 0 : i32
    %scan3A_51 = arith.constant 0 : i32
    %scan3A_52 = arith.constant 80 : i32
    %scan3A_53 = arith.addi %scan3A_51, %scan3A_52 : i32
    %scan3A_54 = arith.constant 1 : i32
    scf.for %scan3A_57 = %scan3A_51 to %scan3A_53 step %scan3A_54  : i32 {
      "tpu.region"() ({
        %run_scoped3A = tpu.sem_alloc : memref<!tpu.dma_semaphore, #tpu.memory_space<semaphore_mem>>
        %dma_start3A = arith.constant 0 : i32
        %dma_start3A_58 = tpu.memref_slice %arg5[%scan3A_57, %dma_start3A] : memref<80x128xi32, #tpu.memory_space<vmem>> -> memref<1x128xi32, #tpu.memory_space<vmem>>
        %dma_start3A_59 = tpu.memref_squeeze %dma_start3A_58 : memref<1x128xi32, #tpu.memory_space<vmem>> -> memref<128xi32, #tpu.memory_space<vmem>>
        %dma_start3A_60 = arith.constant 0 : i32
        %dma_start3A_61 = tpu.memref_slice %arg7[%dma_start3A_60] : memref<10240xf32, #tpu.memory_space<vmem_shared>> -> memref<10240xf32, #tpu.memory_space<vmem_shared>>
        tpu.enqueue_indirect_dma source(%arg6 : memref<128xf32, #tpu.memory_space<vmem>>) target(%dma_start3A_61 : memref<10240xf32, #tpu.memory_space<vmem_shared>>) offsets(%dma_start3A_59 : memref<128xi32, #tpu.memory_space<vmem>>) semaphore(%run_scoped3A : memref<!tpu.dma_semaphore, #tpu.memory_space<semaphore_mem>>) {add = true}
        %dma_wait3A = arith.constant 0 : i32
        %dma_wait3A_62 = tpu.memref_slice %arg5[%scan3A_57, %dma_wait3A] : memref<80x128xi32, #tpu.memory_space<vmem>> -> memref<1x128xi32, #tpu.memory_space<vmem>>
        %dma_wait3A_63 = tpu.memref_squeeze %dma_wait3A_62 : memref<1x128xi32, #tpu.memory_space<vmem>> -> memref<128xi32, #tpu.memory_space<vmem>>
        %dma_wait3A_64 = arith.constant 0 : i32
        %dma_wait3A_65 = tpu.memref_slice %arg7[%dma_wait3A_64] : memref<10240xf32, #tpu.memory_space<vmem_shared>> -> memref<10240xf32, #tpu.memory_space<vmem_shared>>
        tpu.wait_indirect_dma semaphore(%run_scoped3A : memref<!tpu.dma_semaphore, #tpu.memory_space<semaphore_mem>>) src(%arg6 : memref<128xf32, #tpu.memory_space<vmem>>) dst(%dma_wait3A_65 : memref<10240xf32, #tpu.memory_space<vmem_shared>>)
        tpu.yield
      }) : () -> ()
    }
    %scan3A_55 = arith.constant 80 : i32
    %barrier3A_56 = arith.constant 0 : index
    tpu.barrier barrier_id(%barrier3A_56)
    "tpu.region"() ({
      %run_scoped3A = tpu.sem_alloc : memref<!tpu.dma_semaphore, #tpu.memory_space<semaphore_mem>>
      %dma_start3A = tpu.memref_slice %arg4[%arg0, %mul3A_0] : memref<2x10240xf32, #tpu.memory_space<hbm>> -> memref<1x640xf32, #tpu.memory_space<hbm>>
      %dma_start3A_57 = tpu.memref_squeeze %dma_start3A : memref<1x640xf32, #tpu.memory_space<hbm>> -> memref<640xf32, #tpu.memory_space<hbm>>
      %dma_start3A_58 = tpu.memref_slice %arg7[%mul3A_0] : memref<10240xf32, #tpu.memory_space<vmem_shared>> -> memref<640xf32, #tpu.memory_space<vmem_shared>>
      tpu.enqueue_dma source(%dma_start3A_58 : memref<640xf32, #tpu.memory_space<vmem_shared>>) target(%dma_start3A_57 : memref<640xf32, #tpu.memory_space<hbm>>) target_semaphore(%run_scoped3A : memref<!tpu.dma_semaphore, #tpu.memory_space<semaphore_mem>>)
      %dma_wait3A = tpu.memref_slice %arg4[%arg0, %mul3A_0] : memref<2x10240xf32, #tpu.memory_space<hbm>> -> memref<1x640xf32, #tpu.memory_space<hbm>>
      %dma_wait3A_59 = tpu.memref_squeeze %dma_wait3A : memref<1x640xf32, #tpu.memory_space<hbm>> -> memref<640xf32, #tpu.memory_space<hbm>>
      %dma_wait3A_60 = tpu.memref_slice %arg7[%mul3A_0] : memref<10240xf32, #tpu.memory_space<vmem_shared>> -> memref<640xf32, #tpu.memory_space<vmem_shared>>
      tpu.wait_dma2 semaphore(%run_scoped3A : memref<!tpu.dma_semaphore, #tpu.memory_space<semaphore_mem>>) src(%dma_wait3A_60 : memref<640xf32, #tpu.memory_space<vmem_shared>>) dst(%dma_wait3A_59 : memref<640xf32, #tpu.memory_space<hbm>>)
      tpu.yield
    }) : () -> ()
    return
  }
}

#map = affine_map<(d0, d1) -> (0, 0)>
#map1 = affine_map<(d0, d1) -> (0, 0, 0)>
module attributes {stable_mosaic.version = 14 : i64} {
  func.func @_gat_body(%arg0: i32, %arg1: i32, %arg2: memref<2560x128xi32, #tpu.memory_space<hbm>>, %arg3: memref<1x10240x128xf32, #tpu.memory_space<hbm>>, %arg4: memref<1x327680x128xf32, #tpu.memory_space<hbm>>, %arg5: memref<128xi32, #tpu.memory_space<vmem>>, %arg6: memref<128xi32, #tpu.memory_space<vmem>>, %arg7: memref<128xi32, #tpu.memory_space<vmem>>, %arg8: memref<128x128xf32, #tpu.memory_space<vmem>>, %arg9: memref<128x128xf32, #tpu.memory_space<vmem>>, %arg10: memref<128x128xf32, #tpu.memory_space<vmem>>, %arg11: memref<10112x128xf32, #tpu.memory_space<vmem_shared>>, %arg12: memref<!tpu.dma_semaphore, #tpu.memory_space<semaphore_mem>>, %arg13: memref<!tpu.dma_semaphore, #tpu.memory_space<semaphore_mem>>, %arg14: memref<!tpu.dma_semaphore, #tpu.memory_space<semaphore_mem>>, %arg15: memref<!tpu.dma_semaphore, #tpu.memory_space<semaphore_mem>>, %arg16: memref<!tpu.dma_semaphore, #tpu.memory_space<semaphore_mem>>, %arg17: memref<!tpu.dma_semaphore, #tpu.memory_space<semaphore_mem>>, %arg18: memref<!tpu.dma_semaphore, #tpu.memory_space<semaphore_mem>>, %arg19: memref<!tpu.dma_semaphore, #tpu.memory_space<semaphore_mem>>, %arg20: memref<!tpu.dma_semaphore, #tpu.memory_space<semaphore_mem>>) attributes {dimension_semantics = [#tpu.dimension_semantics<core_parallel>, #tpu.dimension_semantics<subcore_parallel>], iteration_bounds = array<i64: 2, 16>, scalar_prefetch = 0 : i64, scratch_operands = 16 : i64, tpu.core_type = #tpu.core_type<sc_vector_subcore>, window_params = [{transform_indices = #map}, {transform_indices = #map1}, {transform_indices = #map1}]} {
    %mul3A = arith.constant 640 : i32
    %mul3A_0 = arith.muli %arg1, %mul3A : i32
    %mul3A_1 = arith.constant 16 : i32
    %mul3A_2 = arith.muli %arg0, %mul3A_1 : i32
    %add3A = arith.addi %mul3A_2, %arg1 : i32
    %mul3A_3 = arith.constant 80 : i32
    %mul3A_4 = arith.muli %add3A, %mul3A_3 : i32
    %mul3A_5 = arith.constant 632 : i32
    %mul3A_6 = arith.muli %arg1, %mul3A_5 : i32
    %run_scoped3A = arith.constant 0 : i32
    "tpu.region"() ({
      %run_scoped3A_146 = tpu.sem_alloc : memref<!tpu.dma_semaphore, #tpu.memory_space<semaphore_mem>>
      %dma_start3A_147 = arith.constant 0 : i32
      %dma_start3A_148 = tpu.memref_slice %arg11[%mul3A_6, %dma_start3A_147] : memref<10112x128xf32, #tpu.memory_space<vmem_shared>> -> memref<632x128xf32, #tpu.memory_space<vmem_shared>>
      %dma_start3A_149 = arith.constant 0 : i32
      %dma_start3A_150 = arith.constant 0 : i32
      %dma_start3A_151 = tpu.memref_slice %arg3[%run_scoped3A, %dma_start3A_149, %dma_start3A_150] : memref<1x10240x128xf32, #tpu.memory_space<hbm>> -> memref<1x10240x128xf32, #tpu.memory_space<hbm>>
      %dma_start3A_152 = tpu.memref_squeeze %dma_start3A_151 : memref<1x10240x128xf32, #tpu.memory_space<hbm>> -> memref<10240x128xf32, #tpu.memory_space<hbm>>
      %dma_start3A_153 = arith.constant 0 : i32
      %dma_start3A_154 = tpu.memref_slice %dma_start3A_152[%mul3A_6, %dma_start3A_153] : memref<10240x128xf32, #tpu.memory_space<hbm>> -> memref<632x128xf32, #tpu.memory_space<hbm>>
      tpu.enqueue_dma source(%dma_start3A_154 : memref<632x128xf32, #tpu.memory_space<hbm>>) target(%dma_start3A_148 : memref<632x128xf32, #tpu.memory_space<vmem_shared>>) target_semaphore(%run_scoped3A_146 : memref<!tpu.dma_semaphore, #tpu.memory_space<semaphore_mem>>)
      %dma_wait3A_155 = arith.constant 0 : i32
      %dma_wait3A_156 = tpu.memref_slice %arg11[%mul3A_6, %dma_wait3A_155] : memref<10112x128xf32, #tpu.memory_space<vmem_shared>> -> memref<632x128xf32, #tpu.memory_space<vmem_shared>>
      %dma_wait3A_157 = arith.constant 0 : i32
      %dma_wait3A_158 = arith.constant 0 : i32
      %dma_wait3A_159 = tpu.memref_slice %arg3[%run_scoped3A, %dma_wait3A_157, %dma_wait3A_158] : memref<1x10240x128xf32, #tpu.memory_space<hbm>> -> memref<1x10240x128xf32, #tpu.memory_space<hbm>>
      %dma_wait3A_160 = tpu.memref_squeeze %dma_wait3A_159 : memref<1x10240x128xf32, #tpu.memory_space<hbm>> -> memref<10240x128xf32, #tpu.memory_space<hbm>>
      %dma_wait3A_161 = arith.constant 0 : i32
      %dma_wait3A_162 = tpu.memref_slice %dma_wait3A_160[%mul3A_6, %dma_wait3A_161] : memref<10240x128xf32, #tpu.memory_space<hbm>> -> memref<632x128xf32, #tpu.memory_space<hbm>>
      tpu.wait_dma2 semaphore(%run_scoped3A_146 : memref<!tpu.dma_semaphore, #tpu.memory_space<semaphore_mem>>) src(%dma_wait3A_162 : memref<632x128xf32, #tpu.memory_space<hbm>>) dst(%dma_wait3A_156 : memref<632x128xf32, #tpu.memory_space<vmem_shared>>)
      tpu.yield
    }) : () -> ()
    %barrier3A = arith.constant 0 : index
    tpu.barrier barrier_id(%barrier3A)
    "tpu.region"() ({
      %run_scoped3A_146 = tpu.sem_alloc : memref<!tpu.dma_semaphore, #tpu.memory_space<semaphore_mem>>
      %dma_start3A_147 = arith.constant 0 : i32
      %dma_start3A_148 = tpu.memref_slice %arg2[%mul3A_4, %dma_start3A_147] : memref<2560x128xi32, #tpu.memory_space<hbm>> -> memref<1x128xi32, #tpu.memory_space<hbm>>
      %dma_start3A_149 = tpu.memref_squeeze %dma_start3A_148 : memref<1x128xi32, #tpu.memory_space<hbm>> -> memref<128xi32, #tpu.memory_space<hbm>>
      %dma_start3A_150 = arith.constant 0 : i32
      %dma_start3A_151 = tpu.memref_slice %arg2[%mul3A_4, %dma_start3A_150] : memref<2560x128xi32, #tpu.memory_space<hbm>> -> memref<1x128xi32, #tpu.memory_space<hbm>>
      %dma_start3A_152 = tpu.memref_squeeze %dma_start3A_151 : memref<1x128xi32, #tpu.memory_space<hbm>> -> memref<128xi32, #tpu.memory_space<hbm>>
      tpu.enqueue_dma source(%dma_start3A_152 : memref<128xi32, #tpu.memory_space<hbm>>) target(%arg5 : memref<128xi32, #tpu.memory_space<vmem>>) target_semaphore(%run_scoped3A_146 : memref<!tpu.dma_semaphore, #tpu.memory_space<semaphore_mem>>)
      %dma_wait3A_153 = arith.constant 0 : i32
      %dma_wait3A_154 = tpu.memref_slice %arg2[%mul3A_4, %dma_wait3A_153] : memref<2560x128xi32, #tpu.memory_space<hbm>> -> memref<1x128xi32, #tpu.memory_space<hbm>>
      %dma_wait3A_155 = tpu.memref_squeeze %dma_wait3A_154 : memref<1x128xi32, #tpu.memory_space<hbm>> -> memref<128xi32, #tpu.memory_space<hbm>>
      %dma_wait3A_156 = arith.constant 0 : i32
      %dma_wait3A_157 = tpu.memref_slice %arg2[%mul3A_4, %dma_wait3A_156] : memref<2560x128xi32, #tpu.memory_space<hbm>> -> memref<1x128xi32, #tpu.memory_space<hbm>>
      %dma_wait3A_158 = tpu.memref_squeeze %dma_wait3A_157 : memref<1x128xi32, #tpu.memory_space<hbm>> -> memref<128xi32, #tpu.memory_space<hbm>>
      tpu.wait_dma2 semaphore(%run_scoped3A_146 : memref<!tpu.dma_semaphore, #tpu.memory_space<semaphore_mem>>) src(%dma_wait3A_158 : memref<128xi32, #tpu.memory_space<hbm>>) dst(%arg5 : memref<128xi32, #tpu.memory_space<vmem>>)
      tpu.yield
    }) : () -> ()
    %add3A_7 = arith.constant 1 : i32
    %add3A_8 = arith.addi %mul3A_4, %add3A_7 : i32
    %dma_start3A = arith.constant 0 : i32
    %dma_start3A_9 = tpu.memref_slice %arg2[%add3A_8, %dma_start3A] : memref<2560x128xi32, #tpu.memory_space<hbm>> -> memref<1x128xi32, #tpu.memory_space<hbm>>
    %dma_start3A_10 = tpu.memref_squeeze %dma_start3A_9 : memref<1x128xi32, #tpu.memory_space<hbm>> -> memref<128xi32, #tpu.memory_space<hbm>>
    %dma_start3A_11 = arith.constant 0 : i32
    %dma_start3A_12 = tpu.memref_slice %arg2[%add3A_8, %dma_start3A_11] : memref<2560x128xi32, #tpu.memory_space<hbm>> -> memref<1x128xi32, #tpu.memory_space<hbm>>
    %dma_start3A_13 = tpu.memref_squeeze %dma_start3A_12 : memref<1x128xi32, #tpu.memory_space<hbm>> -> memref<128xi32, #tpu.memory_space<hbm>>
    tpu.enqueue_dma source(%dma_start3A_13 : memref<128xi32, #tpu.memory_space<hbm>>) target(%arg6 : memref<128xi32, #tpu.memory_space<vmem>>) target_semaphore(%arg16 : memref<!tpu.dma_semaphore, #tpu.memory_space<semaphore_mem>>)
    %add3A_14 = arith.constant 2 : i32
    %add3A_15 = arith.addi %mul3A_4, %add3A_14 : i32
    %dma_start3A_16 = arith.constant 0 : i32
    %dma_start3A_17 = tpu.memref_slice %arg2[%add3A_15, %dma_start3A_16] : memref<2560x128xi32, #tpu.memory_space<hbm>> -> memref<1x128xi32, #tpu.memory_space<hbm>>
    %dma_start3A_18 = tpu.memref_squeeze %dma_start3A_17 : memref<1x128xi32, #tpu.memory_space<hbm>> -> memref<128xi32, #tpu.memory_space<hbm>>
    %dma_start3A_19 = arith.constant 0 : i32
    %dma_start3A_20 = tpu.memref_slice %arg2[%add3A_15, %dma_start3A_19] : memref<2560x128xi32, #tpu.memory_space<hbm>> -> memref<1x128xi32, #tpu.memory_space<hbm>>
    %dma_start3A_21 = tpu.memref_squeeze %dma_start3A_20 : memref<1x128xi32, #tpu.memory_space<hbm>> -> memref<128xi32, #tpu.memory_space<hbm>>
    tpu.enqueue_dma source(%dma_start3A_21 : memref<128xi32, #tpu.memory_space<hbm>>) target(%arg7 : memref<128xi32, #tpu.memory_space<vmem>>) target_semaphore(%arg17 : memref<!tpu.dma_semaphore, #tpu.memory_space<semaphore_mem>>)
    %dma_start3A_22 = arith.constant 0 : i32
    %dma_start3A_23 = arith.constant 0 : i32
    %dma_start3A_24 = tpu.memref_slice %arg11[%dma_start3A_22, %dma_start3A_23] : memref<10112x128xf32, #tpu.memory_space<vmem_shared>> -> memref<10112x128xf32, #tpu.memory_space<vmem_shared>>
    tpu.enqueue_indirect_dma source(%dma_start3A_24 : memref<10112x128xf32, #tpu.memory_space<vmem_shared>>) target(%arg8 : memref<128x128xf32, #tpu.memory_space<vmem>>) offsets(%arg5 : memref<128xi32, #tpu.memory_space<vmem>>) semaphore(%arg12 : memref<!tpu.dma_semaphore, #tpu.memory_space<semaphore_mem>>)
    %scan3A = arith.constant 0 : i32
    %scan3A_25 = arith.constant 0 : i32
    %scan3A_26 = arith.constant 26 : i32
    %scan3A_27 = arith.addi %scan3A_25, %scan3A_26 : i32
    %scan3A_28 = arith.constant 1 : i32
    scf.for %scan3A_146 = %scan3A_25 to %scan3A_27 step %scan3A_28  : i32 {
      %mul3A_147 = arith.constant 3 : i32
      %mul3A_148 = arith.muli %scan3A_146, %mul3A_147 : i32
      %add3A_149 = arith.constant 0 : i32
      %add3A_150 = arith.addi %mul3A_148, %add3A_149 : i32
      %dma_wait3A_151 = arith.constant 0 : i32
      %dma_wait3A_152 = arith.constant 0 : i32
      %dma_wait3A_153 = tpu.memref_slice %arg11[%dma_wait3A_151, %dma_wait3A_152] : memref<10112x128xf32, #tpu.memory_space<vmem_shared>> -> memref<10112x128xf32, #tpu.memory_space<vmem_shared>>
      tpu.wait_indirect_dma semaphore(%arg12 : memref<!tpu.dma_semaphore, #tpu.memory_space<semaphore_mem>>) src(%dma_wait3A_153 : memref<10112x128xf32, #tpu.memory_space<vmem_shared>>) dst(%arg8 : memref<128x128xf32, #tpu.memory_space<vmem>>)
      %add3A_154 = arith.constant 1 : i32
      %add3A_155 = arith.addi %add3A_150, %add3A_154 : i32
      %lt3A = arith.constant 80 : i32
      %lt3A_156 = arith.cmpi slt, %add3A_155, %lt3A : i32
      %convert_element_type3A = arith.extui %lt3A_156 : i1 to i32
      %cond3A = arith.constant 0 : i32
      %cond3A_157 = arith.cmpi ne, %convert_element_type3A, %cond3A : i32
      scf.if %cond3A_157 {
        %dma_wait3A_255 = arith.constant 0 : i32
        %dma_wait3A_256 = tpu.memref_slice %arg2[%mul3A_4, %dma_wait3A_255] : memref<2560x128xi32, #tpu.memory_space<hbm>> -> memref<1x128xi32, #tpu.memory_space<hbm>>
        %dma_wait3A_257 = tpu.memref_squeeze %dma_wait3A_256 : memref<1x128xi32, #tpu.memory_space<hbm>> -> memref<128xi32, #tpu.memory_space<hbm>>
        %dma_wait3A_258 = arith.constant 0 : i32
        %dma_wait3A_259 = tpu.memref_slice %arg2[%mul3A_4, %dma_wait3A_258] : memref<2560x128xi32, #tpu.memory_space<hbm>> -> memref<1x128xi32, #tpu.memory_space<hbm>>
        %dma_wait3A_260 = tpu.memref_squeeze %dma_wait3A_259 : memref<1x128xi32, #tpu.memory_space<hbm>> -> memref<128xi32, #tpu.memory_space<hbm>>
        tpu.wait_dma2 semaphore(%arg16 : memref<!tpu.dma_semaphore, #tpu.memory_space<semaphore_mem>>) src(%dma_wait3A_260 : memref<128xi32, #tpu.memory_space<hbm>>) dst(%arg6 : memref<128xi32, #tpu.memory_space<vmem>>)
        %ge3A = arith.constant 2 : i32
        %ge3A_261 = arith.cmpi sge, %add3A_150, %ge3A : i32
        %convert_element_type3A_262 = arith.extui %ge3A_261 : i1 to i32
        %cond3A_263 = arith.constant 0 : i32
        %cond3A_264 = arith.cmpi ne, %convert_element_type3A_262, %cond3A_263 : i32
        scf.if %cond3A_264 {
          %add3A_268 = arith.constant 0 : i32
          %add3A_269 = arith.addi %mul3A_4, %add3A_268 : i32
          %mul3A_270 = arith.constant 128 : i32
          %mul3A_271 = arith.muli %add3A_269, %mul3A_270 : i32
          %dma_wait3A_272 = arith.constant 0 : i32
          %dma_wait3A_273 = arith.constant 0 : i32
          %dma_wait3A_274 = arith.constant 0 : i32
          %dma_wait3A_275 = tpu.memref_slice %arg4[%dma_wait3A_272, %dma_wait3A_273, %dma_wait3A_274] : memref<1x327680x128xf32, #tpu.memory_space<hbm>> -> memref<1x327680x128xf32, #tpu.memory_space<hbm>>
          %dma_wait3A_276 = tpu.memref_squeeze %dma_wait3A_275 : memref<1x327680x128xf32, #tpu.memory_space<hbm>> -> memref<327680x128xf32, #tpu.memory_space<hbm>>
          %dma_wait3A_277 = arith.constant 0 : i32
          %dma_wait3A_278 = tpu.memref_slice %dma_wait3A_276[%mul3A_271, %dma_wait3A_277] : memref<327680x128xf32, #tpu.memory_space<hbm>> -> memref<128x128xf32, #tpu.memory_space<hbm>>
          %dma_wait3A_279 = arith.constant 0 : i32
          %dma_wait3A_280 = arith.constant 0 : i32
          %dma_wait3A_281 = tpu.memref_slice %arg4[%dma_wait3A_272, %dma_wait3A_279, %dma_wait3A_280] : memref<1x327680x128xf32, #tpu.memory_space<hbm>> -> memref<1x327680x128xf32, #tpu.memory_space<hbm>>
          %dma_wait3A_282 = tpu.memref_squeeze %dma_wait3A_281 : memref<1x327680x128xf32, #tpu.memory_space<hbm>> -> memref<327680x128xf32, #tpu.memory_space<hbm>>
          %dma_wait3A_283 = arith.constant 0 : i32
          %dma_wait3A_284 = tpu.memref_slice %dma_wait3A_282[%mul3A_271, %dma_wait3A_283] : memref<327680x128xf32, #tpu.memory_space<hbm>> -> memref<128x128xf32, #tpu.memory_space<hbm>>
          tpu.wait_dma2 semaphore(%arg19 : memref<!tpu.dma_semaphore, #tpu.memory_space<semaphore_mem>>) src(%arg9 : memref<128x128xf32, #tpu.memory_space<vmem>>) dst(%dma_wait3A_284 : memref<128x128xf32, #tpu.memory_space<hbm>>)
        } else {
        }
        %dma_start3A_265 = arith.constant 0 : i32
        %dma_start3A_266 = arith.constant 0 : i32
        %dma_start3A_267 = tpu.memref_slice %arg11[%dma_start3A_265, %dma_start3A_266] : memref<10112x128xf32, #tpu.memory_space<vmem_shared>> -> memref<10112x128xf32, #tpu.memory_space<vmem_shared>>
        tpu.enqueue_indirect_dma source(%dma_start3A_267 : memref<10112x128xf32, #tpu.memory_space<vmem_shared>>) target(%arg9 : memref<128x128xf32, #tpu.memory_space<vmem>>) offsets(%arg6 : memref<128xi32, #tpu.memory_space<vmem>>) semaphore(%arg13 : memref<!tpu.dma_semaphore, #tpu.memory_space<semaphore_mem>>)
      } else {
      }
      %add3A_158 = arith.addi %mul3A_4, %add3A_150 : i32
      %mul3A_159 = arith.constant 128 : i32
      %mul3A_160 = arith.muli %add3A_158, %mul3A_159 : i32
      %dma_start3A_161 = arith.constant 0 : i32
      %dma_start3A_162 = arith.constant 0 : i32
      %dma_start3A_163 = arith.constant 0 : i32
      %dma_start3A_164 = tpu.memref_slice %arg4[%dma_start3A_161, %dma_start3A_162, %dma_start3A_163] : memref<1x327680x128xf32, #tpu.memory_space<hbm>> -> memref<1x327680x128xf32, #tpu.memory_space<hbm>>
      %dma_start3A_165 = tpu.memref_squeeze %dma_start3A_164 : memref<1x327680x128xf32, #tpu.memory_space<hbm>> -> memref<327680x128xf32, #tpu.memory_space<hbm>>
      %dma_start3A_166 = arith.constant 0 : i32
      %dma_start3A_167 = tpu.memref_slice %dma_start3A_165[%mul3A_160, %dma_start3A_166] : memref<327680x128xf32, #tpu.memory_space<hbm>> -> memref<128x128xf32, #tpu.memory_space<hbm>>
      %dma_start3A_168 = arith.constant 0 : i32
      %dma_start3A_169 = arith.constant 0 : i32
      %dma_start3A_170 = tpu.memref_slice %arg4[%dma_start3A_161, %dma_start3A_168, %dma_start3A_169] : memref<1x327680x128xf32, #tpu.memory_space<hbm>> -> memref<1x327680x128xf32, #tpu.memory_space<hbm>>
      %dma_start3A_171 = tpu.memref_squeeze %dma_start3A_170 : memref<1x327680x128xf32, #tpu.memory_space<hbm>> -> memref<327680x128xf32, #tpu.memory_space<hbm>>
      %dma_start3A_172 = arith.constant 0 : i32
      %dma_start3A_173 = tpu.memref_slice %dma_start3A_171[%mul3A_160, %dma_start3A_172] : memref<327680x128xf32, #tpu.memory_space<hbm>> -> memref<128x128xf32, #tpu.memory_space<hbm>>
      tpu.enqueue_dma source(%arg8 : memref<128x128xf32, #tpu.memory_space<vmem>>) target(%dma_start3A_173 : memref<128x128xf32, #tpu.memory_space<hbm>>) target_semaphore(%arg18 : memref<!tpu.dma_semaphore, #tpu.memory_space<semaphore_mem>>)
      %add3A_174 = arith.constant 3 : i32
      %add3A_175 = arith.addi %add3A_150, %add3A_174 : i32
      %lt3A_176 = arith.constant 80 : i32
      %lt3A_177 = arith.cmpi slt, %add3A_175, %lt3A_176 : i32
      %convert_element_type3A_178 = arith.extui %lt3A_177 : i1 to i32
      %cond3A_179 = arith.constant 0 : i32
      %cond3A_180 = arith.cmpi ne, %convert_element_type3A_178, %cond3A_179 : i32
      scf.if %cond3A_180 {
        %add3A_255 = arith.addi %mul3A_4, %add3A_150 : i32
        %add3A_256 = arith.constant 3 : i32
        %add3A_257 = arith.addi %add3A_255, %add3A_256 : i32
        %dma_start3A_258 = arith.constant 0 : i32
        %dma_start3A_259 = tpu.memref_slice %arg2[%add3A_257, %dma_start3A_258] : memref<2560x128xi32, #tpu.memory_space<hbm>> -> memref<1x128xi32, #tpu.memory_space<hbm>>
        %dma_start3A_260 = tpu.memref_squeeze %dma_start3A_259 : memref<1x128xi32, #tpu.memory_space<hbm>> -> memref<128xi32, #tpu.memory_space<hbm>>
        %dma_start3A_261 = arith.constant 0 : i32
        %dma_start3A_262 = tpu.memref_slice %arg2[%add3A_257, %dma_start3A_261] : memref<2560x128xi32, #tpu.memory_space<hbm>> -> memref<1x128xi32, #tpu.memory_space<hbm>>
        %dma_start3A_263 = tpu.memref_squeeze %dma_start3A_262 : memref<1x128xi32, #tpu.memory_space<hbm>> -> memref<128xi32, #tpu.memory_space<hbm>>
        tpu.enqueue_dma source(%dma_start3A_263 : memref<128xi32, #tpu.memory_space<hbm>>) target(%arg5 : memref<128xi32, #tpu.memory_space<vmem>>) target_semaphore(%arg15 : memref<!tpu.dma_semaphore, #tpu.memory_space<semaphore_mem>>)
      } else {
      }
      %mul3A_181 = arith.constant 3 : i32
      %mul3A_182 = arith.muli %scan3A_146, %mul3A_181 : i32
      %add3A_183 = arith.constant 1 : i32
      %add3A_184 = arith.addi %mul3A_182, %add3A_183 : i32
      %dma_wait3A_185 = arith.constant 0 : i32
      %dma_wait3A_186 = arith.constant 0 : i32
      %dma_wait3A_187 = tpu.memref_slice %arg11[%dma_wait3A_185, %dma_wait3A_186] : memref<10112x128xf32, #tpu.memory_space<vmem_shared>> -> memref<10112x128xf32, #tpu.memory_space<vmem_shared>>
      tpu.wait_indirect_dma semaphore(%arg13 : memref<!tpu.dma_semaphore, #tpu.memory_space<semaphore_mem>>) src(%dma_wait3A_187 : memref<10112x128xf32, #tpu.memory_space<vmem_shared>>) dst(%arg9 : memref<128x128xf32, #tpu.memory_space<vmem>>)
      %add3A_188 = arith.constant 1 : i32
      %add3A_189 = arith.addi %add3A_184, %add3A_188 : i32
      %lt3A_190 = arith.constant 80 : i32
      %lt3A_191 = arith.cmpi slt, %add3A_189, %lt3A_190 : i32
      %convert_element_type3A_192 = arith.extui %lt3A_191 : i1 to i32
      %cond3A_193 = arith.constant 0 : i32
      %cond3A_194 = arith.cmpi ne, %convert_element_type3A_192, %cond3A_193 : i32
      scf.if %cond3A_194 {
        %dma_wait3A_255 = arith.constant 0 : i32
        %dma_wait3A_256 = tpu.memref_slice %arg2[%mul3A_4, %dma_wait3A_255] : memref<2560x128xi32, #tpu.memory_space<hbm>> -> memref<1x128xi32, #tpu.memory_space<hbm>>
        %dma_wait3A_257 = tpu.memref_squeeze %dma_wait3A_256 : memref<1x128xi32, #tpu.memory_space<hbm>> -> memref<128xi32, #tpu.memory_space<hbm>>
        %dma_wait3A_258 = arith.constant 0 : i32
        %dma_wait3A_259 = tpu.memref_slice %arg2[%mul3A_4, %dma_wait3A_258] : memref<2560x128xi32, #tpu.memory_space<hbm>> -> memref<1x128xi32, #tpu.memory_space<hbm>>
        %dma_wait3A_260 = tpu.memref_squeeze %dma_wait3A_259 : memref<1x128xi32, #tpu.memory_space<hbm>> -> memref<128xi32, #tpu.memory_space<hbm>>
        tpu.wait_dma2 semaphore(%arg17 : memref<!tpu.dma_semaphore, #tpu.memory_space<semaphore_mem>>) src(%dma_wait3A_260 : memref<128xi32, #tpu.memory_space<hbm>>) dst(%arg7 : memref<128xi32, #tpu.memory_space<vmem>>)
        %ge3A = arith.constant 2 : i32
        %ge3A_261 = arith.cmpi sge, %add3A_184, %ge3A : i32
        %convert_element_type3A_262 = arith.extui %ge3A_261 : i1 to i32
        %cond3A_263 = arith.constant 0 : i32
        %cond3A_264 = arith.cmpi ne, %convert_element_type3A_262, %cond3A_263 : i32
        scf.if %cond3A_264 {
          %add3A_268 = arith.constant 0 : i32
          %add3A_269 = arith.addi %mul3A_4, %add3A_268 : i32
          %mul3A_270 = arith.constant 128 : i32
          %mul3A_271 = arith.muli %add3A_269, %mul3A_270 : i32
          %dma_wait3A_272 = arith.constant 0 : i32
          %dma_wait3A_273 = arith.constant 0 : i32
          %dma_wait3A_274 = arith.constant 0 : i32
          %dma_wait3A_275 = tpu.memref_slice %arg4[%dma_wait3A_272, %dma_wait3A_273, %dma_wait3A_274] : memref<1x327680x128xf32, #tpu.memory_space<hbm>> -> memref<1x327680x128xf32, #tpu.memory_space<hbm>>
          %dma_wait3A_276 = tpu.memref_squeeze %dma_wait3A_275 : memref<1x327680x128xf32, #tpu.memory_space<hbm>> -> memref<327680x128xf32, #tpu.memory_space<hbm>>
          %dma_wait3A_277 = arith.constant 0 : i32
          %dma_wait3A_278 = tpu.memref_slice %dma_wait3A_276[%mul3A_271, %dma_wait3A_277] : memref<327680x128xf32, #tpu.memory_space<hbm>> -> memref<128x128xf32, #tpu.memory_space<hbm>>
          %dma_wait3A_279 = arith.constant 0 : i32
          %dma_wait3A_280 = arith.constant 0 : i32
          %dma_wait3A_281 = tpu.memref_slice %arg4[%dma_wait3A_272, %dma_wait3A_279, %dma_wait3A_280] : memref<1x327680x128xf32, #tpu.memory_space<hbm>> -> memref<1x327680x128xf32, #tpu.memory_space<hbm>>
          %dma_wait3A_282 = tpu.memref_squeeze %dma_wait3A_281 : memref<1x327680x128xf32, #tpu.memory_space<hbm>> -> memref<327680x128xf32, #tpu.memory_space<hbm>>
          %dma_wait3A_283 = arith.constant 0 : i32
          %dma_wait3A_284 = tpu.memref_slice %dma_wait3A_282[%mul3A_271, %dma_wait3A_283] : memref<327680x128xf32, #tpu.memory_space<hbm>> -> memref<128x128xf32, #tpu.memory_space<hbm>>
          tpu.wait_dma2 semaphore(%arg20 : memref<!tpu.dma_semaphore, #tpu.memory_space<semaphore_mem>>) src(%arg10 : memref<128x128xf32, #tpu.memory_space<vmem>>) dst(%dma_wait3A_284 : memref<128x128xf32, #tpu.memory_space<hbm>>)
        } else {
        }
        %dma_start3A_265 = arith.constant 0 : i32
        %dma_start3A_266 = arith.constant 0 : i32
        %dma_start3A_267 = tpu.memref_slice %arg11[%dma_start3A_265, %dma_start3A_266] : memref<10112x128xf32, #tpu.memory_space<vmem_shared>> -> memref<10112x128xf32, #tpu.memory_space<vmem_shared>>
        tpu.enqueue_indirect_dma source(%dma_start3A_267 : memref<10112x128xf32, #tpu.memory_space<vmem_shared>>) target(%arg10 : memref<128x128xf32, #tpu.memory_space<vmem>>) offsets(%arg7 : memref<128xi32, #tpu.memory_space<vmem>>) semaphore(%arg14 : memref<!tpu.dma_semaphore, #tpu.memory_space<semaphore_mem>>)
      } else {
      }
      %add3A_195 = arith.addi %mul3A_4, %add3A_184 : i32
      %mul3A_196 = arith.constant 128 : i32
      %mul3A_197 = arith.muli %add3A_195, %mul3A_196 : i32
      %dma_start3A_198 = arith.constant 0 : i32
      %dma_start3A_199 = arith.constant 0 : i32
      %dma_start3A_200 = arith.constant 0 : i32
      %dma_start3A_201 = tpu.memref_slice %arg4[%dma_start3A_198, %dma_start3A_199, %dma_start3A_200] : memref<1x327680x128xf32, #tpu.memory_space<hbm>> -> memref<1x327680x128xf32, #tpu.memory_space<hbm>>
      %dma_start3A_202 = tpu.memref_squeeze %dma_start3A_201 : memref<1x327680x128xf32, #tpu.memory_space<hbm>> -> memref<327680x128xf32, #tpu.memory_space<hbm>>
      %dma_start3A_203 = arith.constant 0 : i32
      %dma_start3A_204 = tpu.memref_slice %dma_start3A_202[%mul3A_197, %dma_start3A_203] : memref<327680x128xf32, #tpu.memory_space<hbm>> -> memref<128x128xf32, #tpu.memory_space<hbm>>
      %dma_start3A_205 = arith.constant 0 : i32
      %dma_start3A_206 = arith.constant 0 : i32
      %dma_start3A_207 = tpu.memref_slice %arg4[%dma_start3A_198, %dma_start3A_205, %dma_start3A_206] : memref<1x327680x128xf32, #tpu.memory_space<hbm>> -> memref<1x327680x128xf32, #tpu.memory_space<hbm>>
      %dma_start3A_208 = tpu.memref_squeeze %dma_start3A_207 : memref<1x327680x128xf32, #tpu.memory_space<hbm>> -> memref<327680x128xf32, #tpu.memory_space<hbm>>
      %dma_start3A_209 = arith.constant 0 : i32
      %dma_start3A_210 = tpu.memref_slice %dma_start3A_208[%mul3A_197, %dma_start3A_209] : memref<327680x128xf32, #tpu.memory_space<hbm>> -> memref<128x128xf32, #tpu.memory_space<hbm>>
      tpu.enqueue_dma source(%arg9 : memref<128x128xf32, #tpu.memory_space<vmem>>) target(%dma_start3A_210 : memref<128x128xf32, #tpu.memory_space<hbm>>) target_semaphore(%arg19 : memref<!tpu.dma_semaphore, #tpu.memory_space<semaphore_mem>>)
      %add3A_211 = arith.constant 3 : i32
      %add3A_212 = arith.addi %add3A_184, %add3A_211 : i32
      %lt3A_213 = arith.constant 80 : i32
      %lt3A_214 = arith.cmpi slt, %add3A_212, %lt3A_213 : i32
      %convert_element_type3A_215 = arith.extui %lt3A_214 : i1 to i32
      %cond3A_216 = arith.constant 0 : i32
      %cond3A_217 = arith.cmpi ne, %convert_element_type3A_215, %cond3A_216 : i32
      scf.if %cond3A_217 {
        %add3A_255 = arith.addi %mul3A_4, %add3A_184 : i32
        %add3A_256 = arith.constant 3 : i32
        %add3A_257 = arith.addi %add3A_255, %add3A_256 : i32
        %dma_start3A_258 = arith.constant 0 : i32
        %dma_start3A_259 = tpu.memref_slice %arg2[%add3A_257, %dma_start3A_258] : memref<2560x128xi32, #tpu.memory_space<hbm>> -> memref<1x128xi32, #tpu.memory_space<hbm>>
        %dma_start3A_260 = tpu.memref_squeeze %dma_start3A_259 : memref<1x128xi32, #tpu.memory_space<hbm>> -> memref<128xi32, #tpu.memory_space<hbm>>
        %dma_start3A_261 = arith.constant 0 : i32
        %dma_start3A_262 = tpu.memref_slice %arg2[%add3A_257, %dma_start3A_261] : memref<2560x128xi32, #tpu.memory_space<hbm>> -> memref<1x128xi32, #tpu.memory_space<hbm>>
        %dma_start3A_263 = tpu.memref_squeeze %dma_start3A_262 : memref<1x128xi32, #tpu.memory_space<hbm>> -> memref<128xi32, #tpu.memory_space<hbm>>
        tpu.enqueue_dma source(%dma_start3A_263 : memref<128xi32, #tpu.memory_space<hbm>>) target(%arg6 : memref<128xi32, #tpu.memory_space<vmem>>) target_semaphore(%arg16 : memref<!tpu.dma_semaphore, #tpu.memory_space<semaphore_mem>>)
      } else {
      }
      %mul3A_218 = arith.constant 3 : i32
      %mul3A_219 = arith.muli %scan3A_146, %mul3A_218 : i32
      %add3A_220 = arith.constant 2 : i32
      %add3A_221 = arith.addi %mul3A_219, %add3A_220 : i32
      %dma_wait3A_222 = arith.constant 0 : i32
      %dma_wait3A_223 = arith.constant 0 : i32
      %dma_wait3A_224 = tpu.memref_slice %arg11[%dma_wait3A_222, %dma_wait3A_223] : memref<10112x128xf32, #tpu.memory_space<vmem_shared>> -> memref<10112x128xf32, #tpu.memory_space<vmem_shared>>
      tpu.wait_indirect_dma semaphore(%arg14 : memref<!tpu.dma_semaphore, #tpu.memory_space<semaphore_mem>>) src(%dma_wait3A_224 : memref<10112x128xf32, #tpu.memory_space<vmem_shared>>) dst(%arg10 : memref<128x128xf32, #tpu.memory_space<vmem>>)
      %add3A_225 = arith.constant 1 : i32
      %add3A_226 = arith.addi %add3A_221, %add3A_225 : i32
      %lt3A_227 = arith.constant 80 : i32
      %lt3A_228 = arith.cmpi slt, %add3A_226, %lt3A_227 : i32
      %convert_element_type3A_229 = arith.extui %lt3A_228 : i1 to i32
      %cond3A_230 = arith.constant 0 : i32
      %cond3A_231 = arith.cmpi ne, %convert_element_type3A_229, %cond3A_230 : i32
      scf.if %cond3A_231 {
        %dma_wait3A_255 = arith.constant 0 : i32
        %dma_wait3A_256 = tpu.memref_slice %arg2[%mul3A_4, %dma_wait3A_255] : memref<2560x128xi32, #tpu.memory_space<hbm>> -> memref<1x128xi32, #tpu.memory_space<hbm>>
        %dma_wait3A_257 = tpu.memref_squeeze %dma_wait3A_256 : memref<1x128xi32, #tpu.memory_space<hbm>> -> memref<128xi32, #tpu.memory_space<hbm>>
        %dma_wait3A_258 = arith.constant 0 : i32
        %dma_wait3A_259 = tpu.memref_slice %arg2[%mul3A_4, %dma_wait3A_258] : memref<2560x128xi32, #tpu.memory_space<hbm>> -> memref<1x128xi32, #tpu.memory_space<hbm>>
        %dma_wait3A_260 = tpu.memref_squeeze %dma_wait3A_259 : memref<1x128xi32, #tpu.memory_space<hbm>> -> memref<128xi32, #tpu.memory_space<hbm>>
        tpu.wait_dma2 semaphore(%arg15 : memref<!tpu.dma_semaphore, #tpu.memory_space<semaphore_mem>>) src(%dma_wait3A_260 : memref<128xi32, #tpu.memory_space<hbm>>) dst(%arg5 : memref<128xi32, #tpu.memory_space<vmem>>)
        %ge3A = arith.constant 2 : i32
        %ge3A_261 = arith.cmpi sge, %add3A_221, %ge3A : i32
        %convert_element_type3A_262 = arith.extui %ge3A_261 : i1 to i32
        %cond3A_263 = arith.constant 0 : i32
        %cond3A_264 = arith.cmpi ne, %convert_element_type3A_262, %cond3A_263 : i32
        scf.if %cond3A_264 {
          %add3A_268 = arith.constant 0 : i32
          %add3A_269 = arith.addi %mul3A_4, %add3A_268 : i32
          %mul3A_270 = arith.constant 128 : i32
          %mul3A_271 = arith.muli %add3A_269, %mul3A_270 : i32
          %dma_wait3A_272 = arith.constant 0 : i32
          %dma_wait3A_273 = arith.constant 0 : i32
          %dma_wait3A_274 = arith.constant 0 : i32
          %dma_wait3A_275 = tpu.memref_slice %arg4[%dma_wait3A_272, %dma_wait3A_273, %dma_wait3A_274] : memref<1x327680x128xf32, #tpu.memory_space<hbm>> -> memref<1x327680x128xf32, #tpu.memory_space<hbm>>
          %dma_wait3A_276 = tpu.memref_squeeze %dma_wait3A_275 : memref<1x327680x128xf32, #tpu.memory_space<hbm>> -> memref<327680x128xf32, #tpu.memory_space<hbm>>
          %dma_wait3A_277 = arith.constant 0 : i32
          %dma_wait3A_278 = tpu.memref_slice %dma_wait3A_276[%mul3A_271, %dma_wait3A_277] : memref<327680x128xf32, #tpu.memory_space<hbm>> -> memref<128x128xf32, #tpu.memory_space<hbm>>
          %dma_wait3A_279 = arith.constant 0 : i32
          %dma_wait3A_280 = arith.constant 0 : i32
          %dma_wait3A_281 = tpu.memref_slice %arg4[%dma_wait3A_272, %dma_wait3A_279, %dma_wait3A_280] : memref<1x327680x128xf32, #tpu.memory_space<hbm>> -> memref<1x327680x128xf32, #tpu.memory_space<hbm>>
          %dma_wait3A_282 = tpu.memref_squeeze %dma_wait3A_281 : memref<1x327680x128xf32, #tpu.memory_space<hbm>> -> memref<327680x128xf32, #tpu.memory_space<hbm>>
          %dma_wait3A_283 = arith.constant 0 : i32
          %dma_wait3A_284 = tpu.memref_slice %dma_wait3A_282[%mul3A_271, %dma_wait3A_283] : memref<327680x128xf32, #tpu.memory_space<hbm>> -> memref<128x128xf32, #tpu.memory_space<hbm>>
          tpu.wait_dma2 semaphore(%arg18 : memref<!tpu.dma_semaphore, #tpu.memory_space<semaphore_mem>>) src(%arg8 : memref<128x128xf32, #tpu.memory_space<vmem>>) dst(%dma_wait3A_284 : memref<128x128xf32, #tpu.memory_space<hbm>>)
        } else {
        }
        %dma_start3A_265 = arith.constant 0 : i32
        %dma_start3A_266 = arith.constant 0 : i32
        %dma_start3A_267 = tpu.memref_slice %arg11[%dma_start3A_265, %dma_start3A_266] : memref<10112x128xf32, #tpu.memory_space<vmem_shared>> -> memref<10112x128xf32, #tpu.memory_space<vmem_shared>>
        tpu.enqueue_indirect_dma source(%dma_start3A_267 : memref<10112x128xf32, #tpu.memory_space<vmem_shared>>) target(%arg8 : memref<128x128xf32, #tpu.memory_space<vmem>>) offsets(%arg5 : memref<128xi32, #tpu.memory_space<vmem>>) semaphore(%arg12 : memref<!tpu.dma_semaphore, #tpu.memory_space<semaphore_mem>>)
      } else {
      }
      %add3A_232 = arith.addi %mul3A_4, %add3A_221 : i32
      %mul3A_233 = arith.constant 128 : i32
      %mul3A_234 = arith.muli %add3A_232, %mul3A_233 : i32
      %dma_start3A_235 = arith.constant 0 : i32
      %dma_start3A_236 = arith.constant 0 : i32
      %dma_start3A_237 = arith.constant 0 : i32
      %dma_start3A_238 = tpu.memref_slice %arg4[%dma_start3A_235, %dma_start3A_236, %dma_start3A_237] : memref<1x327680x128xf32, #tpu.memory_space<hbm>> -> memref<1x327680x128xf32, #tpu.memory_space<hbm>>
      %dma_start3A_239 = tpu.memref_squeeze %dma_start3A_238 : memref<1x327680x128xf32, #tpu.memory_space<hbm>> -> memref<327680x128xf32, #tpu.memory_space<hbm>>
      %dma_start3A_240 = arith.constant 0 : i32
      %dma_start3A_241 = tpu.memref_slice %dma_start3A_239[%mul3A_234, %dma_start3A_240] : memref<327680x128xf32, #tpu.memory_space<hbm>> -> memref<128x128xf32, #tpu.memory_space<hbm>>
      %dma_start3A_242 = arith.constant 0 : i32
      %dma_start3A_243 = arith.constant 0 : i32
      %dma_start3A_244 = tpu.memref_slice %arg4[%dma_start3A_235, %dma_start3A_242, %dma_start3A_243] : memref<1x327680x128xf32, #tpu.memory_space<hbm>> -> memref<1x327680x128xf32, #tpu.memory_space<hbm>>
      %dma_start3A_245 = tpu.memref_squeeze %dma_start3A_244 : memref<1x327680x128xf32, #tpu.memory_space<hbm>> -> memref<327680x128xf32, #tpu.memory_space<hbm>>
      %dma_start3A_246 = arith.constant 0 : i32
      %dma_start3A_247 = tpu.memref_slice %dma_start3A_245[%mul3A_234, %dma_start3A_246] : memref<327680x128xf32, #tpu.memory_space<hbm>> -> memref<128x128xf32, #tpu.memory_space<hbm>>
      tpu.enqueue_dma source(%arg10 : memref<128x128xf32, #tpu.memory_space<vmem>>) target(%dma_start3A_247 : memref<128x128xf32, #tpu.memory_space<hbm>>) target_semaphore(%arg20 : memref<!tpu.dma_semaphore, #tpu.memory_space<semaphore_mem>>)
      %add3A_248 = arith.constant 3 : i32
      %add3A_249 = arith.addi %add3A_221, %add3A_248 : i32
      %lt3A_250 = arith.constant 80 : i32
      %lt3A_251 = arith.cmpi slt, %add3A_249, %lt3A_250 : i32
      %convert_element_type3A_252 = arith.extui %lt3A_251 : i1 to i32
      %cond3A_253 = arith.constant 0 : i32
      %cond3A_254 = arith.cmpi ne, %convert_element_type3A_252, %cond3A_253 : i32
      scf.if %cond3A_254 {
        %add3A_255 = arith.addi %mul3A_4, %add3A_221 : i32
        %add3A_256 = arith.constant 3 : i32
        %add3A_257 = arith.addi %add3A_255, %add3A_256 : i32
        %dma_start3A_258 = arith.constant 0 : i32
        %dma_start3A_259 = tpu.memref_slice %arg2[%add3A_257, %dma_start3A_258] : memref<2560x128xi32, #tpu.memory_space<hbm>> -> memref<1x128xi32, #tpu.memory_space<hbm>>
        %dma_start3A_260 = tpu.memref_squeeze %dma_start3A_259 : memref<1x128xi32, #tpu.memory_space<hbm>> -> memref<128xi32, #tpu.memory_space<hbm>>
        %dma_start3A_261 = arith.constant 0 : i32
        %dma_start3A_262 = tpu.memref_slice %arg2[%add3A_257, %dma_start3A_261] : memref<2560x128xi32, #tpu.memory_space<hbm>> -> memref<1x128xi32, #tpu.memory_space<hbm>>
        %dma_start3A_263 = tpu.memref_squeeze %dma_start3A_262 : memref<1x128xi32, #tpu.memory_space<hbm>> -> memref<128xi32, #tpu.memory_space<hbm>>
        tpu.enqueue_dma source(%dma_start3A_263 : memref<128xi32, #tpu.memory_space<hbm>>) target(%arg7 : memref<128xi32, #tpu.memory_space<vmem>>) target_semaphore(%arg17 : memref<!tpu.dma_semaphore, #tpu.memory_space<semaphore_mem>>)
      } else {
      }
    }
    %scan3A_29 = arith.constant 26 : i32
    %dma_wait3A = arith.constant 0 : i32
    %dma_wait3A_30 = arith.constant 0 : i32
    %dma_wait3A_31 = tpu.memref_slice %arg11[%dma_wait3A, %dma_wait3A_30] : memref<10112x128xf32, #tpu.memory_space<vmem_shared>> -> memref<10112x128xf32, #tpu.memory_space<vmem_shared>>
    tpu.wait_indirect_dma semaphore(%arg12 : memref<!tpu.dma_semaphore, #tpu.memory_space<semaphore_mem>>) src(%dma_wait3A_31 : memref<10112x128xf32, #tpu.memory_space<vmem_shared>>) dst(%arg8 : memref<128x128xf32, #tpu.memory_space<vmem>>)
    %dma_wait3A_32 = arith.constant 0 : i32
    %dma_wait3A_33 = tpu.memref_slice %arg2[%mul3A_4, %dma_wait3A_32] : memref<2560x128xi32, #tpu.memory_space<hbm>> -> memref<1x128xi32, #tpu.memory_space<hbm>>
    %dma_wait3A_34 = tpu.memref_squeeze %dma_wait3A_33 : memref<1x128xi32, #tpu.memory_space<hbm>> -> memref<128xi32, #tpu.memory_space<hbm>>
    %dma_wait3A_35 = arith.constant 0 : i32
    %dma_wait3A_36 = tpu.memref_slice %arg2[%mul3A_4, %dma_wait3A_35] : memref<2560x128xi32, #tpu.memory_space<hbm>> -> memref<1x128xi32, #tpu.memory_space<hbm>>
    %dma_wait3A_37 = tpu.memref_squeeze %dma_wait3A_36 : memref<1x128xi32, #tpu.memory_space<hbm>> -> memref<128xi32, #tpu.memory_space<hbm>>
    tpu.wait_dma2 semaphore(%arg16 : memref<!tpu.dma_semaphore, #tpu.memory_space<semaphore_mem>>) src(%dma_wait3A_37 : memref<128xi32, #tpu.memory_space<hbm>>) dst(%arg6 : memref<128xi32, #tpu.memory_space<vmem>>)
    %add3A_38 = arith.constant 0 : i32
    %add3A_39 = arith.addi %mul3A_4, %add3A_38 : i32
    %mul3A_40 = arith.constant 128 : i32
    %mul3A_41 = arith.muli %add3A_39, %mul3A_40 : i32
    %dma_wait3A_42 = arith.constant 0 : i32
    %dma_wait3A_43 = arith.constant 0 : i32
    %dma_wait3A_44 = arith.constant 0 : i32
    %dma_wait3A_45 = tpu.memref_slice %arg4[%dma_wait3A_42, %dma_wait3A_43, %dma_wait3A_44] : memref<1x327680x128xf32, #tpu.memory_space<hbm>> -> memref<1x327680x128xf32, #tpu.memory_space<hbm>>
    %dma_wait3A_46 = tpu.memref_squeeze %dma_wait3A_45 : memref<1x327680x128xf32, #tpu.memory_space<hbm>> -> memref<327680x128xf32, #tpu.memory_space<hbm>>
    %dma_wait3A_47 = arith.constant 0 : i32
    %dma_wait3A_48 = tpu.memref_slice %dma_wait3A_46[%mul3A_41, %dma_wait3A_47] : memref<327680x128xf32, #tpu.memory_space<hbm>> -> memref<128x128xf32, #tpu.memory_space<hbm>>
    %dma_wait3A_49 = arith.constant 0 : i32
    %dma_wait3A_50 = arith.constant 0 : i32
    %dma_wait3A_51 = tpu.memref_slice %arg4[%dma_wait3A_42, %dma_wait3A_49, %dma_wait3A_50] : memref<1x327680x128xf32, #tpu.memory_space<hbm>> -> memref<1x327680x128xf32, #tpu.memory_space<hbm>>
    %dma_wait3A_52 = tpu.memref_squeeze %dma_wait3A_51 : memref<1x327680x128xf32, #tpu.memory_space<hbm>> -> memref<327680x128xf32, #tpu.memory_space<hbm>>
    %dma_wait3A_53 = arith.constant 0 : i32
    %dma_wait3A_54 = tpu.memref_slice %dma_wait3A_52[%mul3A_41, %dma_wait3A_53] : memref<327680x128xf32, #tpu.memory_space<hbm>> -> memref<128x128xf32, #tpu.memory_space<hbm>>
    tpu.wait_dma2 semaphore(%arg19 : memref<!tpu.dma_semaphore, #tpu.memory_space<semaphore_mem>>) src(%arg9 : memref<128x128xf32, #tpu.memory_space<vmem>>) dst(%dma_wait3A_54 : memref<128x128xf32, #tpu.memory_space<hbm>>)
    %dma_start3A_55 = arith.constant 0 : i32
    %dma_start3A_56 = arith.constant 0 : i32
    %dma_start3A_57 = tpu.memref_slice %arg11[%dma_start3A_55, %dma_start3A_56] : memref<10112x128xf32, #tpu.memory_space<vmem_shared>> -> memref<10112x128xf32, #tpu.memory_space<vmem_shared>>
    tpu.enqueue_indirect_dma source(%dma_start3A_57 : memref<10112x128xf32, #tpu.memory_space<vmem_shared>>) target(%arg9 : memref<128x128xf32, #tpu.memory_space<vmem>>) offsets(%arg6 : memref<128xi32, #tpu.memory_space<vmem>>) semaphore(%arg13 : memref<!tpu.dma_semaphore, #tpu.memory_space<semaphore_mem>>)
    %add3A_58 = arith.constant 78 : i32
    %add3A_59 = arith.addi %mul3A_4, %add3A_58 : i32
    %mul3A_60 = arith.constant 128 : i32
    %mul3A_61 = arith.muli %add3A_59, %mul3A_60 : i32
    %dma_start3A_62 = arith.constant 0 : i32
    %dma_start3A_63 = arith.constant 0 : i32
    %dma_start3A_64 = arith.constant 0 : i32
    %dma_start3A_65 = tpu.memref_slice %arg4[%dma_start3A_62, %dma_start3A_63, %dma_start3A_64] : memref<1x327680x128xf32, #tpu.memory_space<hbm>> -> memref<1x327680x128xf32, #tpu.memory_space<hbm>>
    %dma_start3A_66 = tpu.memref_squeeze %dma_start3A_65 : memref<1x327680x128xf32, #tpu.memory_space<hbm>> -> memref<327680x128xf32, #tpu.memory_space<hbm>>
    %dma_start3A_67 = arith.constant 0 : i32
    %dma_start3A_68 = tpu.memref_slice %dma_start3A_66[%mul3A_61, %dma_start3A_67] : memref<327680x128xf32, #tpu.memory_space<hbm>> -> memref<128x128xf32, #tpu.memory_space<hbm>>
    %dma_start3A_69 = arith.constant 0 : i32
    %dma_start3A_70 = arith.constant 0 : i32
    %dma_start3A_71 = tpu.memref_slice %arg4[%dma_start3A_62, %dma_start3A_69, %dma_start3A_70] : memref<1x327680x128xf32, #tpu.memory_space<hbm>> -> memref<1x327680x128xf32, #tpu.memory_space<hbm>>
    %dma_start3A_72 = tpu.memref_squeeze %dma_start3A_71 : memref<1x327680x128xf32, #tpu.memory_space<hbm>> -> memref<327680x128xf32, #tpu.memory_space<hbm>>
    %dma_start3A_73 = arith.constant 0 : i32
    %dma_start3A_74 = tpu.memref_slice %dma_start3A_72[%mul3A_61, %dma_start3A_73] : memref<327680x128xf32, #tpu.memory_space<hbm>> -> memref<128x128xf32, #tpu.memory_space<hbm>>
    tpu.enqueue_dma source(%arg8 : memref<128x128xf32, #tpu.memory_space<vmem>>) target(%dma_start3A_74 : memref<128x128xf32, #tpu.memory_space<hbm>>) target_semaphore(%arg18 : memref<!tpu.dma_semaphore, #tpu.memory_space<semaphore_mem>>)
    %dma_wait3A_75 = arith.constant 0 : i32
    %dma_wait3A_76 = arith.constant 0 : i32
    %dma_wait3A_77 = tpu.memref_slice %arg11[%dma_wait3A_75, %dma_wait3A_76] : memref<10112x128xf32, #tpu.memory_space<vmem_shared>> -> memref<10112x128xf32, #tpu.memory_space<vmem_shared>>
    tpu.wait_indirect_dma semaphore(%arg13 : memref<!tpu.dma_semaphore, #tpu.memory_space<semaphore_mem>>) src(%dma_wait3A_77 : memref<10112x128xf32, #tpu.memory_space<vmem_shared>>) dst(%arg9 : memref<128x128xf32, #tpu.memory_space<vmem>>)
    %add3A_78 = arith.constant 79 : i32
    %add3A_79 = arith.addi %mul3A_4, %add3A_78 : i32
    %mul3A_80 = arith.constant 128 : i32
    %mul3A_81 = arith.muli %add3A_79, %mul3A_80 : i32
    %dma_start3A_82 = arith.constant 0 : i32
    %dma_start3A_83 = arith.constant 0 : i32
    %dma_start3A_84 = arith.constant 0 : i32
    %dma_start3A_85 = tpu.memref_slice %arg4[%dma_start3A_82, %dma_start3A_83, %dma_start3A_84] : memref<1x327680x128xf32, #tpu.memory_space<hbm>> -> memref<1x327680x128xf32, #tpu.memory_space<hbm>>
    %dma_start3A_86 = tpu.memref_squeeze %dma_start3A_85 : memref<1x327680x128xf32, #tpu.memory_space<hbm>> -> memref<327680x128xf32, #tpu.memory_space<hbm>>
    %dma_start3A_87 = arith.constant 0 : i32
    %dma_start3A_88 = tpu.memref_slice %dma_start3A_86[%mul3A_81, %dma_start3A_87] : memref<327680x128xf32, #tpu.memory_space<hbm>> -> memref<128x128xf32, #tpu.memory_space<hbm>>
    %dma_start3A_89 = arith.constant 0 : i32
    %dma_start3A_90 = arith.constant 0 : i32
    %dma_start3A_91 = tpu.memref_slice %arg4[%dma_start3A_82, %dma_start3A_89, %dma_start3A_90] : memref<1x327680x128xf32, #tpu.memory_space<hbm>> -> memref<1x327680x128xf32, #tpu.memory_space<hbm>>
    %dma_start3A_92 = tpu.memref_squeeze %dma_start3A_91 : memref<1x327680x128xf32, #tpu.memory_space<hbm>> -> memref<327680x128xf32, #tpu.memory_space<hbm>>
    %dma_start3A_93 = arith.constant 0 : i32
    %dma_start3A_94 = tpu.memref_slice %dma_start3A_92[%mul3A_81, %dma_start3A_93] : memref<327680x128xf32, #tpu.memory_space<hbm>> -> memref<128x128xf32, #tpu.memory_space<hbm>>
    tpu.enqueue_dma source(%arg9 : memref<128x128xf32, #tpu.memory_space<vmem>>) target(%dma_start3A_94 : memref<128x128xf32, #tpu.memory_space<hbm>>) target_semaphore(%arg19 : memref<!tpu.dma_semaphore, #tpu.memory_space<semaphore_mem>>)
    %add3A_95 = arith.constant 0 : i32
    %add3A_96 = arith.addi %mul3A_4, %add3A_95 : i32
    %mul3A_97 = arith.constant 128 : i32
    %mul3A_98 = arith.muli %add3A_96, %mul3A_97 : i32
    %dma_wait3A_99 = arith.constant 0 : i32
    %dma_wait3A_100 = arith.constant 0 : i32
    %dma_wait3A_101 = arith.constant 0 : i32
    %dma_wait3A_102 = tpu.memref_slice %arg4[%dma_wait3A_99, %dma_wait3A_100, %dma_wait3A_101] : memref<1x327680x128xf32, #tpu.memory_space<hbm>> -> memref<1x327680x128xf32, #tpu.memory_space<hbm>>
    %dma_wait3A_103 = tpu.memref_squeeze %dma_wait3A_102 : memref<1x327680x128xf32, #tpu.memory_space<hbm>> -> memref<327680x128xf32, #tpu.memory_space<hbm>>
    %dma_wait3A_104 = arith.constant 0 : i32
    %dma_wait3A_105 = tpu.memref_slice %dma_wait3A_103[%mul3A_98, %dma_wait3A_104] : memref<327680x128xf32, #tpu.memory_space<hbm>> -> memref<128x128xf32, #tpu.memory_space<hbm>>
    %dma_wait3A_106 = arith.constant 0 : i32
    %dma_wait3A_107 = arith.constant 0 : i32
    %dma_wait3A_108 = tpu.memref_slice %arg4[%dma_wait3A_99, %dma_wait3A_106, %dma_wait3A_107] : memref<1x327680x128xf32, #tpu.memory_space<hbm>> -> memref<1x327680x128xf32, #tpu.memory_space<hbm>>
    %dma_wait3A_109 = tpu.memref_squeeze %dma_wait3A_108 : memref<1x327680x128xf32, #tpu.memory_space<hbm>> -> memref<327680x128xf32, #tpu.memory_space<hbm>>
    %dma_wait3A_110 = arith.constant 0 : i32
    %dma_wait3A_111 = tpu.memref_slice %dma_wait3A_109[%mul3A_98, %dma_wait3A_110] : memref<327680x128xf32, #tpu.memory_space<hbm>> -> memref<128x128xf32, #tpu.memory_space<hbm>>
    tpu.wait_dma2 semaphore(%arg20 : memref<!tpu.dma_semaphore, #tpu.memory_space<semaphore_mem>>) src(%arg10 : memref<128x128xf32, #tpu.memory_space<vmem>>) dst(%dma_wait3A_111 : memref<128x128xf32, #tpu.memory_space<hbm>>)
    %add3A_112 = arith.constant 0 : i32
    %add3A_113 = arith.addi %mul3A_4, %add3A_112 : i32
    %mul3A_114 = arith.constant 128 : i32
    %mul3A_115 = arith.muli %add3A_113, %mul3A_114 : i32
    %dma_wait3A_116 = arith.constant 0 : i32
    %dma_wait3A_117 = arith.constant 0 : i32
    %dma_wait3A_118 = arith.constant 0 : i32
    %dma_wait3A_119 = tpu.memref_slice %arg4[%dma_wait3A_116, %dma_wait3A_117, %dma_wait3A_118] : memref<1x327680x128xf32, #tpu.memory_space<hbm>> -> memref<1x327680x128xf32, #tpu.memory_space<hbm>>
    %dma_wait3A_120 = tpu.memref_squeeze %dma_wait3A_119 : memref<1x327680x128xf32, #tpu.memory_space<hbm>> -> memref<327680x128xf32, #tpu.memory_space<hbm>>
    %dma_wait3A_121 = arith.constant 0 : i32
    %dma_wait3A_122 = tpu.memref_slice %dma_wait3A_120[%mul3A_115, %dma_wait3A_121] : memref<327680x128xf32, #tpu.memory_space<hbm>> -> memref<128x128xf32, #tpu.memory_space<hbm>>
    %dma_wait3A_123 = arith.constant 0 : i32
    %dma_wait3A_124 = arith.constant 0 : i32
    %dma_wait3A_125 = tpu.memref_slice %arg4[%dma_wait3A_116, %dma_wait3A_123, %dma_wait3A_124] : memref<1x327680x128xf32, #tpu.memory_space<hbm>> -> memref<1x327680x128xf32, #tpu.memory_space<hbm>>
    %dma_wait3A_126 = tpu.memref_squeeze %dma_wait3A_125 : memref<1x327680x128xf32, #tpu.memory_space<hbm>> -> memref<327680x128xf32, #tpu.memory_space<hbm>>
    %dma_wait3A_127 = arith.constant 0 : i32
    %dma_wait3A_128 = tpu.memref_slice %dma_wait3A_126[%mul3A_115, %dma_wait3A_127] : memref<327680x128xf32, #tpu.memory_space<hbm>> -> memref<128x128xf32, #tpu.memory_space<hbm>>
    tpu.wait_dma2 semaphore(%arg18 : memref<!tpu.dma_semaphore, #tpu.memory_space<semaphore_mem>>) src(%arg8 : memref<128x128xf32, #tpu.memory_space<vmem>>) dst(%dma_wait3A_128 : memref<128x128xf32, #tpu.memory_space<hbm>>)
    %add3A_129 = arith.constant 0 : i32
    %add3A_130 = arith.addi %mul3A_4, %add3A_129 : i32
    %mul3A_131 = arith.constant 128 : i32
    %mul3A_132 = arith.muli %add3A_130, %mul3A_131 : i32
    %dma_wait3A_133 = arith.constant 0 : i32
    %dma_wait3A_134 = arith.constant 0 : i32
    %dma_wait3A_135 = arith.constant 0 : i32
    %dma_wait3A_136 = tpu.memref_slice %arg4[%dma_wait3A_133, %dma_wait3A_134, %dma_wait3A_135] : memref<1x327680x128xf32, #tpu.memory_space<hbm>> -> memref<1x327680x128xf32, #tpu.memory_space<hbm>>
    %dma_wait3A_137 = tpu.memref_squeeze %dma_wait3A_136 : memref<1x327680x128xf32, #tpu.memory_space<hbm>> -> memref<327680x128xf32, #tpu.memory_space<hbm>>
    %dma_wait3A_138 = arith.constant 0 : i32
    %dma_wait3A_139 = tpu.memref_slice %dma_wait3A_137[%mul3A_132, %dma_wait3A_138] : memref<327680x128xf32, #tpu.memory_space<hbm>> -> memref<128x128xf32, #tpu.memory_space<hbm>>
    %dma_wait3A_140 = arith.constant 0 : i32
    %dma_wait3A_141 = arith.constant 0 : i32
    %dma_wait3A_142 = tpu.memref_slice %arg4[%dma_wait3A_133, %dma_wait3A_140, %dma_wait3A_141] : memref<1x327680x128xf32, #tpu.memory_space<hbm>> -> memref<1x327680x128xf32, #tpu.memory_space<hbm>>
    %dma_wait3A_143 = tpu.memref_squeeze %dma_wait3A_142 : memref<1x327680x128xf32, #tpu.memory_space<hbm>> -> memref<327680x128xf32, #tpu.memory_space<hbm>>
    %dma_wait3A_144 = arith.constant 0 : i32
    %dma_wait3A_145 = tpu.memref_slice %dma_wait3A_143[%mul3A_132, %dma_wait3A_144] : memref<327680x128xf32, #tpu.memory_space<hbm>> -> memref<128x128xf32, #tpu.memory_space<hbm>>
    tpu.wait_dma2 semaphore(%arg19 : memref<!tpu.dma_semaphore, #tpu.memory_space<semaphore_mem>>) src(%arg9 : memref<128x128xf32, #tpu.memory_space<vmem>>) dst(%dma_wait3A_145 : memref<128x128xf32, #tpu.memory_space<hbm>>)
    return
  }
}

#map = affine_map<(d0, d1) -> (0, 0)>
#map1 = affine_map<(d0, d1) -> (0, 0, 0)>
module attributes {stable_mosaic.version = 14 : i64} {
  func.func @_sca_body(%arg0: i32, %arg1: i32, %arg2: memref<2560x128xi32, #tpu.memory_space<hbm>>, %arg3: memref<1x327680x128xf32, #tpu.memory_space<hbm>>, %arg4: memref<10240x128xf32, #tpu.memory_space<hbm>>, %arg5: memref<2x10240x128xf32, #tpu.memory_space<hbm>>, %arg6: memref<128xi32, #tpu.memory_space<vmem>>, %arg7: memref<128xi32, #tpu.memory_space<vmem>>, %arg8: memref<128x128xf32, #tpu.memory_space<vmem>>, %arg9: memref<128x128xf32, #tpu.memory_space<vmem>>, %arg10: memref<10240x128xf32, #tpu.memory_space<vmem_shared>>, %arg11: memref<!tpu.dma_semaphore, #tpu.memory_space<semaphore_mem>>, %arg12: memref<!tpu.dma_semaphore, #tpu.memory_space<semaphore_mem>>, %arg13: memref<!tpu.dma_semaphore, #tpu.memory_space<semaphore_mem>>, %arg14: memref<!tpu.dma_semaphore, #tpu.memory_space<semaphore_mem>>) attributes {dimension_semantics = [#tpu.dimension_semantics<core_parallel>, #tpu.dimension_semantics<subcore_parallel>], iteration_bounds = array<i64: 2, 16>, scalar_prefetch = 0 : i64, scratch_operands = 9 : i64, tpu.core_type = #tpu.core_type<sc_vector_subcore>, window_params = [{transform_indices = #map}, {transform_indices = #map1}, {transform_indices = #map}, {transform_indices = #map1}]} {
    %mul3A = arith.constant 640 : i32
    %mul3A_0 = arith.muli %arg1, %mul3A : i32
    %mul3A_1 = arith.constant 16 : i32
    %mul3A_2 = arith.muli %arg0, %mul3A_1 : i32
    %add3A = arith.addi %mul3A_2, %arg1 : i32
    %mul3A_3 = arith.constant 80 : i32
    %mul3A_4 = arith.muli %add3A, %mul3A_3 : i32
    "tpu.region"() ({
      %run_scoped3A = tpu.sem_alloc : memref<!tpu.dma_semaphore, #tpu.memory_space<semaphore_mem>>
      %dma_start3A_35 = arith.constant 0 : i32
      %dma_start3A_36 = tpu.memref_slice %arg10[%mul3A_0, %dma_start3A_35] : memref<10240x128xf32, #tpu.memory_space<vmem_shared>> -> memref<640x128xf32, #tpu.memory_space<vmem_shared>>
      %dma_start3A_37 = arith.constant 0 : i32
      %dma_start3A_38 = tpu.memref_slice %arg4[%mul3A_0, %dma_start3A_37] : memref<10240x128xf32, #tpu.memory_space<hbm>> -> memref<640x128xf32, #tpu.memory_space<hbm>>
      tpu.enqueue_dma source(%dma_start3A_38 : memref<640x128xf32, #tpu.memory_space<hbm>>) target(%dma_start3A_36 : memref<640x128xf32, #tpu.memory_space<vmem_shared>>) target_semaphore(%run_scoped3A : memref<!tpu.dma_semaphore, #tpu.memory_space<semaphore_mem>>)
      %dma_wait3A = arith.constant 0 : i32
      %dma_wait3A_39 = tpu.memref_slice %arg10[%mul3A_0, %dma_wait3A] : memref<10240x128xf32, #tpu.memory_space<vmem_shared>> -> memref<640x128xf32, #tpu.memory_space<vmem_shared>>
      %dma_wait3A_40 = arith.constant 0 : i32
      %dma_wait3A_41 = tpu.memref_slice %arg4[%mul3A_0, %dma_wait3A_40] : memref<10240x128xf32, #tpu.memory_space<hbm>> -> memref<640x128xf32, #tpu.memory_space<hbm>>
      tpu.wait_dma2 semaphore(%run_scoped3A : memref<!tpu.dma_semaphore, #tpu.memory_space<semaphore_mem>>) src(%dma_wait3A_41 : memref<640x128xf32, #tpu.memory_space<hbm>>) dst(%dma_wait3A_39 : memref<640x128xf32, #tpu.memory_space<vmem_shared>>)
      tpu.yield
    }) : () -> ()
    %barrier3A = arith.constant 0 : index
    tpu.barrier barrier_id(%barrier3A)
    "tpu.region"() ({
      %run_scoped3A = tpu.sem_alloc : memref<!tpu.dma_semaphore, #tpu.memory_space<semaphore_mem>>
      %dma_start3A_35 = arith.constant 0 : i32
      %dma_start3A_36 = tpu.memref_slice %arg2[%mul3A_4, %dma_start3A_35] : memref<2560x128xi32, #tpu.memory_space<hbm>> -> memref<1x128xi32, #tpu.memory_space<hbm>>
      %dma_start3A_37 = tpu.memref_squeeze %dma_start3A_36 : memref<1x128xi32, #tpu.memory_space<hbm>> -> memref<128xi32, #tpu.memory_space<hbm>>
      %dma_start3A_38 = arith.constant 0 : i32
      %dma_start3A_39 = tpu.memref_slice %arg2[%mul3A_4, %dma_start3A_38] : memref<2560x128xi32, #tpu.memory_space<hbm>> -> memref<1x128xi32, #tpu.memory_space<hbm>>
      %dma_start3A_40 = tpu.memref_squeeze %dma_start3A_39 : memref<1x128xi32, #tpu.memory_space<hbm>> -> memref<128xi32, #tpu.memory_space<hbm>>
      tpu.enqueue_dma source(%dma_start3A_40 : memref<128xi32, #tpu.memory_space<hbm>>) target(%arg6 : memref<128xi32, #tpu.memory_space<vmem>>) target_semaphore(%run_scoped3A : memref<!tpu.dma_semaphore, #tpu.memory_space<semaphore_mem>>)
      %dma_wait3A = arith.constant 0 : i32
      %dma_wait3A_41 = tpu.memref_slice %arg2[%mul3A_4, %dma_wait3A] : memref<2560x128xi32, #tpu.memory_space<hbm>> -> memref<1x128xi32, #tpu.memory_space<hbm>>
      %dma_wait3A_42 = tpu.memref_squeeze %dma_wait3A_41 : memref<1x128xi32, #tpu.memory_space<hbm>> -> memref<128xi32, #tpu.memory_space<hbm>>
      %dma_wait3A_43 = arith.constant 0 : i32
      %dma_wait3A_44 = tpu.memref_slice %arg2[%mul3A_4, %dma_wait3A_43] : memref<2560x128xi32, #tpu.memory_space<hbm>> -> memref<1x128xi32, #tpu.memory_space<hbm>>
      %dma_wait3A_45 = tpu.memref_squeeze %dma_wait3A_44 : memref<1x128xi32, #tpu.memory_space<hbm>> -> memref<128xi32, #tpu.memory_space<hbm>>
      tpu.wait_dma2 semaphore(%run_scoped3A : memref<!tpu.dma_semaphore, #tpu.memory_space<semaphore_mem>>) src(%dma_wait3A_45 : memref<128xi32, #tpu.memory_space<hbm>>) dst(%arg6 : memref<128xi32, #tpu.memory_space<vmem>>)
      tpu.yield
    }) : () -> ()
    %add3A_5 = arith.constant 1 : i32
    %add3A_6 = arith.addi %mul3A_4, %add3A_5 : i32
    %dma_start3A = arith.constant 0 : i32
    %dma_start3A_7 = tpu.memref_slice %arg2[%add3A_6, %dma_start3A] : memref<2560x128xi32, #tpu.memory_space<hbm>> -> memref<1x128xi32, #tpu.memory_space<hbm>>
    %dma_start3A_8 = tpu.memref_squeeze %dma_start3A_7 : memref<1x128xi32, #tpu.memory_space<hbm>> -> memref<128xi32, #tpu.memory_space<hbm>>
    %dma_start3A_9 = arith.constant 0 : i32
    %dma_start3A_10 = tpu.memref_slice %arg2[%add3A_6, %dma_start3A_9] : memref<2560x128xi32, #tpu.memory_space<hbm>> -> memref<1x128xi32, #tpu.memory_space<hbm>>
    %dma_start3A_11 = tpu.memref_squeeze %dma_start3A_10 : memref<1x128xi32, #tpu.memory_space<hbm>> -> memref<128xi32, #tpu.memory_space<hbm>>
    tpu.enqueue_dma source(%dma_start3A_11 : memref<128xi32, #tpu.memory_space<hbm>>) target(%arg7 : memref<128xi32, #tpu.memory_space<vmem>>) target_semaphore(%arg14 : memref<!tpu.dma_semaphore, #tpu.memory_space<semaphore_mem>>)
    %add3A_12 = arith.constant 0 : i32
    %add3A_13 = arith.addi %mul3A_4, %add3A_12 : i32
    %mul3A_14 = arith.constant 128 : i32
    %mul3A_15 = arith.muli %add3A_13, %mul3A_14 : i32
    %dma_start3A_16 = arith.constant 0 : i32
    %dma_start3A_17 = arith.constant 0 : i32
    %dma_start3A_18 = arith.constant 0 : i32
    %dma_start3A_19 = tpu.memref_slice %arg3[%dma_start3A_16, %dma_start3A_17, %dma_start3A_18] : memref<1x327680x128xf32, #tpu.memory_space<hbm>> -> memref<1x327680x128xf32, #tpu.memory_space<hbm>>
    %dma_start3A_20 = tpu.memref_squeeze %dma_start3A_19 : memref<1x327680x128xf32, #tpu.memory_space<hbm>> -> memref<327680x128xf32, #tpu.memory_space<hbm>>
    %dma_start3A_21 = arith.constant 0 : i32
    %dma_start3A_22 = tpu.memref_slice %dma_start3A_20[%mul3A_15, %dma_start3A_21] : memref<327680x128xf32, #tpu.memory_space<hbm>> -> memref<128x128xf32, #tpu.memory_space<hbm>>
    %dma_start3A_23 = arith.constant 0 : i32
    %dma_start3A_24 = arith.constant 0 : i32
    %dma_start3A_25 = tpu.memref_slice %arg3[%dma_start3A_16, %dma_start3A_23, %dma_start3A_24] : memref<1x327680x128xf32, #tpu.memory_space<hbm>> -> memref<1x327680x128xf32, #tpu.memory_space<hbm>>
    %dma_start3A_26 = tpu.memref_squeeze %dma_start3A_25 : memref<1x327680x128xf32, #tpu.memory_space<hbm>> -> memref<327680x128xf32, #tpu.memory_space<hbm>>
    %dma_start3A_27 = arith.constant 0 : i32
    %dma_start3A_28 = tpu.memref_slice %dma_start3A_26[%mul3A_15, %dma_start3A_27] : memref<327680x128xf32, #tpu.memory_space<hbm>> -> memref<128x128xf32, #tpu.memory_space<hbm>>
    tpu.enqueue_dma source(%dma_start3A_28 : memref<128x128xf32, #tpu.memory_space<hbm>>) target(%arg8 : memref<128x128xf32, #tpu.memory_space<vmem>>) target_semaphore(%arg11 : memref<!tpu.dma_semaphore, #tpu.memory_space<semaphore_mem>>)
    %scan3A = arith.constant 0 : i32
    %scan3A_29 = arith.constant 0 : i32
    %scan3A_30 = arith.constant 40 : i32
    %scan3A_31 = arith.addi %scan3A_29, %scan3A_30 : i32
    %scan3A_32 = arith.constant 1 : i32
    scf.for %scan3A_35 = %scan3A_29 to %scan3A_31 step %scan3A_32  : i32 {
      %mul3A_36 = arith.constant 2 : i32
      %mul3A_37 = arith.muli %scan3A_35, %mul3A_36 : i32
      %add3A_38 = arith.constant 0 : i32
      %add3A_39 = arith.addi %mul3A_37, %add3A_38 : i32
      %add3A_40 = arith.addi %mul3A_4, %add3A_39 : i32
      %mul3A_41 = arith.constant 128 : i32
      %mul3A_42 = arith.muli %add3A_40, %mul3A_41 : i32
      %dma_wait3A = arith.constant 0 : i32
      %dma_wait3A_43 = arith.constant 0 : i32
      %dma_wait3A_44 = arith.constant 0 : i32
      %dma_wait3A_45 = tpu.memref_slice %arg3[%dma_wait3A, %dma_wait3A_43, %dma_wait3A_44] : memref<1x327680x128xf32, #tpu.memory_space<hbm>> -> memref<1x327680x128xf32, #tpu.memory_space<hbm>>
      %dma_wait3A_46 = tpu.memref_squeeze %dma_wait3A_45 : memref<1x327680x128xf32, #tpu.memory_space<hbm>> -> memref<327680x128xf32, #tpu.memory_space<hbm>>
      %dma_wait3A_47 = arith.constant 0 : i32
      %dma_wait3A_48 = tpu.memref_slice %dma_wait3A_46[%mul3A_42, %dma_wait3A_47] : memref<327680x128xf32, #tpu.memory_space<hbm>> -> memref<128x128xf32, #tpu.memory_space<hbm>>
      %dma_wait3A_49 = arith.constant 0 : i32
      %dma_wait3A_50 = arith.constant 0 : i32
      %dma_wait3A_51 = tpu.memref_slice %arg3[%dma_wait3A, %dma_wait3A_49, %dma_wait3A_50] : memref<1x327680x128xf32, #tpu.memory_space<hbm>> -> memref<1x327680x128xf32, #tpu.memory_space<hbm>>
      %dma_wait3A_52 = tpu.memref_squeeze %dma_wait3A_51 : memref<1x327680x128xf32, #tpu.memory_space<hbm>> -> memref<327680x128xf32, #tpu.memory_space<hbm>>
      %dma_wait3A_53 = arith.constant 0 : i32
      %dma_wait3A_54 = tpu.memref_slice %dma_wait3A_52[%mul3A_42, %dma_wait3A_53] : memref<327680x128xf32, #tpu.memory_space<hbm>> -> memref<128x128xf32, #tpu.memory_space<hbm>>
      tpu.wait_dma2 semaphore(%arg11 : memref<!tpu.dma_semaphore, #tpu.memory_space<semaphore_mem>>) src(%dma_wait3A_54 : memref<128x128xf32, #tpu.memory_space<hbm>>) dst(%arg8 : memref<128x128xf32, #tpu.memory_space<vmem>>)
      %add3A_55 = arith.constant 1 : i32
      %add3A_56 = arith.addi %add3A_39, %add3A_55 : i32
      %lt3A = arith.constant 80 : i32
      %lt3A_57 = arith.cmpi slt, %add3A_56, %lt3A : i32
      %convert_element_type3A = arith.extui %lt3A_57 : i1 to i32
      %cond3A = arith.constant 0 : i32
      %cond3A_58 = arith.cmpi ne, %convert_element_type3A, %cond3A : i32
      scf.if %cond3A_58 {
        %add3A_109 = arith.constant 1 : i32
        %add3A_110 = arith.addi %add3A_39, %add3A_109 : i32
        %add3A_111 = arith.addi %mul3A_4, %add3A_110 : i32
        %mul3A_112 = arith.constant 128 : i32
        %mul3A_113 = arith.muli %add3A_111, %mul3A_112 : i32
        %dma_start3A_114 = arith.constant 0 : i32
        %dma_start3A_115 = arith.constant 0 : i32
        %dma_start3A_116 = arith.constant 0 : i32
        %dma_start3A_117 = tpu.memref_slice %arg3[%dma_start3A_114, %dma_start3A_115, %dma_start3A_116] : memref<1x327680x128xf32, #tpu.memory_space<hbm>> -> memref<1x327680x128xf32, #tpu.memory_space<hbm>>
        %dma_start3A_118 = tpu.memref_squeeze %dma_start3A_117 : memref<1x327680x128xf32, #tpu.memory_space<hbm>> -> memref<327680x128xf32, #tpu.memory_space<hbm>>
        %dma_start3A_119 = arith.constant 0 : i32
        %dma_start3A_120 = tpu.memref_slice %dma_start3A_118[%mul3A_113, %dma_start3A_119] : memref<327680x128xf32, #tpu.memory_space<hbm>> -> memref<128x128xf32, #tpu.memory_space<hbm>>
        %dma_start3A_121 = arith.constant 0 : i32
        %dma_start3A_122 = arith.constant 0 : i32
        %dma_start3A_123 = tpu.memref_slice %arg3[%dma_start3A_114, %dma_start3A_121, %dma_start3A_122] : memref<1x327680x128xf32, #tpu.memory_space<hbm>> -> memref<1x327680x128xf32, #tpu.memory_space<hbm>>
        %dma_start3A_124 = tpu.memref_squeeze %dma_start3A_123 : memref<1x327680x128xf32, #tpu.memory_space<hbm>> -> memref<327680x128xf32, #tpu.memory_space<hbm>>
        %dma_start3A_125 = arith.constant 0 : i32
        %dma_start3A_126 = tpu.memref_slice %dma_start3A_124[%mul3A_113, %dma_start3A_125] : memref<327680x128xf32, #tpu.memory_space<hbm>> -> memref<128x128xf32, #tpu.memory_space<hbm>>
        tpu.enqueue_dma source(%dma_start3A_126 : memref<128x128xf32, #tpu.memory_space<hbm>>) target(%arg9 : memref<128x128xf32, #tpu.memory_space<vmem>>) target_semaphore(%arg12 : memref<!tpu.dma_semaphore, #tpu.memory_space<semaphore_mem>>)
      } else {
      }
      %ge3A = arith.constant 1 : i32
      %ge3A_59 = arith.cmpi sge, %add3A_39, %ge3A : i32
      %convert_element_type3A_60 = arith.extui %ge3A_59 : i1 to i32
      %cond3A_61 = arith.constant 0 : i32
      %cond3A_62 = arith.cmpi ne, %convert_element_type3A_60, %cond3A_61 : i32
      scf.if %cond3A_62 {
        %dma_wait3A_109 = arith.constant 0 : i32
        %dma_wait3A_110 = tpu.memref_slice %arg2[%mul3A_4, %dma_wait3A_109] : memref<2560x128xi32, #tpu.memory_space<hbm>> -> memref<1x128xi32, #tpu.memory_space<hbm>>
        %dma_wait3A_111 = tpu.memref_squeeze %dma_wait3A_110 : memref<1x128xi32, #tpu.memory_space<hbm>> -> memref<128xi32, #tpu.memory_space<hbm>>
        %dma_wait3A_112 = arith.constant 0 : i32
        %dma_wait3A_113 = tpu.memref_slice %arg2[%mul3A_4, %dma_wait3A_112] : memref<2560x128xi32, #tpu.memory_space<hbm>> -> memref<1x128xi32, #tpu.memory_space<hbm>>
        %dma_wait3A_114 = tpu.memref_squeeze %dma_wait3A_113 : memref<1x128xi32, #tpu.memory_space<hbm>> -> memref<128xi32, #tpu.memory_space<hbm>>
        tpu.wait_dma2 semaphore(%arg13 : memref<!tpu.dma_semaphore, #tpu.memory_space<semaphore_mem>>) src(%dma_wait3A_114 : memref<128xi32, #tpu.memory_space<hbm>>) dst(%arg6 : memref<128xi32, #tpu.memory_space<vmem>>)
      } else {
      }
      "tpu.region"() ({
        %run_scoped3A = tpu.sem_alloc : memref<!tpu.dma_semaphore, #tpu.memory_space<semaphore_mem>>
        %dma_start3A_109 = arith.constant 0 : i32
        %dma_start3A_110 = arith.constant 0 : i32
        %dma_start3A_111 = tpu.memref_slice %arg10[%dma_start3A_109, %dma_start3A_110] : memref<10240x128xf32, #tpu.memory_space<vmem_shared>> -> memref<10240x128xf32, #tpu.memory_space<vmem_shared>>
        tpu.enqueue_indirect_dma source(%arg8 : memref<128x128xf32, #tpu.memory_space<vmem>>) target(%dma_start3A_111 : memref<10240x128xf32, #tpu.memory_space<vmem_shared>>) offsets(%arg6 : memref<128xi32, #tpu.memory_space<vmem>>) semaphore(%run_scoped3A : memref<!tpu.dma_semaphore, #tpu.memory_space<semaphore_mem>>) {add = true}
        %dma_wait3A_112 = arith.constant 0 : i32
        %dma_wait3A_113 = arith.constant 0 : i32
        %dma_wait3A_114 = tpu.memref_slice %arg10[%dma_wait3A_112, %dma_wait3A_113] : memref<10240x128xf32, #tpu.memory_space<vmem_shared>> -> memref<10240x128xf32, #tpu.memory_space<vmem_shared>>
        tpu.wait_indirect_dma semaphore(%run_scoped3A : memref<!tpu.dma_semaphore, #tpu.memory_space<semaphore_mem>>) src(%arg8 : memref<128x128xf32, #tpu.memory_space<vmem>>) dst(%dma_wait3A_114 : memref<10240x128xf32, #tpu.memory_space<vmem_shared>>)
        tpu.yield
      }) : () -> ()
      %add3A_63 = arith.constant 2 : i32
      %add3A_64 = arith.addi %add3A_39, %add3A_63 : i32
      %lt3A_65 = arith.constant 80 : i32
      %lt3A_66 = arith.cmpi slt, %add3A_64, %lt3A_65 : i32
      %convert_element_type3A_67 = arith.extui %lt3A_66 : i1 to i32
      %cond3A_68 = arith.constant 0 : i32
      %cond3A_69 = arith.cmpi ne, %convert_element_type3A_67, %cond3A_68 : i32
      scf.if %cond3A_69 {
        %add3A_109 = arith.addi %mul3A_4, %add3A_39 : i32
        %add3A_110 = arith.constant 2 : i32
        %add3A_111 = arith.addi %add3A_109, %add3A_110 : i32
        %dma_start3A_112 = arith.constant 0 : i32
        %dma_start3A_113 = tpu.memref_slice %arg2[%add3A_111, %dma_start3A_112] : memref<2560x128xi32, #tpu.memory_space<hbm>> -> memref<1x128xi32, #tpu.memory_space<hbm>>
        %dma_start3A_114 = tpu.memref_squeeze %dma_start3A_113 : memref<1x128xi32, #tpu.memory_space<hbm>> -> memref<128xi32, #tpu.memory_space<hbm>>
        %dma_start3A_115 = arith.constant 0 : i32
        %dma_start3A_116 = tpu.memref_slice %arg2[%add3A_111, %dma_start3A_115] : memref<2560x128xi32, #tpu.memory_space<hbm>> -> memref<1x128xi32, #tpu.memory_space<hbm>>
        %dma_start3A_117 = tpu.memref_squeeze %dma_start3A_116 : memref<1x128xi32, #tpu.memory_space<hbm>> -> memref<128xi32, #tpu.memory_space<hbm>>
        tpu.enqueue_dma source(%dma_start3A_117 : memref<128xi32, #tpu.memory_space<hbm>>) target(%arg6 : memref<128xi32, #tpu.memory_space<vmem>>) target_semaphore(%arg13 : memref<!tpu.dma_semaphore, #tpu.memory_space<semaphore_mem>>)
      } else {
      }
      %mul3A_70 = arith.constant 2 : i32
      %mul3A_71 = arith.muli %scan3A_35, %mul3A_70 : i32
      %add3A_72 = arith.constant 1 : i32
      %add3A_73 = arith.addi %mul3A_71, %add3A_72 : i32
      %add3A_74 = arith.addi %mul3A_4, %add3A_73 : i32
      %mul3A_75 = arith.constant 128 : i32
      %mul3A_76 = arith.muli %add3A_74, %mul3A_75 : i32
      %dma_wait3A_77 = arith.constant 0 : i32
      %dma_wait3A_78 = arith.constant 0 : i32
      %dma_wait3A_79 = arith.constant 0 : i32
      %dma_wait3A_80 = tpu.memref_slice %arg3[%dma_wait3A_77, %dma_wait3A_78, %dma_wait3A_79] : memref<1x327680x128xf32, #tpu.memory_space<hbm>> -> memref<1x327680x128xf32, #tpu.memory_space<hbm>>
      %dma_wait3A_81 = tpu.memref_squeeze %dma_wait3A_80 : memref<1x327680x128xf32, #tpu.memory_space<hbm>> -> memref<327680x128xf32, #tpu.memory_space<hbm>>
      %dma_wait3A_82 = arith.constant 0 : i32
      %dma_wait3A_83 = tpu.memref_slice %dma_wait3A_81[%mul3A_76, %dma_wait3A_82] : memref<327680x128xf32, #tpu.memory_space<hbm>> -> memref<128x128xf32, #tpu.memory_space<hbm>>
      %dma_wait3A_84 = arith.constant 0 : i32
      %dma_wait3A_85 = arith.constant 0 : i32
      %dma_wait3A_86 = tpu.memref_slice %arg3[%dma_wait3A_77, %dma_wait3A_84, %dma_wait3A_85] : memref<1x327680x128xf32, #tpu.memory_space<hbm>> -> memref<1x327680x128xf32, #tpu.memory_space<hbm>>
      %dma_wait3A_87 = tpu.memref_squeeze %dma_wait3A_86 : memref<1x327680x128xf32, #tpu.memory_space<hbm>> -> memref<327680x128xf32, #tpu.memory_space<hbm>>
      %dma_wait3A_88 = arith.constant 0 : i32
      %dma_wait3A_89 = tpu.memref_slice %dma_wait3A_87[%mul3A_76, %dma_wait3A_88] : memref<327680x128xf32, #tpu.memory_space<hbm>> -> memref<128x128xf32, #tpu.memory_space<hbm>>
      tpu.wait_dma2 semaphore(%arg12 : memref<!tpu.dma_semaphore, #tpu.memory_space<semaphore_mem>>) src(%dma_wait3A_89 : memref<128x128xf32, #tpu.memory_space<hbm>>) dst(%arg9 : memref<128x128xf32, #tpu.memory_space<vmem>>)
      %add3A_90 = arith.constant 1 : i32
      %add3A_91 = arith.addi %add3A_73, %add3A_90 : i32
      %lt3A_92 = arith.constant 80 : i32
      %lt3A_93 = arith.cmpi slt, %add3A_91, %lt3A_92 : i32
      %convert_element_type3A_94 = arith.extui %lt3A_93 : i1 to i32
      %cond3A_95 = arith.constant 0 : i32
      %cond3A_96 = arith.cmpi ne, %convert_element_type3A_94, %cond3A_95 : i32
      scf.if %cond3A_96 {
        %add3A_109 = arith.constant 1 : i32
        %add3A_110 = arith.addi %add3A_73, %add3A_109 : i32
        %add3A_111 = arith.addi %mul3A_4, %add3A_110 : i32
        %mul3A_112 = arith.constant 128 : i32
        %mul3A_113 = arith.muli %add3A_111, %mul3A_112 : i32
        %dma_start3A_114 = arith.constant 0 : i32
        %dma_start3A_115 = arith.constant 0 : i32
        %dma_start3A_116 = arith.constant 0 : i32
        %dma_start3A_117 = tpu.memref_slice %arg3[%dma_start3A_114, %dma_start3A_115, %dma_start3A_116] : memref<1x327680x128xf32, #tpu.memory_space<hbm>> -> memref<1x327680x128xf32, #tpu.memory_space<hbm>>
        %dma_start3A_118 = tpu.memref_squeeze %dma_start3A_117 : memref<1x327680x128xf32, #tpu.memory_space<hbm>> -> memref<327680x128xf32, #tpu.memory_space<hbm>>
        %dma_start3A_119 = arith.constant 0 : i32
        %dma_start3A_120 = tpu.memref_slice %dma_start3A_118[%mul3A_113, %dma_start3A_119] : memref<327680x128xf32, #tpu.memory_space<hbm>> -> memref<128x128xf32, #tpu.memory_space<hbm>>
        %dma_start3A_121 = arith.constant 0 : i32
        %dma_start3A_122 = arith.constant 0 : i32
        %dma_start3A_123 = tpu.memref_slice %arg3[%dma_start3A_114, %dma_start3A_121, %dma_start3A_122] : memref<1x327680x128xf32, #tpu.memory_space<hbm>> -> memref<1x327680x128xf32, #tpu.memory_space<hbm>>
        %dma_start3A_124 = tpu.memref_squeeze %dma_start3A_123 : memref<1x327680x128xf32, #tpu.memory_space<hbm>> -> memref<327680x128xf32, #tpu.memory_space<hbm>>
        %dma_start3A_125 = arith.constant 0 : i32
        %dma_start3A_126 = tpu.memref_slice %dma_start3A_124[%mul3A_113, %dma_start3A_125] : memref<327680x128xf32, #tpu.memory_space<hbm>> -> memref<128x128xf32, #tpu.memory_space<hbm>>
        tpu.enqueue_dma source(%dma_start3A_126 : memref<128x128xf32, #tpu.memory_space<hbm>>) target(%arg8 : memref<128x128xf32, #tpu.memory_space<vmem>>) target_semaphore(%arg11 : memref<!tpu.dma_semaphore, #tpu.memory_space<semaphore_mem>>)
      } else {
      }
      %ge3A_97 = arith.constant 1 : i32
      %ge3A_98 = arith.cmpi sge, %add3A_73, %ge3A_97 : i32
      %convert_element_type3A_99 = arith.extui %ge3A_98 : i1 to i32
      %cond3A_100 = arith.constant 0 : i32
      %cond3A_101 = arith.cmpi ne, %convert_element_type3A_99, %cond3A_100 : i32
      scf.if %cond3A_101 {
        %dma_wait3A_109 = arith.constant 0 : i32
        %dma_wait3A_110 = tpu.memref_slice %arg2[%mul3A_4, %dma_wait3A_109] : memref<2560x128xi32, #tpu.memory_space<hbm>> -> memref<1x128xi32, #tpu.memory_space<hbm>>
        %dma_wait3A_111 = tpu.memref_squeeze %dma_wait3A_110 : memref<1x128xi32, #tpu.memory_space<hbm>> -> memref<128xi32, #tpu.memory_space<hbm>>
        %dma_wait3A_112 = arith.constant 0 : i32
        %dma_wait3A_113 = tpu.memref_slice %arg2[%mul3A_4, %dma_wait3A_112] : memref<2560x128xi32, #tpu.memory_space<hbm>> -> memref<1x128xi32, #tpu.memory_space<hbm>>
        %dma_wait3A_114 = tpu.memref_squeeze %dma_wait3A_113 : memref<1x128xi32, #tpu.memory_space<hbm>> -> memref<128xi32, #tpu.memory_space<hbm>>
        tpu.wait_dma2 semaphore(%arg14 : memref<!tpu.dma_semaphore, #tpu.memory_space<semaphore_mem>>) src(%dma_wait3A_114 : memref<128xi32, #tpu.memory_space<hbm>>) dst(%arg7 : memref<128xi32, #tpu.memory_space<vmem>>)
      } else {
      }
      "tpu.region"() ({
        %run_scoped3A = tpu.sem_alloc : memref<!tpu.dma_semaphore, #tpu.memory_space<semaphore_mem>>
        %dma_start3A_109 = arith.constant 0 : i32
        %dma_start3A_110 = arith.constant 0 : i32
        %dma_start3A_111 = tpu.memref_slice %arg10[%dma_start3A_109, %dma_start3A_110] : memref<10240x128xf32, #tpu.memory_space<vmem_shared>> -> memref<10240x128xf32, #tpu.memory_space<vmem_shared>>
        tpu.enqueue_indirect_dma source(%arg9 : memref<128x128xf32, #tpu.memory_space<vmem>>) target(%dma_start3A_111 : memref<10240x128xf32, #tpu.memory_space<vmem_shared>>) offsets(%arg7 : memref<128xi32, #tpu.memory_space<vmem>>) semaphore(%run_scoped3A : memref<!tpu.dma_semaphore, #tpu.memory_space<semaphore_mem>>) {add = true}
        %dma_wait3A_112 = arith.constant 0 : i32
        %dma_wait3A_113 = arith.constant 0 : i32
        %dma_wait3A_114 = tpu.memref_slice %arg10[%dma_wait3A_112, %dma_wait3A_113] : memref<10240x128xf32, #tpu.memory_space<vmem_shared>> -> memref<10240x128xf32, #tpu.memory_space<vmem_shared>>
        tpu.wait_indirect_dma semaphore(%run_scoped3A : memref<!tpu.dma_semaphore, #tpu.memory_space<semaphore_mem>>) src(%arg9 : memref<128x128xf32, #tpu.memory_space<vmem>>) dst(%dma_wait3A_114 : memref<10240x128xf32, #tpu.memory_space<vmem_shared>>)
        tpu.yield
      }) : () -> ()
      %add3A_102 = arith.constant 2 : i32
      %add3A_103 = arith.addi %add3A_73, %add3A_102 : i32
      %lt3A_104 = arith.constant 80 : i32
      %lt3A_105 = arith.cmpi slt, %add3A_103, %lt3A_104 : i32
      %convert_element_type3A_106 = arith.extui %lt3A_105 : i1 to i32
      %cond3A_107 = arith.constant 0 : i32
      %cond3A_108 = arith.cmpi ne, %convert_element_type3A_106, %cond3A_107 : i32
      scf.if %cond3A_108 {
        %add3A_109 = arith.addi %mul3A_4, %add3A_73 : i32
        %add3A_110 = arith.constant 2 : i32
        %add3A_111 = arith.addi %add3A_109, %add3A_110 : i32
        %dma_start3A_112 = arith.constant 0 : i32
        %dma_start3A_113 = tpu.memref_slice %arg2[%add3A_111, %dma_start3A_112] : memref<2560x128xi32, #tpu.memory_space<hbm>> -> memref<1x128xi32, #tpu.memory_space<hbm>>
        %dma_start3A_114 = tpu.memref_squeeze %dma_start3A_113 : memref<1x128xi32, #tpu.memory_space<hbm>> -> memref<128xi32, #tpu.memory_space<hbm>>
        %dma_start3A_115 = arith.constant 0 : i32
        %dma_start3A_116 = tpu.memref_slice %arg2[%add3A_111, %dma_start3A_115] : memref<2560x128xi32, #tpu.memory_space<hbm>> -> memref<1x128xi32, #tpu.memory_space<hbm>>
        %dma_start3A_117 = tpu.memref_squeeze %dma_start3A_116 : memref<1x128xi32, #tpu.memory_space<hbm>> -> memref<128xi32, #tpu.memory_space<hbm>>
        tpu.enqueue_dma source(%dma_start3A_117 : memref<128xi32, #tpu.memory_space<hbm>>) target(%arg7 : memref<128xi32, #tpu.memory_space<vmem>>) target_semaphore(%arg14 : memref<!tpu.dma_semaphore, #tpu.memory_space<semaphore_mem>>)
      } else {
      }
    }
    %scan3A_33 = arith.constant 40 : i32
    %barrier3A_34 = arith.constant 0 : index
    tpu.barrier barrier_id(%barrier3A_34)
    "tpu.region"() ({
      %run_scoped3A = tpu.sem_alloc : memref<!tpu.dma_semaphore, #tpu.memory_space<semaphore_mem>>
      %dma_start3A_35 = arith.constant 0 : i32
      %dma_start3A_36 = arith.constant 0 : i32
      %dma_start3A_37 = tpu.memref_slice %arg5[%arg0, %dma_start3A_35, %dma_start3A_36] : memref<2x10240x128xf32, #tpu.memory_space<hbm>> -> memref<1x10240x128xf32, #tpu.memory_space<hbm>>
      %dma_start3A_38 = tpu.memref_squeeze %dma_start3A_37 : memref<1x10240x128xf32, #tpu.memory_space<hbm>> -> memref<10240x128xf32, #tpu.memory_space<hbm>>
      %dma_start3A_39 = arith.constant 0 : i32
      %dma_start3A_40 = tpu.memref_slice %dma_start3A_38[%mul3A_0, %dma_start3A_39] : memref<10240x128xf32, #tpu.memory_space<hbm>> -> memref<640x128xf32, #tpu.memory_space<hbm>>
      %dma_start3A_41 = arith.constant 0 : i32
      %dma_start3A_42 = tpu.memref_slice %arg10[%mul3A_0, %dma_start3A_41] : memref<10240x128xf32, #tpu.memory_space<vmem_shared>> -> memref<640x128xf32, #tpu.memory_space<vmem_shared>>
      tpu.enqueue_dma source(%dma_start3A_42 : memref<640x128xf32, #tpu.memory_space<vmem_shared>>) target(%dma_start3A_40 : memref<640x128xf32, #tpu.memory_space<hbm>>) target_semaphore(%run_scoped3A : memref<!tpu.dma_semaphore, #tpu.memory_space<semaphore_mem>>)
      %dma_wait3A = arith.constant 0 : i32
      %dma_wait3A_43 = arith.constant 0 : i32
      %dma_wait3A_44 = tpu.memref_slice %arg5[%arg0, %dma_wait3A, %dma_wait3A_43] : memref<2x10240x128xf32, #tpu.memory_space<hbm>> -> memref<1x10240x128xf32, #tpu.memory_space<hbm>>
      %dma_wait3A_45 = tpu.memref_squeeze %dma_wait3A_44 : memref<1x10240x128xf32, #tpu.memory_space<hbm>> -> memref<10240x128xf32, #tpu.memory_space<hbm>>
      %dma_wait3A_46 = arith.constant 0 : i32
      %dma_wait3A_47 = tpu.memref_slice %dma_wait3A_45[%mul3A_0, %dma_wait3A_46] : memref<10240x128xf32, #tpu.memory_space<hbm>> -> memref<640x128xf32, #tpu.memory_space<hbm>>
      %dma_wait3A_48 = arith.constant 0 : i32
      %dma_wait3A_49 = tpu.memref_slice %arg10[%mul3A_0, %dma_wait3A_48] : memref<10240x128xf32, #tpu.memory_space<vmem_shared>> -> memref<640x128xf32, #tpu.memory_space<vmem_shared>>
      tpu.wait_dma2 semaphore(%run_scoped3A : memref<!tpu.dma_semaphore, #tpu.memory_space<semaphore_mem>>) src(%dma_wait3A_49 : memref<640x128xf32, #tpu.memory_space<vmem_shared>>) dst(%dma_wait3A_47 : memref<640x128xf32, #tpu.memory_space<hbm>>)
      tpu.yield
    }) : () -> ()
    return
  }
}

module attributes {stable_mosaic.version = 14 : i64} {
  func.func @_tc_b(%arg0: i32, %arg1: memref<2048x128xf32, #tpu.memory_space<vmem>>, %arg2: memref<128x256xf32, #tpu.memory_space<vmem>>, %arg3: memref<2048x2xf32, #tpu.memory_space<vmem>>, %arg4: memref<2x2048x128xf32, #tpu.memory_space<vmem>>, %arg5: memref<2048x1xf32, #tpu.memory_space<vmem>>) attributes {dimension_semantics = [#tpu.dimension_semantics<arbitrary>], iteration_bounds = array<i64: 5>, scalar_prefetch = 0 : i64, scratch_operands = 0 : i64, tpu.core_type = #tpu.core_type<tc>, window_params = [{transform_indices = @transform_0, window_bounds = array<i64: 2048, 128>}, {pipeline_mode = #tpu.pipeline_mode<synchronous>, transform_indices = @transform_1, window_bounds = array<i64: 128, 256>}, {transform_indices = @transform_2, window_bounds = array<i64: 2048, 2>}, {transform_indices = @transform_3, window_bounds = array<i64: 2, 2048, 128>}, {transform_indices = @transform_4, window_bounds = array<i64: 2048, 1>}]} {
    %get3A = arith.constant 0 : index
    %get3A_0 = arith.constant 0 : index
    %get3A_1 = vector.load %arg3[%get3A, %get3A_0] : memref<2048x2xf32, #tpu.memory_space<vmem>>, vector<2048x2xf32>
    %slice3A = vector.extract_strided_slice %get3A_1 {offsets = [0, 0], sizes = [2048, 1], strides = [1, 1]} : vector<2048x2xf32> to vector<2048x1xf32>
    %slice3A_2 = vector.extract_strided_slice %get3A_1 {offsets = [0, 1], sizes = [2048, 1], strides = [1, 1]} : vector<2048x2xf32> to vector<2048x1xf32>
    %add3A = arith.addf %slice3A, %slice3A_2 : vector<2048x1xf32>
    %add3A_3 = arith.constant 1.000000e+00 : f32
    %add3A_4 = vector.broadcast %add3A_3 : f32 to vector<2048x1xf32>
    %add3A_5 = arith.addf %add3A, %add3A_4 : vector<2048x1xf32>
    %rsqrt3A = math.rsqrt %add3A_5 : vector<2048x1xf32>
    %get3A_6 = arith.constant 0 : index
    %get3A_7 = arith.constant 0 : index
    %get3A_8 = vector.load %arg1[%get3A_6, %get3A_7] : memref<2048x128xf32, #tpu.memory_space<vmem>>, vector<2048x128xf32>
    %get3A_9 = arith.constant 0 : index
    %get3A_10 = arith.constant 0 : index
    %get3A_11 = vector.load %arg2[%get3A_9, %get3A_10] : memref<128x256xf32, #tpu.memory_space<vmem>>, vector<128x256xf32>
    %dot_general3A = arith.constant dense<0.000000e+00> : vector<2048x256xf32>
    %dot_general3A_12 = tpu.matmul %get3A_8, %get3A_11, %dot_general3A {dimension_numbers = #tpu.dot_dimension_numbers<[1], [0], [0], [1], [0, 0, 1, 1], [], []>, transpose_lhs_hint = false} : vector<2048x128xf32>, vector<128x256xf32>, vector<2048x256xf32> -> vector<2048x256xf32>
    %mul3A = vector.broadcast %rsqrt3A : vector<2048x1xf32> to vector<2048x256xf32>
    %mul3A_13 = arith.mulf %dot_general3A_12, %mul3A : vector<2048x256xf32>
    %slice3A_14 = vector.extract_strided_slice %mul3A_13 {offsets = [0, 0], sizes = [2048, 128], strides = [1, 1]} : vector<2048x256xf32> to vector<2048x128xf32>
    %swap3A = arith.constant 0 : index
    %swap3A_15 = arith.constant 0 : index
    %swap3A_16 = arith.constant 0 : index
    %swap3A_17 = vector.load %arg4[%swap3A, %swap3A_15, %swap3A_16] : memref<2x2048x128xf32, #tpu.memory_space<vmem>>, vector<1x2048x128xf32>
    %swap3A_18 = vector.shape_cast %swap3A_17 : vector<1x2048x128xf32> to vector<2048x128xf32>
    %swap3A_19 = vector.shape_cast %slice3A_14 : vector<2048x128xf32> to vector<1x2048x128xf32>
    tpu.vector_store %arg4[%swap3A, %swap3A_15, %swap3A_16], %swap3A_19 {strides = array<i32>} : memref<2x2048x128xf32, #tpu.memory_space<vmem>>, vector<1x2048x128xf32>,
    %slice3A_20 = vector.extract_strided_slice %mul3A_13 {offsets = [0, 128], sizes = [2048, 128], strides = [1, 1]} : vector<2048x256xf32> to vector<2048x128xf32>
    %swap3A_21 = arith.constant 1 : index
    %swap3A_22 = arith.constant 0 : index
    %swap3A_23 = arith.constant 0 : index
    %swap3A_24 = vector.load %arg4[%swap3A_21, %swap3A_22, %swap3A_23] : memref<2x2048x128xf32, #tpu.memory_space<vmem>>, vector<1x2048x128xf32>
    %swap3A_25 = vector.shape_cast %swap3A_24 : vector<1x2048x128xf32> to vector<2048x128xf32>
    %swap3A_26 = vector.shape_cast %slice3A_20 : vector<2048x128xf32> to vector<1x2048x128xf32>
    tpu.vector_store %arg4[%swap3A_21, %swap3A_22, %swap3A_23], %swap3A_26 {strides = array<i32>} : memref<2x2048x128xf32, #tpu.memory_space<vmem>>, vector<1x2048x128xf32>,
    %swap3A_27 = arith.constant 0 : index
    %swap3A_28 = arith.constant 0 : index
    %swap3A_29 = vector.load %arg5[%swap3A_27, %swap3A_28] : memref<2048x1xf32, #tpu.memory_space<vmem>>, vector<2048x1xf32>
    tpu.vector_store %arg5[%swap3A_27, %swap3A_28], %rsqrt3A {strides = array<i32>} : memref<2048x1xf32, #tpu.memory_space<vmem>>, vector<2048x1xf32>,
    return
  }
  func.func @transform_0(%arg0: i32) -> (i32, i32) {
    %c0_i32 = arith.constant 0 : i32
    %c0_i32_0 = arith.constant 0 : i32
    return %arg0, %c0_i32 : i32, i32
  }
  func.func @transform_1(%arg0: i32) -> (i32, i32) {
    %c0_i32 = arith.constant 0 : i32
    %c0_i32_0 = arith.constant 0 : i32
    %c0_i32_1 = arith.constant 0 : i32
    return %c0_i32, %c0_i32_0 : i32, i32
  }
  func.func @transform_2(%arg0: i32) -> (i32, i32) {
    %c0_i32 = arith.constant 0 : i32
    %c0_i32_0 = arith.constant 0 : i32
    return %arg0, %c0_i32 : i32, i32
  }
  func.func @transform_3(%arg0: i32) -> (i32, i32, i32) {
    %c0_i32 = arith.constant 0 : i32
    %c0_i32_0 = arith.constant 0 : i32
    %c0_i32_1 = arith.constant 0 : i32
    return %c0_i32, %arg0, %c0_i32_0 : i32, i32, i32
  }
  func.func @transform_4(%arg0: i32) -> (i32, i32) {
    %c0_i32 = arith.constant 0 : i32
    %c0_i32_0 = arith.constant 0 : i32
    return %arg0, %c0_i32 : i32, i32
  }
}

module attributes {stable_mosaic.version = 14 : i64} {
  func.func @_tc_d(%arg0: i32, %arg1: memref<2x2048x128xf32, #tpu.memory_space<vmem>>, %arg2: memref<2x2048x128xf32, #tpu.memory_space<vmem>>, %arg3: memref<2048x1xf32, #tpu.memory_space<vmem>>, %arg4: memref<1x256xf32, #tpu.memory_space<vmem>>, %arg5: memref<256x128xf32, #tpu.memory_space<vmem>>, %arg6: memref<1x2048x128xf32, #tpu.memory_space<vmem>>) attributes {dimension_semantics = [#tpu.dimension_semantics<arbitrary>], iteration_bounds = array<i64: 5>, scalar_prefetch = 0 : i64, scratch_operands = 0 : i64, tpu.core_type = #tpu.core_type<tc>, window_params = [{transform_indices = @transform_0, window_bounds = array<i64: 2, 2048, 128>}, {transform_indices = @transform_1, window_bounds = array<i64: 2, 2048, 128>}, {transform_indices = @transform_2, window_bounds = array<i64: 2048, 1>}, {pipeline_mode = #tpu.pipeline_mode<synchronous>, transform_indices = @transform_3, window_bounds = array<i64: 1, 256>}, {pipeline_mode = #tpu.pipeline_mode<synchronous>, transform_indices = @transform_4, window_bounds = array<i64: 256, 128>}, {transform_indices = @transform_5, window_bounds = array<i64: 1, 2048, 128>}]} {
    %get3A = arith.constant 0 : index
    %get3A_0 = arith.constant 0 : index
    %get3A_1 = vector.load %arg3[%get3A, %get3A_0] : memref<2048x1xf32, #tpu.memory_space<vmem>>, vector<2048x1xf32>
    %get3A_2 = arith.constant 0 : index
    %get3A_3 = arith.constant 0 : index
    %get3A_4 = vector.load %arg4[%get3A_2, %get3A_3] : memref<1x256xf32, #tpu.memory_space<vmem>>, vector<1x256xf32>
    %get3A_5 = arith.constant 0 : index
    %get3A_6 = arith.constant 0 : index
    %get3A_7 = vector.load %arg5[%get3A_5, %get3A_6] : memref<256x128xf32, #tpu.memory_space<vmem>>, vector<256x128xf32>
    %broadcast_in_dim3A = arith.constant 0.000000e+00 : f32
    %broadcast_in_dim3A_8 = vector.broadcast %broadcast_in_dim3A : f32 to vector<2048x128xf32>
    %get3A_9 = arith.constant 0 : index
    %get3A_10 = arith.constant 0 : index
    %get3A_11 = arith.constant 0 : index
    %get3A_12 = vector.load %arg1[%get3A_9, %get3A_10, %get3A_11] : memref<2x2048x128xf32, #tpu.memory_space<vmem>>, vector<1x2048x128xf32>
    %get3A_13 = vector.shape_cast %get3A_12 : vector<1x2048x128xf32> to vector<2048x128xf32>
    %get3A_14 = arith.constant 0 : index
    %get3A_15 = arith.constant 0 : index
    %get3A_16 = arith.constant 0 : index
    %get3A_17 = vector.load %arg2[%get3A_14, %get3A_15, %get3A_16] : memref<2x2048x128xf32, #tpu.memory_space<vmem>>, vector<1x2048x128xf32>
    %get3A_18 = vector.shape_cast %get3A_17 : vector<1x2048x128xf32> to vector<2048x128xf32>
    %add3A = arith.addf %get3A_13, %get3A_18 : vector<2048x128xf32>
    %mul3A = vector.broadcast %get3A_1 : vector<2048x1xf32> to vector<2048x128xf32>
    %mul3A_19 = arith.mulf %add3A, %mul3A : vector<2048x128xf32>
    %slice3A = vector.extract_strided_slice %get3A_4 {offsets = [0, 0], sizes = [1, 128], strides = [1, 1]} : vector<1x256xf32> to vector<1x128xf32>
    %add3A_20 = vector.broadcast %slice3A : vector<1x128xf32> to vector<2048x128xf32>
    %add3A_21 = arith.addf %mul3A_19, %add3A_20 : vector<2048x128xf32>
    %slice3A_22 = vector.extract_strided_slice %get3A_7 {offsets = [0, 0], sizes = [128, 128], strides = [1, 1]} : vector<256x128xf32> to vector<128x128xf32>
    %dot_general3A = arith.constant dense<0.000000e+00> : vector<2048x128xf32>
    %dot_general3A_23 = tpu.matmul %add3A_21, %slice3A_22, %dot_general3A {dimension_numbers = #tpu.dot_dimension_numbers<[1], [0], [0], [1], [0, 0, 1, 1], [], []>, transpose_lhs_hint = false} : vector<2048x128xf32>, vector<128x128xf32>, vector<2048x128xf32> -> vector<2048x128xf32>
    %add3A_24 = arith.addf %broadcast_in_dim3A_8, %dot_general3A_23 : vector<2048x128xf32>
    %get3A_25 = arith.constant 1 : index
    %get3A_26 = arith.constant 0 : index
    %get3A_27 = arith.constant 0 : index
    %get3A_28 = vector.load %arg1[%get3A_25, %get3A_26, %get3A_27] : memref<2x2048x128xf32, #tpu.memory_space<vmem>>, vector<1x2048x128xf32>
    %get3A_29 = vector.shape_cast %get3A_28 : vector<1x2048x128xf32> to vector<2048x128xf32>
    %get3A_30 = arith.constant 1 : index
    %get3A_31 = arith.constant 0 : index
    %get3A_32 = arith.constant 0 : index
    %get3A_33 = vector.load %arg2[%get3A_30, %get3A_31, %get3A_32] : memref<2x2048x128xf32, #tpu.memory_space<vmem>>, vector<1x2048x128xf32>
    %get3A_34 = vector.shape_cast %get3A_33 : vector<1x2048x128xf32> to vector<2048x128xf32>
    %add3A_35 = arith.addf %get3A_29, %get3A_34 : vector<2048x128xf32>
    %mul3A_36 = vector.broadcast %get3A_1 : vector<2048x1xf32> to vector<2048x128xf32>
    %mul3A_37 = arith.mulf %add3A_35, %mul3A_36 : vector<2048x128xf32>
    %slice3A_38 = vector.extract_strided_slice %get3A_4 {offsets = [0, 128], sizes = [1, 128], strides = [1, 1]} : vector<1x256xf32> to vector<1x128xf32>
    %add3A_39 = vector.broadcast %slice3A_38 : vector<1x128xf32> to vector<2048x128xf32>
    %add3A_40 = arith.addf %mul3A_37, %add3A_39 : vector<2048x128xf32>
    %slice3A_41 = vector.extract_strided_slice %get3A_7 {offsets = [128, 0], sizes = [128, 128], strides = [1, 1]} : vector<256x128xf32> to vector<128x128xf32>
    %dot_general3A_42 = arith.constant dense<0.000000e+00> : vector<2048x128xf32>
    %dot_general3A_43 = tpu.matmul %add3A_40, %slice3A_41, %dot_general3A_42 {dimension_numbers = #tpu.dot_dimension_numbers<[1], [0], [0], [1], [0, 0, 1, 1], [], []>, transpose_lhs_hint = false} : vector<2048x128xf32>, vector<128x128xf32>, vector<2048x128xf32> -> vector<2048x128xf32>
    %add3A_44 = arith.addf %add3A_24, %dot_general3A_43 : vector<2048x128xf32>
    %mul3A_45 = vector.broadcast %get3A_1 : vector<2048x1xf32> to vector<2048x128xf32>
    %mul3A_46 = arith.mulf %add3A_44, %mul3A_45 : vector<2048x128xf32>
    %swap3A = arith.constant 0 : index
    %swap3A_47 = arith.constant 0 : index
    %swap3A_48 = arith.constant 0 : index
    %swap3A_49 = vector.load %arg6[%swap3A, %swap3A_47, %swap3A_48] : memref<1x2048x128xf32, #tpu.memory_space<vmem>>, vector<1x2048x128xf32>
    %swap3A_50 = vector.shape_cast %swap3A_49 : vector<1x2048x128xf32> to vector<2048x128xf32>
    %swap3A_51 = vector.shape_cast %mul3A_46 : vector<2048x128xf32> to vector<1x2048x128xf32>
    tpu.vector_store %arg6[%swap3A, %swap3A_47, %swap3A_48], %swap3A_51 {strides = array<i32>} : memref<1x2048x128xf32, #tpu.memory_space<vmem>>, vector<1x2048x128xf32>,
    return
  }
  func.func @transform_0(%arg0: i32) -> (i32, i32, i32) {
    %c0_i32 = arith.constant 0 : i32
    %c0_i32_0 = arith.constant 0 : i32
    %c0_i32_1 = arith.constant 0 : i32
    return %c0_i32, %arg0, %c0_i32_0 : i32, i32, i32
  }
  func.func @transform_1(%arg0: i32) -> (i32, i32, i32) {
    %c0_i32 = arith.constant 0 : i32
    %c0_i32_0 = arith.constant 0 : i32
    %c0_i32_1 = arith.constant 0 : i32
    return %c0_i32, %arg0, %c0_i32_0 : i32, i32, i32
  }
  func.func @transform_2(%arg0: i32) -> (i32, i32) {
    %c0_i32 = arith.constant 0 : i32
    %c0_i32_0 = arith.constant 0 : i32
    return %arg0, %c0_i32 : i32, i32
  }
  func.func @transform_3(%arg0: i32) -> (i32, i32) {
    %c0_i32 = arith.constant 0 : i32
    %c0_i32_0 = arith.constant 0 : i32
    %c0_i32_1 = arith.constant 0 : i32
    return %c0_i32, %c0_i32_0 : i32, i32
  }
  func.func @transform_4(%arg0: i32) -> (i32, i32) {
    %c0_i32 = arith.constant 0 : i32
    %c0_i32_0 = arith.constant 0 : i32
    %c0_i32_1 = arith.constant 0 : i32
    return %c0_i32, %c0_i32_0 : i32, i32
  }
  func.func @transform_5(%arg0: i32) -> (i32, i32, i32) {
    %c0_i32 = arith.constant 0 : i32
    %c0_i32_0 = arith.constant 0 : i32
    %c0_i32_1 = arith.constant 0 : i32
    return %c0_i32, %arg0, %c0_i32_0 : i32, i32, i32
  }
}

module attributes {stable_mosaic.version = 14 : i64} {
  func.func @_tc_f(%arg0: memref<2x10240x128xf32, #tpu.memory_space<vmem>>, %arg1: memref<1x10240x128xf32, #tpu.memory_space<vmem>>, %arg2: memref<10240x1xf32, #tpu.memory_space<vmem>>, %arg3: memref<1x128xf32, #tpu.memory_space<vmem>>, %arg4: memref<1x128xf32, #tpu.memory_space<vmem>>, %arg5: memref<1x128xf32, #tpu.memory_space<vmem>>, %arg6: memref<10000x128xf32, #tpu.memory_space<vmem>>) attributes {dimension_semantics = [], scalar_prefetch = 0 : i64, scratch_operands = 0 : i64, tpu.core_type = #tpu.core_type<tc>} {
    %get3A = arith.constant 0 : index
    %get3A_0 = arith.constant 0 : index
    %get3A_1 = arith.constant 0 : index
    %get3A_2 = vector.load %arg0[%get3A, %get3A_0, %get3A_1] : memref<2x10240x128xf32, #tpu.memory_space<vmem>>, vector<1x10240x128xf32>
    %get3A_3 = vector.shape_cast %get3A_2 : vector<1x10240x128xf32> to vector<10240x128xf32>
    %get3A_4 = arith.constant 1 : index
    %get3A_5 = arith.constant 0 : index
    %get3A_6 = arith.constant 0 : index
    %get3A_7 = vector.load %arg0[%get3A_4, %get3A_5, %get3A_6] : memref<2x10240x128xf32, #tpu.memory_space<vmem>>, vector<1x10240x128xf32>
    %get3A_8 = vector.shape_cast %get3A_7 : vector<1x10240x128xf32> to vector<10240x128xf32>
    %add3A = arith.addf %get3A_3, %get3A_8 : vector<10240x128xf32>
    %get3A_9 = arith.constant 0 : index
    %get3A_10 = arith.constant 0 : index
    %get3A_11 = arith.constant 0 : index
    %get3A_12 = vector.load %arg1[%get3A_9, %get3A_10, %get3A_11] : memref<1x10240x128xf32, #tpu.memory_space<vmem>>, vector<1x10240x128xf32>
    %get3A_13 = vector.shape_cast %get3A_12 : vector<1x10240x128xf32> to vector<10240x128xf32>
    %add3A_14 = arith.addf %add3A, %get3A_13 : vector<10240x128xf32>
    %get3A_15 = arith.constant 0 : index
    %get3A_16 = arith.constant 0 : index
    %get3A_17 = vector.load %arg2[%get3A_15, %get3A_16] : memref<10240x1xf32, #tpu.memory_space<vmem>>, vector<10240x1xf32>
    %mul3A = vector.broadcast %get3A_17 : vector<10240x1xf32> to vector<10240x128xf32>
    %mul3A_18 = arith.mulf %add3A_14, %mul3A : vector<10240x128xf32>
    %get3A_19 = arith.constant 0 : index
    %get3A_20 = arith.constant 0 : index
    %get3A_21 = vector.load %arg3[%get3A_19, %get3A_20] : memref<1x128xf32, #tpu.memory_space<vmem>>, vector<1x128xf32>
    %add3A_22 = vector.broadcast %get3A_21 : vector<1x128xf32> to vector<10240x128xf32>
    %add3A_23 = arith.addf %mul3A_18, %add3A_22 : vector<10240x128xf32>
    %iota3A = tpu.iota {dimensions = array<i32: 0>} : vector<10240x1xi32>
    %lt3A = arith.constant 10000 : i32
    %lt3A_24 = vector.broadcast %lt3A : i32 to vector<10240x1xi32>
    %lt3A_25 = arith.cmpi slt, %iota3A, %lt3A_24 : vector<10240x1xi32>
    %convert_element_type3A = arith.extui %lt3A_25 : vector<10240x1xi1> to vector<10240x1xi32>
    %convert_element_type3A_26 = arith.sitofp %convert_element_type3A : vector<10240x1xi32> to vector<10240x1xf32>
    %mul3A_27 = vector.broadcast %convert_element_type3A_26 : vector<10240x1xf32> to vector<10240x128xf32>
    %mul3A_28 = arith.mulf %add3A_23, %mul3A_27 : vector<10240x128xf32>
    %reduce_sum3A = arith.constant dense<0.000000e+00> : vector<128xf32>
    %reduce_sum3A_29 = vector.multi_reduction <add>, %mul3A_28, %reduce_sum3A [0] : vector<10240x128xf32> to vector<128xf32>
    %broadcast_in_dim3A = vector.shape_cast %reduce_sum3A_29 : vector<128xf32> to vector<1x128xf32>
    %mul3A_30 = arith.constant 9.99999974E-5 : f32
    %mul3A_31 = vector.broadcast %mul3A_30 : f32 to vector<1x128xf32>
    %mul3A_32 = arith.mulf %broadcast_in_dim3A, %mul3A_31 : vector<1x128xf32>
    %sub3A = vector.broadcast %mul3A_32 : vector<1x128xf32> to vector<10240x128xf32>
    %sub3A_33 = arith.subf %add3A_23, %sub3A : vector<10240x128xf32>
    %mul3A_34 = vector.broadcast %convert_element_type3A_26 : vector<10240x1xf32> to vector<10240x128xf32>
    %mul3A_35 = arith.mulf %sub3A_33, %mul3A_34 : vector<10240x128xf32>
    %mul3A_36 = arith.mulf %mul3A_35, %mul3A_35 : vector<10240x128xf32>
    %reduce_sum3A_37 = arith.constant dense<0.000000e+00> : vector<128xf32>
    %reduce_sum3A_38 = vector.multi_reduction <add>, %mul3A_36, %reduce_sum3A_37 [0] : vector<10240x128xf32> to vector<128xf32>
    %broadcast_in_dim3A_39 = vector.shape_cast %reduce_sum3A_38 : vector<128xf32> to vector<1x128xf32>
    %mul3A_40 = arith.constant 9.99999974E-5 : f32
    %mul3A_41 = vector.broadcast %mul3A_40 : f32 to vector<1x128xf32>
    %mul3A_42 = arith.mulf %broadcast_in_dim3A_39, %mul3A_41 : vector<1x128xf32>
    %sub3A_43 = vector.broadcast %mul3A_32 : vector<1x128xf32> to vector<10240x128xf32>
    %sub3A_44 = arith.subf %add3A_23, %sub3A_43 : vector<10240x128xf32>
    %add3A_45 = arith.constant 9.99999974E-6 : f32
    %add3A_46 = vector.broadcast %add3A_45 : f32 to vector<1x128xf32>
    %add3A_47 = arith.addf %mul3A_42, %add3A_46 : vector<1x128xf32>
    %rsqrt3A = math.rsqrt %add3A_47 : vector<1x128xf32>
    %mul3A_48 = vector.broadcast %rsqrt3A : vector<1x128xf32> to vector<10240x128xf32>
    %mul3A_49 = arith.mulf %sub3A_44, %mul3A_48 : vector<10240x128xf32>
    %get3A_50 = arith.constant 0 : index
    %get3A_51 = arith.constant 0 : index
    %get3A_52 = vector.load %arg4[%get3A_50, %get3A_51] : memref<1x128xf32, #tpu.memory_space<vmem>>, vector<1x128xf32>
    %mul3A_53 = vector.broadcast %get3A_52 : vector<1x128xf32> to vector<10240x128xf32>
    %mul3A_54 = arith.mulf %mul3A_49, %mul3A_53 : vector<10240x128xf32>
    %get3A_55 = arith.constant 0 : index
    %get3A_56 = arith.constant 0 : index
    %get3A_57 = vector.load %arg5[%get3A_55, %get3A_56] : memref<1x128xf32, #tpu.memory_space<vmem>>, vector<1x128xf32>
    %add3A_58 = vector.broadcast %get3A_57 : vector<1x128xf32> to vector<10240x128xf32>
    %add3A_59 = arith.addf %mul3A_54, %add3A_58 : vector<10240x128xf32>
    %slice3A = vector.extract_strided_slice %add3A_59 {offsets = [0, 0], sizes = [10000, 128], strides = [1, 1]} : vector<10240x128xf32> to vector<10000x128xf32>
    %swap3A = arith.constant 0 : index
    %swap3A_60 = arith.constant 0 : index
    %swap3A_61 = vector.load %arg6[%swap3A, %swap3A_60] : memref<10000x128xf32, #tpu.memory_space<vmem>>, vector<10000x128xf32>
    tpu.vector_store %arg6[%swap3A, %swap3A_60], %slice3A {strides = array<i32>} : memref<10000x128xf32, #tpu.memory_space<vmem>>, vector<10000x128xf32>,
    return
  }
}

</mosaic_0001>

<sc_bundles>
// kernel: kernel.10.cloned.1.call-start
scs
__scs_entry_jumppad:
0x0: {  	(pc) =	sbr.rel $0x88, $3  }
0x1: {  	(tag) =	ssettag $0x0;
	lr =	simm.s32 $0x1  }
0x2: {  	[smem:$0x3F99] =	sst lr;
	_ =	strace $0xD0000000  }
0x3: {  	_ = 	snop  }
0x4: {  	_ = 	snop  }
0x5: {  	_ = 	snop  }
0x6: {  	_ = 	snop  }
0x7: {  	_ = 	snop  }
__scs_overlays_trampoline_lowered:
0x8: {  	[smem:$0x3FA8] =	sst s0  }
0x9: {  	[smem:$0x3FA9] =	sst s1  }
0xa: {  	[smem:$0x3FAA] =	sst s2  }
0xb: {  	[smem:$0x3FAB] =	sst s3  }
0xc: {  	[smem:$0x3FAC] =	sst s4  }
0xd: {  	[smem:$0x3FAD] =	sst s5  }
0xe: {  	[smem:$0x3FAE] =	sst s6  }
0xf: {  	[smem:$0x3FAF] =	sst s7  }
0x10: {  	[smem:$0x3FB0] =	sst s8  }
0x11: {  	[smem:$0x3FB1] =	sst s9;
	s0 =	simm.s32 @!p0 $0x0  }
0x12: {  	s1 =	sld [smem:$0x3F97];
	s0 =	simm.s32 @p0 $0x1  }
0x13: {  	[smem:$0x3FB2] =	sst s0;
	s0 =	simm.s32 @!p1 $0x0  }
0x14: {  	s2 =	sld [smem:$0x3F96];
	s0 =	simm.s32 @p1 $0x1  }
0x15: {  	[smem:$0x3FB3] =	sst s0;
	s0 =	simm.s32 @!p2 $0x0  }
0x16: {  	s3 =	sld [smem:$0x3FDB];
	s0 =	simm.s32 @p2 $0x1  }
0x17: {  	s4 =	simm.s32 $0x1BF5;
	[smem:$0x3FB5] =	sst s0  }
0x18: {  	s0 =	sld [smem:$0x3F98];
	_ =	swait.ge [sflag:s4], $0x0  }
0x19: {  	s7 =	sld [smem:$0x3F99]  }
0x1a: {  	s8 =	sadd.s32 $0xFFFFE003, lr  }
0x1b: {  	s9 =	sadd.s32 $0xFFFFFEF7, lr;
	s5 =	simm.s32 $0xFFFFFFFF;
	p2 =	slt.u32 s8, $0xFFFFF086  }
0x1c: {  	p1 =	slt.u32 s9, $0xF7A;
	s5 =	simm.s32 @!p2 $0x0  }
0x1d: {  	s5 =	simm.s32 @p1 $0x1;
	p0 =	seq.s32 s7, s2  }
0x1e: {  	s7 =	smul.u32 @!p0 $0xF7A, s2;
	p2 =	seq.s32 @!p0 s5, $0x0  }
0x1f: {  	s9 =	smul.u32 $0xF7A, s1;
	s8 =	simm.s32 @!p0 $0x1BF5;
	p2 =	por !p2, p0  }
0x20: {  	[sflag:s8] =	ssyncset.s32 @!p0 $0xFFFFF086;
	s6 =	sadd.s32 @!p0 s3, s7;
	s7 =	simm.s32 @!p0 $0x108  }
0x21: {  	s3 =	sadd.s32 s3, s9;
	s6 =	sadd.s32 @!p0 $0x88, s6;
	s7 =	simm.s32 @p2 $0x1082  }
0x22: {  	[simem:s7], [sflag:s8] =	dma.local @!p0 [hbm:s6], $0xF7A  }
0x23: {  	s9 =	sor.u32 $0xD0000000, s2;
	s6 =	simm.s32 $0x108;
	_ =	swait.ge @!p0 [sflag:s8], $0x0  }
0x24: {  	s3 =	sadd.s32 $0x88, s3;
	s6 =	simm.s32 @!p1 $0x1082;
	[sflag:s4] =	ssyncset.s32 $0xFFFFF086  }
0x25: {  	[simem:s6], [sflag:s4] =	dma.local [hbm:s3], $0xF7A  }
0x26: {  	[smem:$0x3F99] =	sst s1;
	(tag) =	ssettag s2;
	_ =	strace s9  }
0x27: {  	s1 =	sld [smem:$0x3FA9]  }
0x28: {  	s2 =	sld [smem:$0x3FAA]  }
0x29: {  	s4 =	sld [smem:$0x3FAC]  }
0x2a: {  	p0 =	seq.s32 s5, $0x0;
	s5 =	sld [smem:$0x3FAD]  }
0x2b: {  	s6 =	sld [smem:$0x3FAE]  }
0x2c: {  	s7 =	sld [smem:$0x3FAF]  }
0x2d: {  	s3 =	simm.s32 $0x108;
	s8 =	sld [smem:$0x3FB0]  }
0x2e: {  	s3 =	simm.s32 @!p0 $0x1082;
	s9 =	sld [smem:$0x3FB1]  }
0x2f: {  	lr =	sadd.s32 s0, s3;
	s0 =	sld [smem:$0x3FA8]  }
0x30: {  	s3 =	sld [smem:$0x3FAB]  }
0x31: {  	[smem:$0x3FB4] =	sst s10  }
0x32: {  	s10 =	sld [smem:$0x3FB2];
	_ =	sdelay $0x3  }
0x33: {  	p0 =	seq.s32 s10, $0x1;
	s10 =	sld [smem:$0x3FB4];
	_ =	sdelay $0x3  }
0x34: {  	[smem:$0x3FB4] =	sst s10  }
0x35: {  	s10 =	sld [smem:$0x3FB3];
	_ =	sdelay $0x3  }
0x36: {  	p1 =	seq.s32 s10, $0x1;
	s10 =	sld [smem:$0x3FB4];
	_ =	sdelay $0x3  }
0x37: {  	[smem:$0x3FB4] =	sst s10  }
0x38: {  	s10 =	sld [smem:$0x3FB5]  }
0x39: {  	_ = 	snop;
	(pc) =	sbr.ind lr, $3  }
0x3a: {  	_ = 	snop  }
0x3b: {  	_ = 	snop  }
0x3c: {  	p2 =	seq.s32 s10, $0x1;
	s10 =	sld [smem:$0x3FB4]  }
0x3d: {  	_ =	shalt  }
0x3e: {  	_ =	shalt  }
0x3f: {  	_ =	shalt  }
0x40: {  	_ =	shalt  }
0x41: {  	_ =	shalt  }
0x42: {  	_ =	shalt  }
0x43: {  	_ =	shalt  }
0x44: {  	_ =	shalt  }
0x45: {  	_ =	shalt  }
0x46: {  	_ =	shalt  }
0x47: {  	_ =	shalt  }
0x48: {  	_ =	shalt  }
0x49: {  	_ =	shalt  }
0x4a: {  	_ =	shalt  }
0x4b: {  	_ =	shalt  }
0x4c: {  	_ =	shalt  }
0x4d: {  	_ =	shalt  }
0x4e: {  	_ =	shalt  }
0x4f: {  	_ =	shalt  }
0x50: {  	_ =	shalt  }
0x51: {  	_ =	shalt  }
0x52: {  	_ =	shalt  }
0x53: {  	_ =	shalt  }
0x54: {  	_ =	shalt  }
0x55: {  	_ =	shalt  }
0x56: {  	_ =	shalt  }
0x57: {  	_ =	shalt  }
0x58: {  	_ =	shalt  }
0x59: {  	_ =	shalt  }
0x5a: {  	_ =	shalt  }
0x5b: {  	_ =	shalt  }
0x5c: {  	_ =	shalt  }
0x5d: {  	_ =	shalt  }
0x5e: {  	_ =	shalt  }
0x5f: {  	_ =	shalt  }
0x60: {  	_ =	shalt  }
0x61: {  	_ =	shalt  }
0x62: {  	_ =	shalt  }
0x63: {  	_ =	shalt  }
0x64: {  	_ =	shalt  }
0x65: {  	_ =	shalt  }
0x66: {  	_ =	shalt  }
0x67: {  	_ =	shalt  }
0x68: {  	_ =	shalt  }
0x69: {  	_ =	shalt  }
0x6a: {  	_ =	shalt  }
0x6b: {  	_ =	shalt  }
0x6c: {  	_ =	shalt  }
0x6d: {  	_ =	shalt  }
0x6e: {  	_ =	shalt  }
0x6f: {  	_ =	shalt  }
0x70: {  	_ =	shalt  }
0x71: {  	_ =	shalt  }
0x72: {  	_ =	shalt  }
0x73: {  	_ =	shalt  }
0x74: {  	_ =	shalt  }
0x75: {  	_ =	shalt  }
0x76: {  	_ =	shalt  }
0x77: {  	_ =	shalt  }
0x78: {  	_ =	shalt  }
0x79: {  	_ =	shalt  }
0x7a: {  	_ =	shalt  }
0x7b: {  	_ =	shalt  }
0x7c: {  	_ =	shalt  }
0x7d: {  	_ =	shalt  }
0x7e: {  	_ =	shalt  }
0x7f: {  	_ =	shalt  }
0x80: {  	_ =	shalt  }
0x81: {  	_ =	shalt  }
0x82: {  	_ =	shalt  }
0x83: {  	_ =	shalt  }
0x84: {  	_ =	shalt  }
0x85: {  	_ =	shalt  }
0x86: {  	_ =	shalt  }
0x87: {  	_ =	shalt  }
.Lfunc_end0:
.L_simem_size_0:
called_computation_lowered:
.L_overlay_start_0:
0x88: {  	s2 =	sld [smem:$0x3FD9]  }
0x89: {  	s3 =	sld [smem:$0x3FFE];
	_ =	sdelay $0x1  }
0x8a: {  	s1 =	srdreg.scid  }
0x8b: {  	s0 =	sand.u32 $0x1, s1  }
0x8c: {  	s16 =	sshll.u32 s0, $0xA;
	s2 =	sadd.s32 s3, s2  }
0x8d: {  	s2 =	sadd.s32 s2, s16  }
0x8e: {  	[smem:$0x3FC0] =	sst s2  }
0x8f: {  	_ = 	snop  }
0x90: {  	(tm) =	ssettm $0x1  }
0x91: {  	s17 =	sld [smem:$0x3FFB];
	_ =	sdelay $0x3  }
0x92: {  	_ =	strace s17  }
0x93: {  	s2 =	sld [smem:$0x3FFC];
	_ =	sdelay $0x3  }
0x94: {  	_ =	strace s2  }
0x95: {  	s2 =	sld [smem:$0x3FFD];
	_ =	sdelay $0x3  }
0x96: {  	_ =	strace s2  }
0x97: {  	_ =	strace $0x8FFFFFFF  }
0x98: {  	s18 =	sld [smem:$0x3FDB];
	_ =	sdelay $0x1  }
0x99: {  	s19 =	simm.s32 $_scs_section_size  }
0x9a: {  	s4 =	simm.s32 $_size__tile_overlayer_lowered;
	s5 =	simm.s32 $_tile_overlayer_lowered  }
0x9b: {  	s22 =	simm.s32 $0x1BFF;
	s21 =	sshll.u32 s5, $0x1;
	s2 =	sadd.s32 s19, s18  }
0x9c: {  	s6 =	simm.s32 $0x0;
	s20 =	sshll.u32 s4, $0x1;
	s4 =	sadd.s32 s21, s2  }
0x9d: {  	[timem:s6], [sflag:s22] =	dma.local [hbm:s4], s20  }
0x9e: {  	_ =	swait.ge [sflag:s22], s20  }
0x9f: {  	s3 =	ssub.s32 $0x0, s20;
	[sflag:s22] =	ssyncset.done $0x0  }
0xa0: {  	[sflag:s22] =	ssyncadd.s32 s3;
	_ =	sdelay $0x1  }
0xa1: {  	s23 =	simm.s32 $0x1B8B  }
0xa2: {  	_ =	swait.ge [sflag:s23], $0x1  }
0xa3: {  	[sflag:s23] =	ssyncset.done $0x0  }
0xa4: {  	s25 =	simm.s32 $0x1B8E;
	s24 =	sld [smem:$0x3FFE];
	[sflag:s23] =	ssyncadd.s32 $0xFFFFFFFF  }
0xa5: {  	s26 =	simm.s32 $execute0_lowered;
	[smem:$0x3FD2] =	sst s25  }
0xa6: {  	s4 =	sshll.u32 s26, $0x1;
	_ =	strace $0x80000046;
	[dreg:$0x1] =	wrdreg $0xFFFFFFFF  }
0xa7: {  	s28 =	simm.s32 $_size_execute0_lowered;
	s2 =	sadd.s32 s2, s4;
	[dreg:$0x0] =	wrdreg $0x0  }
0xa8: {  	s4 =	sshll.u32 s28, $0x1;
	[dreg:$0x2] =	wrdreg s2  }
0xa9: {  	[dreg:$0x3] =	wrdreg s4  }
0xaa: {  	[dreg:$0x4] =	wrdreg $0xC0  }
0xab: {  	_ =	task [dreg:s6], $0x5FFFF  }
0xac: {  	[dreg:$0x1] =	wrdreg $0xFFFFFFFF  }
0xad: {  	[dreg:$0x0] =	wrdreg $0x60  }
0xae: {  	[dreg:$0x2] =	wrdreg s24  }
0xaf: {  	[dreg:$0x3] =	wrdreg $0x28800  }
0xb0: {  	[dreg:$0x4] =	wrdreg $0x9  }
0xb1: {  	_ =	task.clear_ibuf [dreg:s6], $0x5FFFF;
	_ =	strace $0x90000046  }
0xb2: {  	s29 =	simm.s32 $0x9;
	_ =	strace $0x80000048  }
0xb3: {  	_ =	swait.ge [sflag:s29], $0x1  }
0xb4: {  	[sflag:s29] =	ssyncadd.s32 $0xFFFFFFFF  }
0xb5: {  	_ =	strace $0x90000048  }
0xb6: {  	_ =	sfence  }
0xb7: {  	s30 =	sld [smem:$0x0];
	_ =	sdelay $0x2  }
0xb8: {  	s31 =	sshll.u32 s1, $0xD;
	s1 =	sshrl.u32 s1, $0x2  }
0xb9: {  	s3 =	sand.u32 $0x4000, s31;
	s1 =	sadd.s32 s1, s30  }
0xba: {  	s0 =	sor.u32 s3, s0;
	s1 =	sshll.u32 s1, $0x11  }
0xbb: {  	s0 =	sor.u32 s1, s0  }
0xbc: {  	s0 =	sadd.s32 $0x8F2B, s0  }
0xbd: {  	[sflag:s0] =	ssyncadd.remote.s32 $0x1  }
0xbe: {  	_ =	sfence.sel $0xFFFF  }
0xbf: {  	[dreg:$0x0] =	wrdreg $0xFFFFFFFF;
	(pc) =	sbr.abs _section_cstart, $3  }
0xc0: {  	[dreg:$0x1] =	wrdreg $0xFFFFFFFF  }
0xc1: {  	_ =	task.clear_ibuf [dreg:s6], $0x2FFFF;
	_ =	strace $0x9FFFFFFF  }
0xc2: {  	(tm) =	ssettm $0x7FFFFFFF  }
0xc3: {  	_ =	shalt  }
tec
execute0_lowered:
.L_overlay_start_1:
0x0: {  	(tag) =	ssettag $0x1  }
0x1: {  	s0 =	srdreg.scid;
	s5 =	rddreg [dreg:$0x0]  }
0x2: {  	s2 =	rddreg [dreg:$0x1];
	s3 =	simm.s32 $0x0;
	s12 =	simm.s32 $0x2800  }
0x3: {  	s13 =	simm.s32 $0x20;
	s4 =	sand.u32 $0x1, s0;
	s0 =	stileid.u32  }
0x4: {  	s14 =	simm.s32 $0x10;
	s15 =	simm.s32 $0x0;
	s7 =	smul.u32 $0x500, s0  }
0x5: {  	[smem:$0x7FF] =	sst s3;
	s1 =	sshll.u32 s4, $0x4;
	s8 =	smul.u32 $0x280, s0  }
0x6: {  	s9 =	sshll.u32 s4, $0x7;
	s4 =	ssub.s32 $0x2, s4;
	s1 =	sor.u32 s0, s1  }
0x7: {  	s31 =	sshll.u32 s0, $0x6;
	s30 =	sshrl.u32 s4, $0x1;
	s6 =	smul.u32 $0x500, s1  }
0x8: {  	s1 =	rddreg [dreg:$0x2];
	_ =	strace $0x80000047;
	s7 =	sor.u32 s9, s7  }
0x9: {  	s29 =	sshrl.u32 s8, $0x3;
	s10 =	ssub.s32 s4, s30;
	s11 =	sadd.s32 s8, s2  }
0xa: {  	s7 =	sshrl.u32 s7, $0x3;
	s9 =	sadd.s32 s29, s5;
	s8 =	smax.u32 s10, $0x1  }
0xb: {  	s10 =	simm.s32 $0x1;
	s6 =	sadd.s32 s6, s5;
	s7 =	sadd.s32 s7, s5  }
0xc: {  	s4 =	sadd.s32 $0xD200, s9;
	s5 =	sor.u32 $0x1C01, s31;
	s9 =	sshrl.u32 s11, $0x3  }
0xd: {  	v0 =	vimm.f32 $1.000000000e+00;
	s11 =	simm.s32 $0x80;
	s6 =	sadd.s32 $0x3200, s6;
	s7 =	sadd.s32 $0xD800, s7  }
.LBB2_1:
0xe: {  	[spmem:s9], [sflag:s5] =	dma.local [hbm:s4], $0x50  }
0xf: {  	_ =	swait.ge [sflag:s10], $0x50  }
0x10: {  	[sflag:s10] =	ssyncset.done $0x0  }
0x11: {  	[sflag:s10] =	ssyncadd.s32 $0xFFFFFFB0  }
0x12: {  	[tilespmem:$0x2800] =	vst v0  }
0x13: {  	[tilespmem:$0x2810] =	vst v0  }
0x14: {  	[tilespmem:$0x2820] =	vst v0  }
0x15: {  	[tilespmem:$0x2830] =	vst v0  }
0x16: {  	[tilespmem:$0x2840] =	vst v0  }
0x17: {  	[tilespmem:$0x2850] =	vst v0  }
0x18: {  	[tilespmem:$0x2860] =	vst v0  }
0x19: {  	[tilespmem:$0x2870] =	vst v0  }
0x1a: {  	[tilespmem:s3], [sflag:$0x1] =	stream.linear.gather [hbm4b:s6+s3], $0x2800, $0x38;
	[tilespmem:$0x2B00] =	vst v63  }
0x1b: {  	_ =	swait.ge [sflag:s10], $0x2800  }
0x1c: {  	[sflag:s10] =	ssyncset.done $0x0  }
0x1d: {  	[sflag:s10] =	ssyncadd.s32 $0xFFFFD800  }
0x1e: {  	s16 =	simm.s32 $0x0;
	[bflag:$0x0] =	sbarrier.arrive $0xFFFF  }
0x1f: {  	[spmem:s2] =	stream.indirect.scatter.add.f32 [tilespmem:s12], [sflag:$0x1], $0x1, s16, s11, $0xb8;
	[tilespmem:$0x2B00] =	vst v63  }
0x20: {  	_ =	swait.ge [sflag:s10], $0x80  }
0x21: {  	s16 =	simm.s32 $0x200;
	[sflag:s10] =	ssyncset.done $0x0  }
.LBB2_2:
0x22: {  	s17 =	sshra.s32 s16, $0x2;
	[sflag:s10] =	ssyncadd.s32 $0xFFFFFF80;
	p0 =	sne.s32 s16, $0x9E00  }
0x23: {  	[spmem:s2] =	stream.indirect.scatter.add.f32 [tilespmem:s12], [sflag:$0x1], $0x1, s17, s11, $0xb8;
	[tilespmem:$0x2B00] =	vst v63  }
.Ltmp0:
0x24: {  	_ = 	snop;
	(pc) =	sbr.rel @p0 .LBB2_2-.Ltmp0, $4  }
0x25: {  	_ = 	snop  }
0x26: {  	s16 =	sadd.s32 $0x200, s16  }
0x27: {  	_ =	swait.ge [sflag:s10], $0x80  }
0x28: {  	[sflag:s10] =	ssyncset.done $0x0  }
0x29: {  	s15 =	sadd.s32 $0x1, s15  }
0x2a: {  	[sflag:s10] =	ssyncadd.s32 $0xFFFFFF80;
	p0 =	sne.s32 s15, s8  }
.Ltmp1:
0x2b: {  	[bflag:$0x0] =	sbarrier.arrive $0xFFFF;
	(pc) =	sbr.rel @p0 .LBB2_1-.Ltmp1, $4  }
0x2c: {  	[hbm:s7@s13], [sflag:s5] =	dma.strided [spmem:s9@s14], $0x50, s10, $0x10   }
0x2d: {  	_ =	swait.ge [sflag:s10], $0x50  }
0x2e: {  	[sflag:s10] =	ssyncset.done $0x0  }
0x2f: {  	[sflag:s10] =	ssyncadd.s32 $0xFFFFFFB0  }
0x30: {  	_ =	sfence.sel $0x180000  }
0x31: {  	[bflag:$0x0] =	sbarrier.arrive $0xFFFF  }
0x32: {  	p0 =	sne.s32 s0, $0x0;
	_ =	strace $0x90000047  }
0x33: {  	s0 =	sadd.s32 @!p0 $0x100000, s1;
	[bflag:$0x2] =	sbarrier.arrive $0xFFFF  }
0x34: {  	[sflag:s0] =	ssyncadd.tile.s32 @!p0 $0x1;
	_ =	shalt  }
.Lfunc_end2:
_tile_overlayer_lowered:
.L_overlay_start_2:
0x35: {  	(tag) =	ssettag $0x2  }
0x36: {  	s0 =	rddreg [dreg:$0x0];
	s2 =	stileid.u32  }
0x37: {  	s1 =	rddreg [dreg:$0x1];
	p0 =	sne.s32 s2, $0x0  }
0x38: {  	s3 =	rddreg [dreg:$0x2];
	[bflag:$0x3] =	sbarrier.arrive $0xFFFF;
	s2 =	simm.s32 @!p0 $0x1C01  }
0x39: {  	[timem:s3], [sflag:s2] =	dma.local @!p0 [hbm:s0], s1  }
0x3a: {  	s0 =	simm.s32 @!p0 $0x1  }
0x3b: {  	_ =	swait.ge @!p0 [sflag:s0], s1  }
0x3c: {  	s1 =	ssub.s32 @!p0 $0x0, s1;
	[sflag:s0] =	ssyncset.done @!p0 $0x0  }
0x3d: {  	[sflag:s0] =	ssyncadd.s32 @!p0 s1  }
0x3e: {  	[bflag:$0x3] =	sbarrier.arrive $0xFFFF  }
0x3f: {  	_ =	shalt  }

// kernel: kernel.13.cloned.1.call-start
scs
__scs_entry_jumppad:
0x0: {  	(pc) =	sbr.rel $0x88, $3  }
0x1: {  	(tag) =	ssettag $0x0;
	lr =	simm.s32 $0x1  }
0x2: {  	[smem:$0x3F99] =	sst lr;
	_ =	strace $0xD0000000  }
0x3: {  	_ = 	snop  }
0x4: {  	_ = 	snop  }
0x5: {  	_ = 	snop  }
0x6: {  	_ = 	snop  }
0x7: {  	_ = 	snop  }
__scs_overlays_trampoline_lowered:
0x8: {  	[smem:$0x3FA8] =	sst s0  }
0x9: {  	[smem:$0x3FA9] =	sst s1  }
0xa: {  	[smem:$0x3FAA] =	sst s2  }
0xb: {  	[smem:$0x3FAB] =	sst s3  }
0xc: {  	[smem:$0x3FAC] =	sst s4  }
0xd: {  	[smem:$0x3FAD] =	sst s5  }
0xe: {  	[smem:$0x3FAE] =	sst s6  }
0xf: {  	[smem:$0x3FAF] =	sst s7  }
0x10: {  	[smem:$0x3FB0] =	sst s8  }
0x11: {  	[smem:$0x3FB1] =	sst s9;
	s0 =	simm.s32 @!p0 $0x0  }
0x12: {  	s1 =	sld [smem:$0x3F97];
	s0 =	simm.s32 @p0 $0x1  }
0x13: {  	[smem:$0x3FB2] =	sst s0;
	s0 =	simm.s32 @!p1 $0x0  }
0x14: {  	s2 =	sld [smem:$0x3F96];
	s0 =	simm.s32 @p1 $0x1  }
0x15: {  	[smem:$0x3FB3] =	sst s0;
	s0 =	simm.s32 @!p2 $0x0  }
0x16: {  	s3 =	sld [smem:$0x3FDB];
	s0 =	simm.s32 @p2 $0x1  }
0x17: {  	s4 =	simm.s32 $0x1BF5;
	[smem:$0x3FB5] =	sst s0  }
0x18: {  	s0 =	sld [smem:$0x3F98];
	_ =	swait.ge [sflag:s4], $0x0  }
0x19: {  	s7 =	sld [smem:$0x3F99]  }
0x1a: {  	s8 =	sadd.s32 $0xFFFFE003, lr  }
0x1b: {  	s9 =	sadd.s32 $0xFFFFFEF7, lr;
	s5 =	simm.s32 $0xFFFFFFFF;
	p2 =	slt.u32 s8, $0xFFFFF086  }
0x1c: {  	p1 =	slt.u32 s9, $0xF7A;
	s5 =	simm.s32 @!p2 $0x0  }
0x1d: {  	s5 =	simm.s32 @p1 $0x1;
	p0 =	seq.s32 s7, s2  }
0x1e: {  	s7 =	smul.u32 @!p0 $0xF7A, s2;
	p2 =	seq.s32 @!p0 s5, $0x0  }
0x1f: {  	s9 =	smul.u32 $0xF7A, s1;
	s8 =	simm.s32 @!p0 $0x1BF5;
	p2 =	por !p2, p0  }
0x20: {  	[sflag:s8] =	ssyncset.s32 @!p0 $0xFFFFF086;
	s6 =	sadd.s32 @!p0 s3, s7;
	s7 =	simm.s32 @!p0 $0x108  }
0x21: {  	s3 =	sadd.s32 s3, s9;
	s6 =	sadd.s32 @!p0 $0x88, s6;
	s7 =	simm.s32 @p2 $0x1082  }
0x22: {  	[simem:s7], [sflag:s8] =	dma.local @!p0 [hbm:s6], $0xF7A  }
0x23: {  	s9 =	sor.u32 $0xD0000000, s2;
	s6 =	simm.s32 $0x108;
	_ =	swait.ge @!p0 [sflag:s8], $0x0  }
0x24: {  	s3 =	sadd.s32 $0x88, s3;
	s6 =	simm.s32 @!p1 $0x1082;
	[sflag:s4] =	ssyncset.s32 $0xFFFFF086  }
0x25: {  	[simem:s6], [sflag:s4] =	dma.local [hbm:s3], $0xF7A  }
0x26: {  	[smem:$0x3F99] =	sst s1;
	(tag) =	ssettag s2;
	_ =	strace s9  }
0x27: {  	s1 =	sld [smem:$0x3FA9]  }
0x28: {  	s2 =	sld [smem:$0x3FAA]  }
0x29: {  	s4 =	sld [smem:$0x3FAC]  }
0x2a: {  	p0 =	seq.s32 s5, $0x0;
	s5 =	sld [smem:$0x3FAD]  }
0x2b: {  	s6 =	sld [smem:$0x3FAE]  }
0x2c: {  	s7 =	sld [smem:$0x3FAF]  }
0x2d: {  	s3 =	simm.s32 $0x108;
	s8 =	sld [smem:$0x3FB0]  }
0x2e: {  	s3 =	simm.s32 @!p0 $0x1082;
	s9 =	sld [smem:$0x3FB1]  }
0x2f: {  	lr =	sadd.s32 s0, s3;
	s0 =	sld [smem:$0x3FA8]  }
0x30: {  	s3 =	sld [smem:$0x3FAB]  }
0x31: {  	[smem:$0x3FB4] =	sst s10  }
0x32: {  	s10 =	sld [smem:$0x3FB2];
	_ =	sdelay $0x3  }
0x33: {  	p0 =	seq.s32 s10, $0x1;
	s10 =	sld [smem:$0x3FB4];
	_ =	sdelay $0x3  }
0x34: {  	[smem:$0x3FB4] =	sst s10  }
0x35: {  	s10 =	sld [smem:$0x3FB3];
	_ =	sdelay $0x3  }
0x36: {  	p1 =	seq.s32 s10, $0x1;
	s10 =	sld [smem:$0x3FB4];
	_ =	sdelay $0x3  }
0x37: {  	[smem:$0x3FB4] =	sst s10  }
0x38: {  	s10 =	sld [smem:$0x3FB5]  }
0x39: {  	_ = 	snop;
	(pc) =	sbr.ind lr, $3  }
0x3a: {  	_ = 	snop  }
0x3b: {  	_ = 	snop  }
0x3c: {  	p2 =	seq.s32 s10, $0x1;
	s10 =	sld [smem:$0x3FB4]  }
0x3d: {  	_ =	shalt  }
0x3e: {  	_ =	shalt  }
0x3f: {  	_ =	shalt  }
0x40: {  	_ =	shalt  }
0x41: {  	_ =	shalt  }
0x42: {  	_ =	shalt  }
0x43: {  	_ =	shalt  }
0x44: {  	_ =	shalt  }
0x45: {  	_ =	shalt  }
0x46: {  	_ =	shalt  }
0x47: {  	_ =	shalt  }
0x48: {  	_ =	shalt  }
0x49: {  	_ =	shalt  }
0x4a: {  	_ =	shalt  }
0x4b: {  	_ =	shalt  }
0x4c: {  	_ =	shalt  }
0x4d: {  	_ =	shalt  }
0x4e: {  	_ =	shalt  }
0x4f: {  	_ =	shalt  }
0x50: {  	_ =	shalt  }
0x51: {  	_ =	shalt  }
0x52: {  	_ =	shalt  }
0x53: {  	_ =	shalt  }
0x54: {  	_ =	shalt  }
0x55: {  	_ =	shalt  }
0x56: {  	_ =	shalt  }
0x57: {  	_ =	shalt  }
0x58: {  	_ =	shalt  }
0x59: {  	_ =	shalt  }
0x5a: {  	_ =	shalt  }
0x5b: {  	_ =	shalt  }
0x5c: {  	_ =	shalt  }
0x5d: {  	_ =	shalt  }
0x5e: {  	_ =	shalt  }
0x5f: {  	_ =	shalt  }
0x60: {  	_ =	shalt  }
0x61: {  	_ =	shalt  }
0x62: {  	_ =	shalt  }
0x63: {  	_ =	shalt  }
0x64: {  	_ =	shalt  }
0x65: {  	_ =	shalt  }
0x66: {  	_ =	shalt  }
0x67: {  	_ =	shalt  }
0x68: {  	_ =	shalt  }
0x69: {  	_ =	shalt  }
0x6a: {  	_ =	shalt  }
0x6b: {  	_ =	shalt  }
0x6c: {  	_ =	shalt  }
0x6d: {  	_ =	shalt  }
0x6e: {  	_ =	shalt  }
0x6f: {  	_ =	shalt  }
0x70: {  	_ =	shalt  }
0x71: {  	_ =	shalt  }
0x72: {  	_ =	shalt  }
0x73: {  	_ =	shalt  }
0x74: {  	_ =	shalt  }
0x75: {  	_ =	shalt  }
0x76: {  	_ =	shalt  }
0x77: {  	_ =	shalt  }
0x78: {  	_ =	shalt  }
0x79: {  	_ =	shalt  }
0x7a: {  	_ =	shalt  }
0x7b: {  	_ =	shalt  }
0x7c: {  	_ =	shalt  }
0x7d: {  	_ =	shalt  }
0x7e: {  	_ =	shalt  }
0x7f: {  	_ =	shalt  }
0x80: {  	_ =	shalt  }
0x81: {  	_ =	shalt  }
0x82: {  	_ =	shalt  }
0x83: {  	_ =	shalt  }
0x84: {  	_ =	shalt  }
0x85: {  	_ =	shalt  }
0x86: {  	_ =	shalt  }
0x87: {  	_ =	shalt  }
.Lfunc_end0:
.L_simem_size_0:
called_computation.1_lowered:
.L_overlay_start_0:
0x88: {  	s2 =	sld [smem:$0x3FD9]  }
0x89: {  	s3 =	sld [smem:$0x3FFE];
	_ =	sdelay $0x1  }
0x8a: {  	s1 =	srdreg.scid  }
0x8b: {  	s0 =	sand.u32 $0x1, s1  }
0x8c: {  	s17 =	sshll.u32 s0, $0xA;
	s2 =	sadd.s32 s3, s2  }
0x8d: {  	s2 =	sadd.s32 s2, s17  }
0x8e: {  	[smem:$0x3FC0] =	sst s2  }
0x8f: {  	_ = 	snop  }
0x90: {  	s2 =	sld [smem:$0x3FD0];
	(tm) =	ssettm $0x1  }
0x91: {  	s18 =	sld [smem:$0x3FFB];
	_ =	sdelay $0x3  }
0x92: {  	_ =	strace s18  }
0x93: {  	s3 =	sld [smem:$0x3FFC];
	_ =	sdelay $0x3  }
0x94: {  	_ =	strace s3  }
0x95: {  	s3 =	sld [smem:$0x3FFD];
	_ =	sdelay $0x3  }
0x96: {  	_ =	strace s3  }
0x97: {  	_ =	strace $0x8FFFFFFF  }
0x98: {  	s19 =	sld [smem:$0x3FDB];
	_ =	sdelay $0x1  }
0x99: {  	s4 =	simm.s32 $_scs_section_size  }
0x9a: {  	s5 =	simm.s32 $_size__tile_overlayer_lowered;
	s6 =	simm.s32 $_tile_overlayer_lowered  }
0x9b: {  	s22 =	simm.s32 $0x1BFF;
	s21 =	sshll.u32 s6, $0x1;
	s3 =	sadd.s32 s4, s19  }
0x9c: {  	s7 =	simm.s32 $0x0;
	s20 =	sshll.u32 s5, $0x1;
	s5 =	sadd.s32 s21, s3  }
0x9d: {  	[timem:s7], [sflag:s22] =	dma.local [hbm:s5], s20  }
0x9e: {  	_ =	swait.ge [sflag:s22], s20  }
0x9f: {  	s4 =	ssub.s32 $0x0, s20;
	[sflag:s22] =	ssyncset.done $0x0  }
0xa0: {  	[sflag:s22] =	ssyncadd.s32 s4;
	_ =	sdelay $0x1  }
0xa1: {  	s23 =	simm.s32 $0x1B8B  }
0xa2: {  	_ =	swait.ge [sflag:s23], $0x1  }
0xa3: {  	[sflag:s23] =	ssyncset.done $0x0  }
0xa4: {  	s25 =	simm.s32 $0x1B8E;
	s24 =	sld [smem:$0x3FFE];
	[sflag:s23] =	ssyncadd.s32 $0xFFFFFFFF  }
0xa5: {  	s26 =	simm.s32 $execute0_lowered;
	[smem:$0x3FD2] =	sst s25  }
0xa6: {  	s5 =	sshll.u32 s26, $0x1;
	_ =	strace $0x80000049;
	[dreg:$0x1] =	wrdreg $0xFFFFFFFF  }
0xa7: {  	s28 =	simm.s32 $_size_execute0_lowered;
	s3 =	sadd.s32 s3, s5;
	[dreg:$0x0] =	wrdreg $0x0  }
0xa8: {  	s5 =	sshll.u32 s28, $0x1;
	[dreg:$0x2] =	wrdreg s3  }
0xa9: {  	[dreg:$0x3] =	wrdreg s5  }
0xaa: {  	[dreg:$0x4] =	wrdreg $0xC0  }
0xab: {  	_ =	task [dreg:s7], $0x5FFFF  }
0xac: {  	[dreg:$0x1] =	wrdreg $0xFFFFFFFF  }
0xad: {  	[dreg:$0x0] =	wrdreg $0x60  }
0xae: {  	[dreg:$0x2] =	wrdreg s2  }
0xaf: {  	[dreg:$0x3] =	wrdreg s24  }
0xb0: {  	[dreg:$0x4] =	wrdreg $0xC1800  }
0xb1: {  	[dreg:$0x5] =	wrdreg $0x9  }
0xb2: {  	_ =	task.clear_ibuf [dreg:s7], $0x6FFFF;
	_ =	strace $0x90000049  }
0xb3: {  	s29 =	simm.s32 $0x9;
	_ =	strace $0x8000004B  }
0xb4: {  	_ =	swait.ge [sflag:s29], $0x1  }
0xb5: {  	[sflag:s29] =	ssyncadd.s32 $0xFFFFFFFF  }
0xb6: {  	_ =	strace $0x9000004B  }
0xb7: {  	_ =	sfence  }
0xb8: {  	s30 =	sld [smem:$0x0];
	_ =	sdelay $0x2  }
0xb9: {  	s31 =	sshll.u32 s1, $0xD;
	s1 =	sshrl.u32 s1, $0x2  }
0xba: {  	s3 =	sand.u32 $0x4000, s31;
	s1 =	sadd.s32 s1, s30  }
0xbb: {  	s0 =	sor.u32 s3, s0;
	s1 =	sshll.u32 s1, $0x11  }
0xbc: {  	s0 =	sor.u32 s1, s0  }
0xbd: {  	s0 =	sadd.s32 $0x8F2B, s0  }
0xbe: {  	[sflag:s0] =	ssyncadd.remote.s32 $0x1  }
0xbf: {  	_ =	sfence.sel $0xFFFF  }
0xc0: {  	[dreg:$0x0] =	wrdreg $0xFFFFFFFF;
	(pc) =	sbr.abs _section_cstart, $3  }
0xc1: {  	[dreg:$0x1] =	wrdreg $0xFFFFFFFF  }
0xc2: {  	_ =	task.clear_ibuf [dreg:s7], $0x2FFFF;
	_ =	strace $0x9FFFFFFF  }
0xc3: {  	(tm) =	ssettm $0x7FFFFFFF  }
tec
execute0_lowered:
.L_overlay_start_1:
0x0: {  	(tag) =	ssettag $0x1  }
0x1: {  	s0 =	rddreg [dreg:$0x0]  }
0x2: {  	s2 =	rddreg [dreg:$0x1]  }
0x3: {  	s3 =	srdreg.scid;
	s9 =	stileid.u32  }
0x4: {  	s1 =	rddreg [dreg:$0x2];
	s13 =	simm.s32 $0xA;
	s7 =	smul.u32 $0x4F000, s9  }
0x5: {  	s14 =	simm.s32 $0x80;
	s15 =	simm.s32 $0x100;
	s8 =	smul.u32 $0x2780, s9  }
0x6: {  	s16 =	simm.s32 $0x180;
	s17 =	simm.s32 $0x1;
	s21 =	smul.u32 $0xA00, s9  }
0x7: {  	s18 =	simm.s32 $0x5;
	s19 =	simm.s32 $0x4180;
	s24 =	smul.u32 $0x280000, s9  }
0x8: {  	s28 =	simm.s32 $0x8;
	s4 =	sand.u32 $0x1, s3;
	s11 =	smul.u32 $0x50000, s9  }
0x9: {  	s29 =	simm.s32 $0x9;
	s30 =	simm.s32 $0x0;
	s5 =	smul.u32 $0x28000, s4  }
0xa: {  	s3 =	simm.s32 $0x0;
	s23 =	sshll.u32 s9, $0x6;
	s6 =	smul.u32 $0x500000, s4  }
0xb: {  	[smem:$0x7FF] =	sst s3;
	s4 =	ssub.s32 $0x2, s4;
	s25 =	sor.u32 $0x1C0A, s23  }
0xc: {  	s23 =	simm.s32 $0x3;
	_ =	strace $0x8000004A;
	s20 =	sshrl.u32 s4, $0x1  }
0xd: {  	s7 =	sshrl.u32 s7, $0x2;
	[dreg:$0x5] =	wrdreg s25;
	s11 =	sor.u32 $0x1000, s11  }
0xe: {  	s5 =	sadd.s32 s5, s2;
	s2 =	sadd.s32 s6, s2;
	s10 =	ssub.s32 s4, s20  }
0xf: {  	s12 =	sadd.s32 s7, s1;
	s20 =	simm.s32 $0x2;
	s5 =	sadd.s32 s8, s5  }
0x10: {  	s9 =	sadd.s32 $0x85200, s2;
	s10 =	smax.u32 s10, $0x1;
	s12 =	sshrl.u32 s12, $0x3  }
.Ltmp0:
0x11: {  	s22 =	sadd.s32 $0xD200, s5;
	s5 =	sadd.s32 s0, s21;
	(pc) =	sbr.rel .LBB2_1-.Ltmp0, $4  }
0x12: {  	s0 =	sshrl.u32 s24, $0x3;
	s21 =	simm.s32 $0x6;
	s24 =	simm.s32 $0x4  }
0x13: {  	[dreg:$0x4] =	wrdreg s22;
	s26 =	sadd.s32 $0x10, s5;
	s31 =	sadd.s32 $0x20, s5  }
0x14: {  	s0 =	sadd.s32 $0x4F800, s0;
	s22 =	simm.s32 $0x8180;
	[dreg:$0x6] =	wrdreg s26  }
0x15: {  	[dreg:$0x7] =	wrdreg s31;
	s25 =	sadd.s32 s0, s9;
	s26 =	simm.s32 $0x7  }
.LBB2_4:
0x16: {  	_ =	swait.ge [sflag:s17], $0x4000  }
0x17: {  	[sflag:s17] =	ssyncset.done $0x0  }
0x18: {  	[sflag:s17] =	ssyncadd.s32 $0xFFFFC000  }
0x19: {  	[hbm4b:s25+s3] =	stream.linear.scatter [tilespmem:s16], [sflag:$0x7], $0x4000, $0x38;
	[tilespmem:$0x1FD80] =	vst v63  }
0x1a: {  	_ =	swait.ge [sflag:s28], $0x4000  }
0x1b: {  	[sflag:s28] =	ssyncset.done $0x0  }
0x1c: {  	s30 =	sadd.s32 $0x1, s30;
	[sflag:s28] =	ssyncadd.s32 $0xFFFFC000  }
0x1d: {  	p0 =	sne.s32 s30, s10;
	_ =	swait.ge [sflag:s29], $0x4000  }
.Ltmp1:
0x1e: {  	[sflag:s29] =	ssyncset.done $0x0;
	(pc) =	sbr.rel @!p0 .LBB2_5-.Ltmp1, $4  }
0x1f: {  	[sflag:s29] =	ssyncadd.s32 $0xFFFFC000  }
0x20: {  	_ =	swait.ge [sflag:s26], $0x4000  }
0x21: {  	[sflag:s26] =	ssyncset.done $0x0  }
0x22: {  	[sflag:s26] =	ssyncadd.s32 $0xFFFFC000  }
.LBB2_1:
0x23: {  	s0 =	rddreg [dreg:$0x4]  }
0x24: {  	s2 =	rddreg [dreg:$0x5]  }
0x25: {  	[spmem:s12], [sflag:s2] =	dma.local [hbm:s0], $0x2780  }
0x26: {  	_ =	swait.ge [sflag:s13], $0x2780  }
0x27: {  	[sflag:s13] =	ssyncset.done $0x0  }
0x28: {  	[sflag:s13] =	ssyncadd.s32 $0xFFFFD880  }
0x29: {  	[bflag:$0x0] =	sbarrier.arrive $0xFFFF  }
0x2a: {  	[tilespmem:s3], [sflag:$0xA] =	stream.linear.gather [hbm4b:s5+s3], $0x80, $0x38;
	[tilespmem:$0x1FD80] =	vst v63  }
0x2b: {  	_ =	swait.ge [sflag:s13], $0x80  }
0x2c: {  	[sflag:s13] =	ssyncset.done $0x0  }
0x2d: {  	s7 =	rddreg [dreg:$0x6];
	[sflag:s13] =	ssyncadd.s32 $0xFFFFFF80  }
0x2e: {  	[tilespmem:s14], [sflag:$0x5] =	stream.linear.gather [hbm4b:s7+s3], $0x80, $0x38;
	[tilespmem:$0x1FD80] =	vst v63  }
0x2f: {  	s8 =	rddreg [dreg:$0x7]  }
0x30: {  	[tilespmem:s15], [sflag:$0x6] =	stream.linear.gather [hbm4b:s8+s3], $0x80, $0x38;
	[tilespmem:$0x1FD80] =	vst v63  }
0x31: {  	s31 =	smov.u32 s11;
	s0 =	simm.s32 $0x0  }
0x32: {  	[tilespmem:s16], [sflag:$0x1] =	stream.indirect.gather [spmem:s1], $0x80, s3, s14, $0xb8;
	[tilespmem:$0x1FD80] =	vst v63  }
.LBB2_2:
0x33: {  	_ =	swait.ge [sflag:s17], $0x4000  }
0x34: {  	[sflag:s17] =	ssyncset.done $0x0  }
0x35: {  	[sflag:s17] =	ssyncadd.s32 $0xFFFFC000  }
0x36: {  	_ =	swait.ge [sflag:s18], $0x80  }
0x37: {  	p0 =	seq.s32 s0, $0x0;
	[sflag:s18] =	ssyncset.done $0x0  }
0x38: {  	s2 =	simm.s32 @!p0 $0x8;
	[sflag:s18] =	ssyncadd.s32 $0xFFFFFF80  }
0x39: {  	_ =	swait.ge @!p0 [sflag:s2], $0x4000  }
0x3a: {  	[sflag:s2] =	ssyncset.done @!p0 $0x0  }
0x3b: {  	s4 =	sadd.s32 s31, s9;
	[sflag:s2] =	ssyncadd.s32 @!p0 $0xFFFFC000  }
0x3c: {  	[tilespmem:s19], [sflag:$0x2] =	stream.indirect.gather [spmem:s1], $0x80, s14, s14, $0xb8;
	[tilespmem:$0x1FD80] =	vst v63  }
0x3d: {  	s7 =	sadd.s32 $0xFFFFF000, s4;
	s2 =	sadd.s32 s0, s5  }
0x3e: {  	[hbm4b:s7+s3] =	stream.linear.scatter [tilespmem:s16], [sflag:$0x7], $0x4000, $0x38;
	[tilespmem:$0x1FD80] =	vst v63  }
0x3f: {  	s6 =	sadd.s32 $0x30, s2  }
0x40: {  	[tilespmem:s3], [sflag:$0x4] =	stream.linear.gather [hbm4b:s6+s3], $0x80, $0x38;
	[tilespmem:$0x1FD80] =	vst v63  }
0x41: {  	_ =	swait.ge [sflag:s20], $0x4000  }
0x42: {  	[sflag:s20] =	ssyncset.done $0x0  }
0x43: {  	[sflag:s20] =	ssyncadd.s32 $0xFFFFC000  }
0x44: {  	_ =	swait.ge [sflag:s21], $0x80  }
0x45: {  	[sflag:s21] =	ssyncset.done $0x0  }
0x46: {  	s6 =	simm.s32 @!p0 $0x9;
	[sflag:s21] =	ssyncadd.s32 $0xFFFFFF80  }
0x47: {  	_ =	swait.ge @!p0 [sflag:s6], $0x4000  }
0x48: {  	[sflag:s6] =	ssyncset.done @!p0 $0x0  }
0x49: {  	[sflag:s6] =	ssyncadd.s32 @!p0 $0xFFFFC000;
	p0 =	seq.s32 s0, $0x9C0  }
0x4a: {  	[tilespmem:s22], [sflag:$0x3] =	stream.indirect.gather [spmem:s1], $0x80, s15, s14, $0xb8;
	[tilespmem:$0x1FD80] =	vst v63  }
0x4b: {  	s8 =	sadd.s32 $0xFFFFF800, s4;
	s6 =	sadd.s32 @!p0 s0, s5  }
0x4c: {  	[hbm4b:s8+s3] =	stream.linear.scatter [tilespmem:s19], [sflag:$0x8], $0x4000, $0x38;
	[tilespmem:$0x1FD80] =	vst v63  }
0x4d: {  	s7 =	simm.s32 @!p0 $0x0;
	s6 =	sadd.s32 @!p0 $0x40, s6;
	s8 =	simm.s32 @!p0 $0x80  }
0x4e: {  	[tilespmem:s8], [sflag:$0x5] =	stream.linear.gather @!p0 [hbm4b:s6+s7], $0x80, $0x38;
	[tilespmem:$0x1FD80] =	vst v63  }
0x4f: {  	_ =	swait.ge [sflag:s23], $0x4000  }
0x50: {  	[sflag:s23] =	ssyncset.done $0x0  }
0x51: {  	[sflag:s23] =	ssyncadd.s32 $0xFFFFC000  }
0x52: {  	_ =	swait.ge [sflag:s24], $0x80  }
0x53: {  	[sflag:s24] =	ssyncset.done $0x0  }
0x54: {  	[sflag:s24] =	ssyncadd.s32 $0xFFFFFF80  }
0x55: {  	_ =	swait.ge [sflag:s26], $0x4000  }
.Ltmp2:
0x56: {  	[sflag:s26] =	ssyncset.done $0x0;
	(pc) =	sbr.rel @p0 .LBB2_4-.Ltmp2, $4  }
0x57: {  	[sflag:s26] =	ssyncadd.s32 $0xFFFFC000  }
0x58: {  	[tilespmem:s16], [sflag:$0x1] =	stream.indirect.gather [spmem:s1], $0x80, s3, s14, $0xb8;
	[tilespmem:$0x1FD80] =	vst v63  }
0x59: {  	_ = 	snop  }
0x5a: {  	[hbm4b:s4+s3] =	stream.linear.scatter [tilespmem:s22], [sflag:$0x9], $0x4000, $0x38;
	[tilespmem:$0x1FD80] =	vst v63  }
.Ltmp3:
0x5b: {  	(pc) =	sbr.rel .LBB2_2-.Ltmp3, $3  }
0x5c: {  	_ =	sdelay $0x1  }
0x5d: {  	s2 =	sadd.s32 $0x50, s2;
	s0 =	sadd.s32 $0x30, s0;
	s31 =	sadd.s32 $0x1800, s31  }
0x5e: {  	[tilespmem:s15], [sflag:$0x6] =	stream.linear.gather [hbm4b:s2+s3], $0x80, $0x38;
	[tilespmem:$0x1FD80] =	vst v63  }
.LBB2_5:
0x5f: {  	_ =	sfence.sel $0x180000  }
0x60: {  	[bflag:$0x0] =	sbarrier.arrive $0xFFFF  }
0x61: {  	_ =	strace $0x9000004A  }
0x62: {  	s0 =	stileid.u32;
	[bflag:$0x2] =	sbarrier.arrive $0xFFFF  }
0x63: {  	p0 =	sne.s32 s0, $0x0;
	s0 =	rddreg [dreg:$0x3]  }
0x64: {  	s0 =	sadd.s32 @!p0 $0x100000, s0  }
0x65: {  	[sflag:s0] =	ssyncadd.tile.s32 @!p0 $0x1;
	_ =	shalt  }
.Lfunc_end2:
_tile_overlayer_lowered:
.L_overlay_start_2:
0x66: {  	(tag) =	ssettag $0x2  }
0x67: {  	s0 =	rddreg [dreg:$0x0];
	s2 =	stileid.u32  }
0x68: {  	s1 =	rddreg [dreg:$0x1];
	p0 =	sne.s32 s2, $0x0  }
0x69: {  	s3 =	rddreg [dreg:$0x2];
	[bflag:$0x3] =	sbarrier.arrive $0xFFFF;
	s2 =	simm.s32 @!p0 $0x1C0A  }
0x6a: {  	[timem:s3], [sflag:s2] =	dma.local @!p0 [hbm:s0], s1  }
0x6b: {  	s0 =	simm.s32 @!p0 $0xA  }
0x6c: {  	_ =	swait.ge @!p0 [sflag:s0], s1  }
0x6d: {  	s1 =	ssub.s32 @!p0 $0x0, s1;
	[sflag:s0] =	ssyncset.done @!p0 $0x0  }
0x6e: {  	[sflag:s0] =	ssyncadd.s32 @!p0 s1  }
0x6f: {  	[bflag:$0x3] =	sbarrier.arrive $0xFFFF  }
0x70: {  	_ =	shalt  }

// kernel: kernel.16.cloned.1.call-start
scs
__scs_entry_jumppad:
0x0: {  	(pc) =	sbr.rel $0x88, $3  }
0x1: {  	(tag) =	ssettag $0x0;
	lr =	simm.s32 $0x1  }
0x2: {  	[smem:$0x3F99] =	sst lr;
	_ =	strace $0xD0000000  }
0x3: {  	_ = 	snop  }
0x4: {  	_ = 	snop  }
0x5: {  	_ = 	snop  }
0x6: {  	_ = 	snop  }
0x7: {  	_ = 	snop  }
__scs_overlays_trampoline_lowered:
0x8: {  	[smem:$0x3FA8] =	sst s0  }
0x9: {  	[smem:$0x3FA9] =	sst s1  }
0xa: {  	[smem:$0x3FAA] =	sst s2  }
0xb: {  	[smem:$0x3FAB] =	sst s3  }
0xc: {  	[smem:$0x3FAC] =	sst s4  }
0xd: {  	[smem:$0x3FAD] =	sst s5  }
0xe: {  	[smem:$0x3FAE] =	sst s6  }
0xf: {  	[smem:$0x3FAF] =	sst s7  }
0x10: {  	[smem:$0x3FB0] =	sst s8  }
0x11: {  	[smem:$0x3FB1] =	sst s9;
	s0 =	simm.s32 @!p0 $0x0  }
0x12: {  	s1 =	sld [smem:$0x3F97];
	s0 =	simm.s32 @p0 $0x1  }
0x13: {  	[smem:$0x3FB2] =	sst s0;
	s0 =	simm.s32 @!p1 $0x0  }
0x14: {  	s2 =	sld [smem:$0x3F96];
	s0 =	simm.s32 @p1 $0x1  }
0x15: {  	[smem:$0x3FB3] =	sst s0;
	s0 =	simm.s32 @!p2 $0x0  }
0x16: {  	s3 =	sld [smem:$0x3FDB];
	s0 =	simm.s32 @p2 $0x1  }
0x17: {  	s4 =	simm.s32 $0x1BF5;
	[smem:$0x3FB5] =	sst s0  }
0x18: {  	s0 =	sld [smem:$0x3F98];
	_ =	swait.ge [sflag:s4], $0x0  }
0x19: {  	s7 =	sld [smem:$0x3F99]  }
0x1a: {  	s8 =	sadd.s32 $0xFFFFE003, lr  }
0x1b: {  	s9 =	sadd.s32 $0xFFFFFEF7, lr;
	s5 =	simm.s32 $0xFFFFFFFF;
	p2 =	slt.u32 s8, $0xFFFFF086  }
0x1c: {  	p1 =	slt.u32 s9, $0xF7A;
	s5 =	simm.s32 @!p2 $0x0  }
0x1d: {  	s5 =	simm.s32 @p1 $0x1;
	p0 =	seq.s32 s7, s2  }
0x1e: {  	s7 =	smul.u32 @!p0 $0xF7A, s2;
	p2 =	seq.s32 @!p0 s5, $0x0  }
0x1f: {  	s9 =	smul.u32 $0xF7A, s1;
	s8 =	simm.s32 @!p0 $0x1BF5;
	p2 =	por !p2, p0  }
0x20: {  	[sflag:s8] =	ssyncset.s32 @!p0 $0xFFFFF086;
	s6 =	sadd.s32 @!p0 s3, s7;
	s7 =	simm.s32 @!p0 $0x108  }
0x21: {  	s3 =	sadd.s32 s3, s9;
	s6 =	sadd.s32 @!p0 $0x88, s6;
	s7 =	simm.s32 @p2 $0x1082  }
0x22: {  	[simem:s7], [sflag:s8] =	dma.local @!p0 [hbm:s6], $0xF7A  }
0x23: {  	s9 =	sor.u32 $0xD0000000, s2;
	s6 =	simm.s32 $0x108;
	_ =	swait.ge @!p0 [sflag:s8], $0x0  }
0x24: {  	s3 =	sadd.s32 $0x88, s3;
	s6 =	simm.s32 @!p1 $0x1082;
	[sflag:s4] =	ssyncset.s32 $0xFFFFF086  }
0x25: {  	[simem:s6], [sflag:s4] =	dma.local [hbm:s3], $0xF7A  }
0x26: {  	[smem:$0x3F99] =	sst s1;
	(tag) =	ssettag s2;
	_ =	strace s9  }
0x27: {  	s1 =	sld [smem:$0x3FA9]  }
0x28: {  	s2 =	sld [smem:$0x3FAA]  }
0x29: {  	s4 =	sld [smem:$0x3FAC]  }
0x2a: {  	p0 =	seq.s32 s5, $0x0;
	s5 =	sld [smem:$0x3FAD]  }
0x2b: {  	s6 =	sld [smem:$0x3FAE]  }
0x2c: {  	s7 =	sld [smem:$0x3FAF]  }
0x2d: {  	s3 =	simm.s32 $0x108;
	s8 =	sld [smem:$0x3FB0]  }
0x2e: {  	s3 =	simm.s32 @!p0 $0x1082;
	s9 =	sld [smem:$0x3FB1]  }
0x2f: {  	lr =	sadd.s32 s0, s3;
	s0 =	sld [smem:$0x3FA8]  }
0x30: {  	s3 =	sld [smem:$0x3FAB]  }
0x31: {  	[smem:$0x3FB4] =	sst s10  }
0x32: {  	s10 =	sld [smem:$0x3FB2];
	_ =	sdelay $0x3  }
0x33: {  	p0 =	seq.s32 s10, $0x1;
	s10 =	sld [smem:$0x3FB4];
	_ =	sdelay $0x3  }
0x34: {  	[smem:$0x3FB4] =	sst s10  }
0x35: {  	s10 =	sld [smem:$0x3FB3];
	_ =	sdelay $0x3  }
0x36: {  	p1 =	seq.s32 s10, $0x1;
	s10 =	sld [smem:$0x3FB4];
	_ =	sdelay $0x3  }
0x37: {  	[smem:$0x3FB4] =	sst s10  }
0x38: {  	s10 =	sld [smem:$0x3FB5]  }
0x39: {  	_ = 	snop;
	(pc) =	sbr.ind lr, $3  }
0x3a: {  	_ = 	snop  }
0x3b: {  	_ = 	snop  }
0x3c: {  	p2 =	seq.s32 s10, $0x1;
	s10 =	sld [smem:$0x3FB4]  }
0x3d: {  	_ =	shalt  }
0x3e: {  	_ =	shalt  }
0x3f: {  	_ =	shalt  }
0x40: {  	_ =	shalt  }
0x41: {  	_ =	shalt  }
0x42: {  	_ =	shalt  }
0x43: {  	_ =	shalt  }
0x44: {  	_ =	shalt  }
0x45: {  	_ =	shalt  }
0x46: {  	_ =	shalt  }
0x47: {  	_ =	shalt  }
0x48: {  	_ =	shalt  }
0x49: {  	_ =	shalt  }
0x4a: {  	_ =	shalt  }
0x4b: {  	_ =	shalt  }
0x4c: {  	_ =	shalt  }
0x4d: {  	_ =	shalt  }
0x4e: {  	_ =	shalt  }
0x4f: {  	_ =	shalt  }
0x50: {  	_ =	shalt  }
0x51: {  	_ =	shalt  }
0x52: {  	_ =	shalt  }
0x53: {  	_ =	shalt  }
0x54: {  	_ =	shalt  }
0x55: {  	_ =	shalt  }
0x56: {  	_ =	shalt  }
0x57: {  	_ =	shalt  }
0x58: {  	_ =	shalt  }
0x59: {  	_ =	shalt  }
0x5a: {  	_ =	shalt  }
0x5b: {  	_ =	shalt  }
0x5c: {  	_ =	shalt  }
0x5d: {  	_ =	shalt  }
0x5e: {  	_ =	shalt  }
0x5f: {  	_ =	shalt  }
0x60: {  	_ =	shalt  }
0x61: {  	_ =	shalt  }
0x62: {  	_ =	shalt  }
0x63: {  	_ =	shalt  }
0x64: {  	_ =	shalt  }
0x65: {  	_ =	shalt  }
0x66: {  	_ =	shalt  }
0x67: {  	_ =	shalt  }
0x68: {  	_ =	shalt  }
0x69: {  	_ =	shalt  }
0x6a: {  	_ =	shalt  }
0x6b: {  	_ =	shalt  }
0x6c: {  	_ =	shalt  }
0x6d: {  	_ =	shalt  }
0x6e: {  	_ =	shalt  }
0x6f: {  	_ =	shalt  }
0x70: {  	_ =	shalt  }
0x71: {  	_ =	shalt  }
0x72: {  	_ =	shalt  }
0x73: {  	_ =	shalt  }
0x74: {  	_ =	shalt  }
0x75: {  	_ =	shalt  }
0x76: {  	_ =	shalt  }
0x77: {  	_ =	shalt  }
0x78: {  	_ =	shalt  }
0x79: {  	_ =	shalt  }
0x7a: {  	_ =	shalt  }
0x7b: {  	_ =	shalt  }
0x7c: {  	_ =	shalt  }
0x7d: {  	_ =	shalt  }
0x7e: {  	_ =	shalt  }
0x7f: {  	_ =	shalt  }
0x80: {  	_ =	shalt  }
0x81: {  	_ =	shalt  }
0x82: {  	_ =	shalt  }
0x83: {  	_ =	shalt  }
0x84: {  	_ =	shalt  }
0x85: {  	_ =	shalt  }
0x86: {  	_ =	shalt  }
0x87: {  	_ =	shalt  }
.Lfunc_end0:
.L_simem_size_0:
called_computation.2_lowered:
.L_overlay_start_0:
0x88: {  	s2 =	sld [smem:$0x3FD9]  }
0x89: {  	s3 =	sld [smem:$0x3FFE];
	_ =	sdelay $0x1  }
0x8a: {  	s1 =	srdreg.scid  }
0x8b: {  	s0 =	sand.u32 $0x1, s1  }
0x8c: {  	s16 =	sshll.u32 s0, $0xA;
	s2 =	sadd.s32 s3, s2  }
0x8d: {  	s2 =	sadd.s32 s2, s16  }
0x8e: {  	[smem:$0x3FC0] =	sst s2  }
0x8f: {  	_ = 	snop  }
0x90: {  	(tm) =	ssettm $0x1  }
0x91: {  	s17 =	sld [smem:$0x3FFB];
	_ =	sdelay $0x3  }
0x92: {  	_ =	strace s17  }
0x93: {  	s2 =	sld [smem:$0x3FFC];
	_ =	sdelay $0x3  }
0x94: {  	_ =	strace s2  }
0x95: {  	s2 =	sld [smem:$0x3FFD];
	_ =	sdelay $0x3  }
0x96: {  	_ =	strace s2  }
0x97: {  	_ =	strace $0x8FFFFFFF  }
0x98: {  	s18 =	sld [smem:$0x3FDB];
	_ =	sdelay $0x1  }
0x99: {  	s19 =	simm.s32 $_scs_section_size  }
0x9a: {  	s4 =	simm.s32 $_size__tile_overlayer_lowered;
	s5 =	simm.s32 $_tile_overlayer_lowered  }
0x9b: {  	s22 =	simm.s32 $0x1BFF;
	s21 =	sshll.u32 s5, $0x1;
	s2 =	sadd.s32 s19, s18  }
0x9c: {  	s6 =	simm.s32 $0x0;
	s20 =	sshll.u32 s4, $0x1;
	s4 =	sadd.s32 s21, s2  }
0x9d: {  	[timem:s6], [sflag:s22] =	dma.local [hbm:s4], s20  }
0x9e: {  	_ =	swait.ge [sflag:s22], s20  }
0x9f: {  	s3 =	ssub.s32 $0x0, s20;
	[sflag:s22] =	ssyncset.done $0x0  }
0xa0: {  	[sflag:s22] =	ssyncadd.s32 s3;
	_ =	sdelay $0x1  }
0xa1: {  	s23 =	simm.s32 $0x1B8B  }
0xa2: {  	_ =	swait.ge [sflag:s23], $0x1  }
0xa3: {  	[sflag:s23] =	ssyncset.done $0x0  }
0xa4: {  	s25 =	simm.s32 $0x1B8E;
	s24 =	sld [smem:$0x3FFE];
	[sflag:s23] =	ssyncadd.s32 $0xFFFFFFFF  }
0xa5: {  	s26 =	simm.s32 $execute0_lowered;
	[smem:$0x3FD2] =	sst s25  }
0xa6: {  	s4 =	sshll.u32 s26, $0x1;
	_ =	strace $0x8000004C;
	[dreg:$0x1] =	wrdreg $0xFFFFFFFF  }
0xa7: {  	s28 =	simm.s32 $_size_execute0_lowered;
	s2 =	sadd.s32 s2, s4;
	[dreg:$0x0] =	wrdreg $0x0  }
0xa8: {  	s4 =	sshll.u32 s28, $0x1;
	[dreg:$0x2] =	wrdreg s2  }
0xa9: {  	[dreg:$0x3] =	wrdreg s4  }
0xaa: {  	[dreg:$0x4] =	wrdreg $0xC0  }
0xab: {  	_ =	task [dreg:s6], $0x5FFFF  }
0xac: {  	[dreg:$0x1] =	wrdreg $0xFFFFFFFF  }
0xad: {  	[dreg:$0x0] =	wrdreg $0x60  }
0xae: {  	[dreg:$0x2] =	wrdreg s24  }
0xaf: {  	[dreg:$0x3] =	wrdreg $0x81000  }
0xb0: {  	[dreg:$0x4] =	wrdreg $0x9  }
0xb1: {  	_ =	task.clear_ibuf [dreg:s6], $0x5FFFF;
	_ =	strace $0x9000004C  }
0xb2: {  	s29 =	simm.s32 $0x9;
	_ =	strace $0x8000004E  }
0xb3: {  	_ =	swait.ge [sflag:s29], $0x1  }
0xb4: {  	[sflag:s29] =	ssyncadd.s32 $0xFFFFFFFF  }
0xb5: {  	_ =	strace $0x9000004E  }
0xb6: {  	_ =	sfence  }
0xb7: {  	s30 =	sld [smem:$0x0];
	_ =	sdelay $0x2  }
0xb8: {  	s31 =	sshll.u32 s1, $0xD;
	s1 =	sshrl.u32 s1, $0x2  }
0xb9: {  	s3 =	sand.u32 $0x4000, s31;
	s1 =	sadd.s32 s1, s30  }
0xba: {  	s0 =	sor.u32 s3, s0;
	s1 =	sshll.u32 s1, $0x11  }
0xbb: {  	s0 =	sor.u32 s1, s0  }
0xbc: {  	s0 =	sadd.s32 $0x8F2B, s0  }
0xbd: {  	[sflag:s0] =	ssyncadd.remote.s32 $0x1  }
0xbe: {  	_ =	sfence.sel $0xFFFF  }
0xbf: {  	[dreg:$0x0] =	wrdreg $0xFFFFFFFF;
	(pc) =	sbr.abs _section_cstart, $3  }
0xc0: {  	[dreg:$0x1] =	wrdreg $0xFFFFFFFF  }
0xc1: {  	_ =	task.clear_ibuf [dreg:s6], $0x2FFFF;
	_ =	strace $0x9FFFFFFF  }
0xc2: {  	(tm) =	ssettm $0x7FFFFFFF  }
0xc3: {  	_ =	shalt  }
tec
execute0_lowered:
.L_overlay_start_1:
0x0: {  	(tag) =	ssettag $0x1  }
0x1: {  	s10 =	rddreg [dreg:$0x0]  }
0x2: {  	s0 =	stileid.u32;
	s1 =	srdreg.scid  }
0x3: {  	s2 =	rddreg [dreg:$0x1];
	s3 =	simm.s32 $0x0;
	s11 =	smul.u32 $0xA00, s0  }
0x4: {  	s19 =	simm.s32 $0x1;
	s21 =	simm.s32 $0x4100;
	s24 =	smul.u32 $0x2800, s0  }
0x5: {  	s28 =	simm.s32 $0x0;
	s4 =	sand.u32 $0x1, s1;
	s22 =	smul.u32 $0x50000, s0  }
0x6: {  	[smem:$0x7FF] =	sst s3;
	s15 =	smul.u32 $0xA0, s0;
	s29 =	sshll.u32 s0, $0x6  }
0x7: {  	s17 =	sadd.s32 $0x3220, s10;
	s5 =	smul.u32 $0x500000, s4;
	_ =	strace $0x8000004D  }
0x8: {  	s6 =	smul.u32 $0x28000, s4;
	s7 =	ssub.s32 $0x2, s4;
	s13 =	sadd.s32 s11, s10  }
0x9: {  	s25 =	sadd.s32 s24, s10;
	s8 =	sshrl.u32 s7, $0x1;
	s26 =	sshrl.u32 s22, $0x2  }
0xa: {  	s18 =	sshll.u32 s15, $0xB;
	s31 =	sor.u32 $0x1, s15;
	s11 =	sadd.s32 s11, s17  }
0xb: {  	s15 =	simm.s32 $0x5;
	s9 =	sadd.s32 s5, s10;
	s12 =	sadd.s32 s6, s10  }
0xc: {  	s14 =	ssub.s32 s7, s8;
	s16 =	sadd.s32 s26, s2;
	s30 =	sadd.s32 $0xA85200, s25  }
0xd: {  	s6 =	sor.u32 $0x1C05, s29;
	s7 =	sadd.s32 $0x3200, s13;
	s8 =	sadd.s32 $0x3210, s13  }
0xe: {  	s20 =	sshll.u32 s31, $0xB;
	s23 =	sor.u32 $0x1000, s18;
	s13 =	sadd.s32 $0x3250, s13  }
0xf: {  	s5 =	smov.u32 s22;
	s18 =	simm.s32 $0x100;
	s26 =	simm.s32 $0x3  }
.Ltmp0:
0x10: {  	[dreg:$0x3] =	wrdreg s30;
	s9 =	sadd.s32 $0x85200, s9;
	(pc) =	sbr.rel .LBB2_1-.Ltmp0, $4  }
0x11: {  	s25 =	sadd.s32 $0xAAD200, s12;
	s10 =	smax.u32 s14, $0x1;
	s12 =	sshll.u32 s31, $0x4  }
0x12: {  	s14 =	sshrl.u32 s16, $0x3;
	s16 =	simm.s32 $0x80;
	s12 =	sadd.s32 s12, s17  }
0x13: {  	s17 =	sadd.s32 s22, s9;
	s20 =	sadd.s32 s9, s20;
	s22 =	simm.s32 $0x2  }
0x14: {  	s23 =	sadd.s32 s9, s23;
	s24 =	sadd.s32 s24, s25;
	s25 =	simm.s32 $0x4  }
.LBB2_4:
0x15: {  	s28 =	sadd.s32 $0x1, s28  }
0x16: {  	p0 =	sne.s32 s28, s10  }
.Ltmp1:
0x17: {  	[bflag:$0x0] =	sbarrier.arrive $0xFFFF;
	(pc) =	sbr.rel @!p0 .LBB2_5-.Ltmp1, $4  }
0x18: {  	[hbm:s24], [sflag:s6] =	dma.local [spmem:s14], $0x2800  }
0x19: {  	_ =	swait.ge [sflag:s15], $0x2800  }
0x1a: {  	[sflag:s15] =	ssyncset.done $0x0  }
0x1b: {  	[sflag:s15] =	ssyncadd.s32 $0xFFFFD800  }
.LBB2_1:
0x1c: {  	s0 =	rddreg [dreg:$0x3]  }
0x1d: {  	[spmem:s14], [sflag:s6] =	dma.local [hbm:s0], $0x2800  }
0x1e: {  	_ =	swait.ge [sflag:s15], $0x2800  }
0x1f: {  	[sflag:s15] =	ssyncset.done $0x0  }
0x20: {  	[sflag:s15] =	ssyncadd.s32 $0xFFFFD800  }
0x21: {  	[bflag:$0x0] =	sbarrier.arrive $0xFFFF  }
0x22: {  	[tilespmem:s3], [sflag:$0x5] =	stream.linear.gather [hbm4b:s7+s3], $0x80, $0x38;
	[tilespmem:$0x1C100] =	vst v63  }
0x23: {  	_ =	swait.ge [sflag:s15], $0x80  }
0x24: {  	[sflag:s15] =	ssyncset.done $0x0  }
0x25: {  	[sflag:s15] =	ssyncadd.s32 $0xFFFFFF80  }
0x26: {  	[tilespmem:s16], [sflag:$0x4] =	stream.linear.gather [hbm4b:s8+s3], $0x80, $0x38;
	[tilespmem:$0x1C100] =	vst v63  }
0x27: {  	_ = 	snop  }
0x28: {  	[tilespmem:s18], [sflag:$0x1] =	stream.linear.gather [hbm4b:s17+s3], $0x4000, $0x38;
	[tilespmem:$0x1C100] =	vst v63  }
0x29: {  	_ =	swait.ge [sflag:s19], $0x4000  }
0x2a: {  	[sflag:s19] =	ssyncset.done $0x0  }
0x2b: {  	[sflag:s19] =	ssyncadd.s32 $0xFFFFC000  }
0x2c: {  	[tilespmem:s21], [sflag:$0x2] =	stream.linear.gather [hbm4b:s20+s3], $0x4000, $0x38;
	[tilespmem:$0x1C100] =	vst v63  }
0x2d: {  	_ = 	snop  }
0x2e: {  	[spmem:s2] =	stream.indirect.scatter.add.f32 [tilespmem:s18], [sflag:$0x5], $0x80, s3, s16, $0xb8;
	[tilespmem:$0x1C100] =	vst v63  }
0x2f: {  	_ =	swait.ge [sflag:s15], $0x4000  }
0x30: {  	[sflag:s15] =	ssyncset.done $0x0  }
0x31: {  	[sflag:s15] =	ssyncadd.s32 $0xFFFFC000  }
0x32: {  	[tilespmem:s3], [sflag:$0x3] =	stream.linear.gather [hbm4b:s11+s3], $0x80, $0x38;
	[tilespmem:$0x1C100] =	vst v63  }
0x33: {  	_ =	swait.ge [sflag:s22], $0x4000  }
0x34: {  	[sflag:s22] =	ssyncset.done $0x0  }
0x35: {  	[sflag:s22] =	ssyncadd.s32 $0xFFFFC000  }
0x36: {  	[tilespmem:s18], [sflag:$0x1] =	stream.linear.gather [hbm4b:s23+s3], $0x4000, $0x38;
	[tilespmem:$0x1C100] =	vst v63  }
0x37: {  	_ =	swait.ge [sflag:s25], $0x80  }
0x38: {  	[sflag:s25] =	ssyncset.done $0x0  }
0x39: {  	[sflag:s25] =	ssyncadd.s32 $0xFFFFFF80  }
0x3a: {  	[spmem:s2] =	stream.indirect.scatter.add.f32 [tilespmem:s21], [sflag:$0x5], $0x80, s16, s16, $0xb8;
	[tilespmem:$0x1C100] =	vst v63  }
0x3b: {  	_ =	swait.ge [sflag:s15], $0x4000  }
0x3c: {  	s29 =	sadd.s32 s9, s5;
	[sflag:s15] =	ssyncset.done $0x0  }
0x3d: {  	s30 =	smov.u32 s13;
	s31 =	simm.s32 $0x0;
	[sflag:s15] =	ssyncadd.s32 $0xFFFFC000  }
0x3e: {  	[tilespmem:s16], [sflag:$0x4] =	stream.linear.gather [hbm4b:s12+s3], $0x80, $0x38;
	[tilespmem:$0x1C100] =	vst v63  }
.LBB2_2:
0x3f: {  	_ =	swait.ge [sflag:s19], $0x4000  }
0x40: {  	s1 =	sadd.s32 s31, s29;
	[sflag:s19] =	ssyncset.done $0x0  }
0x41: {  	s1 =	sadd.s32 $0x1800, s1;
	[sflag:s19] =	ssyncadd.s32 $0xFFFFC000  }
0x42: {  	[tilespmem:s21], [sflag:$0x2] =	stream.linear.gather [hbm4b:s1+s3], $0x4000, $0x38;
	[tilespmem:$0x1C100] =	vst v63  }
0x43: {  	_ =	swait.ge [sflag:s26], $0x80  }
0x44: {  	[sflag:s26] =	ssyncset.done $0x0  }
0x45: {  	[sflag:s26] =	ssyncadd.s32 $0xFFFFFF80  }
0x46: {  	[spmem:s2] =	stream.indirect.scatter.add.f32 [tilespmem:s18], [sflag:$0x5], $0x80, s3, s16, $0xb8;
	[tilespmem:$0x1C100] =	vst v63  }
0x47: {  	_ =	swait.ge [sflag:s15], $0x4000  }
0x48: {  	p0 =	sne.s32 s31, $0x4E000;
	[sflag:s15] =	ssyncset.done $0x0  }
0x49: {  	s0 =	simm.s32 @p0 $0x0;
	s1 =	sadd.s32 @p0 $0xFFFFFFF0, s30;
	[sflag:s15] =	ssyncadd.s32 $0xFFFFC000  }
0x4a: {  	[tilespmem:s0], [sflag:$0x3] =	stream.linear.gather @p0 [hbm4b:s1+s0], $0x80, $0x38;
	[tilespmem:$0x1C100] =	vst v63  }
0x4b: {  	s1 =	simm.s32 @p0 $0x2  }
0x4c: {  	_ =	swait.ge @p0 [sflag:s1], $0x4000  }
0x4d: {  	s4 =	sadd.s32 @p0 s31, s29;
	[sflag:s1] =	ssyncset.done @p0 $0x0  }
0x4e: {  	[sflag:s1] =	ssyncadd.s32 @p0 $0xFFFFC000;
	s1 =	sadd.s32 @p0 $0x2000, s4;
	s4 =	simm.s32 @p0 $0x100  }
0x4f: {  	[tilespmem:s4], [sflag:$0x1] =	stream.linear.gather @p0 [hbm4b:s1+s0], $0x4000, $0x38;
	[tilespmem:$0x1C100] =	vst v63  }
0x50: {  	s0 =	simm.s32 @!p0 $0x2  }
0x51: {  	_ =	swait.ge @!p0 [sflag:s0], $0x4000  }
0x52: {  	[sflag:s0] =	ssyncset.done @!p0 $0x0  }
0x53: {  	[sflag:s0] =	ssyncadd.s32 @!p0 $0xFFFFC000  }
0x54: {  	_ =	swait.ge [sflag:s25], $0x80  }
0x55: {  	p0 =	seq.s32 s31, $0x4E000;
	[sflag:s25] =	ssyncset.done $0x0  }
.Ltmp2:
0x56: {  	[sflag:s25] =	ssyncadd.s32 $0xFFFFFF80;
	(pc) =	sbr.rel @p0 .LBB2_4-.Ltmp2, $4  }
0x57: {  	[spmem:s2] =	stream.indirect.scatter.add.f32 [tilespmem:s21], [sflag:$0x5], $0x80, s16, s16, $0xb8;
	[tilespmem:$0x1C100] =	vst v63  }
0x58: {  	_ =	swait.ge [sflag:s15], $0x4000  }
0x59: {  	[sflag:s15] =	ssyncset.done $0x0  }
0x5a: {  	[sflag:s15] =	ssyncadd.s32 $0xFFFFC000  }
.Ltmp3:
0x5b: {  	(pc) =	sbr.rel .LBB2_2-.Ltmp3, $3  }
0x5c: {  	_ =	sdelay $0x1  }
0x5d: {  	[tilespmem:s16], [sflag:$0x4] =	stream.linear.gather [hbm4b:s30+s3], $0x80, $0x38;
	[tilespmem:$0x1C100] =	vst v63  }
0x5e: {  	s31 =	sadd.s32 $0x1000, s31;
	s30 =	sadd.s32 $0x20, s30  }
.LBB2_5:
0x5f: {  	_ =	sfence.sel $0x180000  }
0x60: {  	[bflag:$0x0] =	sbarrier.arrive $0xFFFF  }
0x61: {  	_ =	strace $0x9000004D  }
0x62: {  	s0 =	stileid.u32;
	[bflag:$0x2] =	sbarrier.arrive $0xFFFF  }
0x63: {  	p0 =	sne.s32 s0, $0x0;
	s0 =	rddreg [dreg:$0x2]  }
0x64: {  	s0 =	sadd.s32 @!p0 $0x100000, s0  }
0x65: {  	[sflag:s0] =	ssyncadd.tile.s32 @!p0 $0x1;
	_ =	shalt  }
.Lfunc_end2:
_tile_overlayer_lowered:
.L_overlay_start_2:
0x66: {  	(tag) =	ssettag $0x2  }
0x67: {  	s0 =	rddreg [dreg:$0x0];
	s2 =	stileid.u32  }
0x68: {  	s1 =	rddreg [dreg:$0x1];
	p0 =	sne.s32 s2, $0x0  }
0x69: {  	s3 =	rddreg [dreg:$0x2];
	[bflag:$0x3] =	sbarrier.arrive $0xFFFF;
	s2 =	simm.s32 @!p0 $0x1C05  }
0x6a: {  	[timem:s3], [sflag:s2] =	dma.local @!p0 [hbm:s0], s1  }
0x6b: {  	s0 =	simm.s32 @!p0 $0x5  }
0x6c: {  	_ =	swait.ge @!p0 [sflag:s0], s1  }
0x6d: {  	s1 =	ssub.s32 @!p0 $0x0, s1;
	[sflag:s0] =	ssyncset.done @!p0 $0x0  }
0x6e: {  	[sflag:s0] =	ssyncadd.s32 @!p0 s1  }
0x6f: {  	[bflag:$0x3] =	sbarrier.arrive $0xFFFF  }
0x70: {  	_ =	shalt  }

// kernel: kernel.19.cloned.1.call-start
scs
__scs_entry_jumppad:
0x0: {  	(pc) =	sbr.rel $0x88, $3  }
0x1: {  	(tag) =	ssettag $0x0;
	lr =	simm.s32 $0x1  }
0x2: {  	[smem:$0x3F99] =	sst lr;
	_ =	strace $0xD0000000  }
0x3: {  	_ = 	snop  }
0x4: {  	_ = 	snop  }
0x5: {  	_ = 	snop  }
0x6: {  	_ = 	snop  }
0x7: {  	_ = 	snop  }
__scs_overlays_trampoline_lowered:
0x8: {  	[smem:$0x3FA8] =	sst s0  }
0x9: {  	[smem:$0x3FA9] =	sst s1  }
0xa: {  	[smem:$0x3FAA] =	sst s2  }
0xb: {  	[smem:$0x3FAB] =	sst s3  }
0xc: {  	[smem:$0x3FAC] =	sst s4  }
0xd: {  	[smem:$0x3FAD] =	sst s5  }
0xe: {  	[smem:$0x3FAE] =	sst s6  }
0xf: {  	[smem:$0x3FAF] =	sst s7  }
0x10: {  	[smem:$0x3FB0] =	sst s8  }
0x11: {  	[smem:$0x3FB1] =	sst s9;
	s0 =	simm.s32 @!p0 $0x0  }
0x12: {  	s1 =	sld [smem:$0x3F97];
	s0 =	simm.s32 @p0 $0x1  }
0x13: {  	[smem:$0x3FB2] =	sst s0;
	s0 =	simm.s32 @!p1 $0x0  }
0x14: {  	s2 =	sld [smem:$0x3F96];
	s0 =	simm.s32 @p1 $0x1  }
0x15: {  	[smem:$0x3FB3] =	sst s0;
	s0 =	simm.s32 @!p2 $0x0  }
0x16: {  	s3 =	sld [smem:$0x3FDB];
	s0 =	simm.s32 @p2 $0x1  }
0x17: {  	s4 =	simm.s32 $0x1BF5;
	[smem:$0x3FB5] =	sst s0  }
0x18: {  	s0 =	sld [smem:$0x3F98];
	_ =	swait.ge [sflag:s4], $0x0  }
0x19: {  	s7 =	sld [smem:$0x3F99]  }
0x1a: {  	s8 =	sadd.s32 $0xFFFFE003, lr  }
0x1b: {  	s9 =	sadd.s32 $0xFFFFFEF7, lr;
	s5 =	simm.s32 $0xFFFFFFFF;
	p2 =	slt.u32 s8, $0xFFFFF086  }
0x1c: {  	p1 =	slt.u32 s9, $0xF7A;
	s5 =	simm.s32 @!p2 $0x0  }
0x1d: {  	s5 =	simm.s32 @p1 $0x1;
	p0 =	seq.s32 s7, s2  }
0x1e: {  	s7 =	smul.u32 @!p0 $0xF7A, s2;
	p2 =	seq.s32 @!p0 s5, $0x0  }
0x1f: {  	s9 =	smul.u32 $0xF7A, s1;
	s8 =	simm.s32 @!p0 $0x1BF5;
	p2 =	por !p2, p0  }
0x20: {  	[sflag:s8] =	ssyncset.s32 @!p0 $0xFFFFF086;
	s6 =	sadd.s32 @!p0 s3, s7;
	s7 =	simm.s32 @!p0 $0x108  }
0x21: {  	s3 =	sadd.s32 s3, s9;
	s6 =	sadd.s32 @!p0 $0x88, s6;
	s7 =	simm.s32 @p2 $0x1082  }
0x22: {  	[simem:s7], [sflag:s8] =	dma.local @!p0 [hbm:s6], $0xF7A  }
0x23: {  	s9 =	sor.u32 $0xD0000000, s2;
	s6 =	simm.s32 $0x108;
	_ =	swait.ge @!p0 [sflag:s8], $0x0  }
0x24: {  	s3 =	sadd.s32 $0x88, s3;
	s6 =	simm.s32 @!p1 $0x1082;
	[sflag:s4] =	ssyncset.s32 $0xFFFFF086  }
0x25: {  	[simem:s6], [sflag:s4] =	dma.local [hbm:s3], $0xF7A  }
0x26: {  	[smem:$0x3F99] =	sst s1;
	(tag) =	ssettag s2;
	_ =	strace s9  }
0x27: {  	s1 =	sld [smem:$0x3FA9]  }
0x28: {  	s2 =	sld [smem:$0x3FAA]  }
0x29: {  	s4 =	sld [smem:$0x3FAC]  }
0x2a: {  	p0 =	seq.s32 s5, $0x0;
	s5 =	sld [smem:$0x3FAD]  }
0x2b: {  	s6 =	sld [smem:$0x3FAE]  }
0x2c: {  	s7 =	sld [smem:$0x3FAF]  }
0x2d: {  	s3 =	simm.s32 $0x108;
	s8 =	sld [smem:$0x3FB0]  }
0x2e: {  	s3 =	simm.s32 @!p0 $0x1082;
	s9 =	sld [smem:$0x3FB1]  }
0x2f: {  	lr =	sadd.s32 s0, s3;
	s0 =	sld [smem:$0x3FA8]  }
0x30: {  	s3 =	sld [smem:$0x3FAB]  }
0x31: {  	[smem:$0x3FB4] =	sst s10  }
0x32: {  	s10 =	sld [smem:$0x3FB2];
	_ =	sdelay $0x3  }
0x33: {  	p0 =	seq.s32 s10, $0x1;
	s10 =	sld [smem:$0x3FB4];
	_ =	sdelay $0x3  }
0x34: {  	[smem:$0x3FB4] =	sst s10  }
0x35: {  	s10 =	sld [smem:$0x3FB3];
	_ =	sdelay $0x3  }
0x36: {  	p1 =	seq.s32 s10, $0x1;
	s10 =	sld [smem:$0x3FB4];
	_ =	sdelay $0x3  }
0x37: {  	[smem:$0x3FB4] =	sst s10  }
0x38: {  	s10 =	sld [smem:$0x3FB5]  }
0x39: {  	_ = 	snop;
	(pc) =	sbr.ind lr, $3  }
0x3a: {  	_ = 	snop  }
0x3b: {  	_ = 	snop  }
0x3c: {  	p2 =	seq.s32 s10, $0x1;
	s10 =	sld [smem:$0x3FB4]  }
0x3d: {  	_ =	shalt  }
0x3e: {  	_ =	shalt  }
0x3f: {  	_ =	shalt  }
0x40: {  	_ =	shalt  }
0x41: {  	_ =	shalt  }
0x42: {  	_ =	shalt  }
0x43: {  	_ =	shalt  }
0x44: {  	_ =	shalt  }
0x45: {  	_ =	shalt  }
0x46: {  	_ =	shalt  }
0x47: {  	_ =	shalt  }
0x48: {  	_ =	shalt  }
0x49: {  	_ =	shalt  }
0x4a: {  	_ =	shalt  }
0x4b: {  	_ =	shalt  }
0x4c: {  	_ =	shalt  }
0x4d: {  	_ =	shalt  }
0x4e: {  	_ =	shalt  }
0x4f: {  	_ =	shalt  }
0x50: {  	_ =	shalt  }
0x51: {  	_ =	shalt  }
0x52: {  	_ =	shalt  }
0x53: {  	_ =	shalt  }
0x54: {  	_ =	shalt  }
0x55: {  	_ =	shalt  }
0x56: {  	_ =	shalt  }
0x57: {  	_ =	shalt  }
0x58: {  	_ =	shalt  }
0x59: {  	_ =	shalt  }
0x5a: {  	_ =	shalt  }
0x5b: {  	_ =	shalt  }
0x5c: {  	_ =	shalt  }
0x5d: {  	_ =	shalt  }
0x5e: {  	_ =	shalt  }
0x5f: {  	_ =	shalt  }
0x60: {  	_ =	shalt  }
0x61: {  	_ =	shalt  }
0x62: {  	_ =	shalt  }
0x63: {  	_ =	shalt  }
0x64: {  	_ =	shalt  }
0x65: {  	_ =	shalt  }
0x66: {  	_ =	shalt  }
0x67: {  	_ =	shalt  }
0x68: {  	_ =	shalt  }
0x69: {  	_ =	shalt  }
0x6a: {  	_ =	shalt  }
0x6b: {  	_ =	shalt  }
0x6c: {  	_ =	shalt  }
0x6d: {  	_ =	shalt  }
0x6e: {  	_ =	shalt  }
0x6f: {  	_ =	shalt  }
0x70: {  	_ =	shalt  }
0x71: {  	_ =	shalt  }
0x72: {  	_ =	shalt  }
0x73: {  	_ =	shalt  }
0x74: {  	_ =	shalt  }
0x75: {  	_ =	shalt  }
0x76: {  	_ =	shalt  }
0x77: {  	_ =	shalt  }
0x78: {  	_ =	shalt  }
0x79: {  	_ =	shalt  }
0x7a: {  	_ =	shalt  }
0x7b: {  	_ =	shalt  }
0x7c: {  	_ =	shalt  }
0x7d: {  	_ =	shalt  }
0x7e: {  	_ =	shalt  }
0x7f: {  	_ =	shalt  }
0x80: {  	_ =	shalt  }
0x81: {  	_ =	shalt  }
0x82: {  	_ =	shalt  }
0x83: {  	_ =	shalt  }
0x84: {  	_ =	shalt  }
0x85: {  	_ =	shalt  }
0x86: {  	_ =	shalt  }
0x87: {  	_ =	shalt  }
.Lfunc_end0:
.L_simem_size_0:
called_computation.3_lowered:
.L_overlay_start_0:
0x88: {  	s2 =	sld [smem:$0x3FD9]  }
0x89: {  	s3 =	sld [smem:$0x3FFE];
	_ =	sdelay $0x1  }
0x8a: {  	s1 =	srdreg.scid  }
0x8b: {  	s0 =	sand.u32 $0x1, s1  }
0x8c: {  	s17 =	sshll.u32 s0, $0xA;
	s2 =	sadd.s32 s3, s2  }
0x8d: {  	s2 =	sadd.s32 s2, s17  }
0x8e: {  	[smem:$0x3FC0] =	sst s2  }
0x8f: {  	_ = 	snop  }
0x90: {  	s2 =	sld [smem:$0x3FD0];
	(tm) =	ssettm $0x1  }
0x91: {  	s18 =	sld [smem:$0x3FFB];
	_ =	sdelay $0x3  }
0x92: {  	_ =	strace s18  }
0x93: {  	s3 =	sld [smem:$0x3FFC];
	_ =	sdelay $0x3  }
0x94: {  	_ =	strace s3  }
0x95: {  	s3 =	sld [smem:$0x3FFD];
	_ =	sdelay $0x3  }
0x96: {  	_ =	strace s3  }
0x97: {  	_ =	strace $0x8FFFFFFF  }
0x98: {  	s19 =	sld [smem:$0x3FDB];
	_ =	sdelay $0x1  }
0x99: {  	s4 =	simm.s32 $_scs_section_size  }
0x9a: {  	s5 =	simm.s32 $_size__tile_overlayer_lowered;
	s6 =	simm.s32 $_tile_overlayer_lowered  }
0x9b: {  	s22 =	simm.s32 $0x1BFF;
	s21 =	sshll.u32 s6, $0x1;
	s3 =	sadd.s32 s4, s19  }
0x9c: {  	s7 =	simm.s32 $0x0;
	s20 =	sshll.u32 s5, $0x1;
	s5 =	sadd.s32 s21, s3  }
0x9d: {  	[timem:s7], [sflag:s22] =	dma.local [hbm:s5], s20  }
0x9e: {  	_ =	swait.ge [sflag:s22], s20  }
0x9f: {  	s4 =	ssub.s32 $0x0, s20;
	[sflag:s22] =	ssyncset.done $0x0  }
0xa0: {  	[sflag:s22] =	ssyncadd.s32 s4;
	_ =	sdelay $0x1  }
0xa1: {  	s23 =	simm.s32 $0x1B8B  }
0xa2: {  	_ =	swait.ge [sflag:s23], $0x1  }
0xa3: {  	[sflag:s23] =	ssyncset.done $0x0  }
0xa4: {  	s25 =	simm.s32 $0x1B8E;
	s24 =	sld [smem:$0x3FFE];
	[sflag:s23] =	ssyncadd.s32 $0xFFFFFFFF  }
0xa5: {  	s26 =	simm.s32 $execute0_lowered;
	[smem:$0x3FD2] =	sst s25  }
0xa6: {  	s5 =	sshll.u32 s26, $0x1;
	_ =	strace $0x8000004F;
	[dreg:$0x1] =	wrdreg $0xFFFFFFFF  }
0xa7: {  	s28 =	simm.s32 $_size_execute0_lowered;
	s3 =	sadd.s32 s3, s5;
	[dreg:$0x0] =	wrdreg $0x0  }
0xa8: {  	s5 =	sshll.u32 s28, $0x1;
	[dreg:$0x2] =	wrdreg s3  }
0xa9: {  	[dreg:$0x3] =	wrdreg s5  }
0xaa: {  	[dreg:$0x4] =	wrdreg $0xC0  }
0xab: {  	_ =	task [dreg:s7], $0x5FFFF  }
0xac: {  	[dreg:$0x1] =	wrdreg $0xFFFFFFFF  }
0xad: {  	[dreg:$0x0] =	wrdreg $0x60  }
0xae: {  	[dreg:$0x2] =	wrdreg s2  }
0xaf: {  	[dreg:$0x3] =	wrdreg s24  }
0xb0: {  	[dreg:$0x4] =	wrdreg $0xC1800  }
0xb1: {  	[dreg:$0x5] =	wrdreg $0x9  }
0xb2: {  	_ =	task.clear_ibuf [dreg:s7], $0x6FFFF;
	_ =	strace $0x9000004F  }
0xb3: {  	s29 =	simm.s32 $0x9;
	_ =	strace $0x80000051  }
0xb4: {  	_ =	swait.ge [sflag:s29], $0x1  }
0xb5: {  	[sflag:s29] =	ssyncadd.s32 $0xFFFFFFFF  }
0xb6: {  	_ =	strace $0x90000051  }
0xb7: {  	_ =	sfence  }
0xb8: {  	s30 =	sld [smem:$0x0];
	_ =	sdelay $0x2  }
0xb9: {  	s31 =	sshll.u32 s1, $0xD;
	s1 =	sshrl.u32 s1, $0x2  }
0xba: {  	s3 =	sand.u32 $0x4000, s31;
	s1 =	sadd.s32 s1, s30  }
0xbb: {  	s0 =	sor.u32 s3, s0;
	s1 =	sshll.u32 s1, $0x11  }
0xbc: {  	s0 =	sor.u32 s1, s0  }
0xbd: {  	s0 =	sadd.s32 $0x8F2B, s0  }
0xbe: {  	[sflag:s0] =	ssyncadd.remote.s32 $0x1  }
0xbf: {  	_ =	sfence.sel $0xFFFF  }
0xc0: {  	[dreg:$0x0] =	wrdreg $0xFFFFFFFF;
	(pc) =	sbr.abs _section_cstart, $3  }
0xc1: {  	[dreg:$0x1] =	wrdreg $0xFFFFFFFF  }
0xc2: {  	_ =	task.clear_ibuf [dreg:s7], $0x2FFFF;
	_ =	strace $0x9FFFFFFF  }
0xc3: {  	(tm) =	ssettm $0x7FFFFFFF  }
tec
execute0_lowered:
.L_overlay_start_1:
0x0: {  	(tag) =	ssettag $0x1  }
0x1: {  	s0 =	rddreg [dreg:$0x0]  }
0x2: {  	s1 =	rddreg [dreg:$0x1];
	s15 =	stileid.u32  }
0x3: {  	s2 =	rddreg [dreg:$0x2];
	s3 =	simm.s32 $0x0;
	s4 =	smul.u32 $0x2780, s15  }
0x4: {  	s5 =	srdreg.scid;
	s28 =	simm.s32 $0x4;
	s9 =	smul.u32 $0x4F000, s15  }
0x5: {  	s29 =	simm.s32 $0x7;
	s30 =	simm.s32 $0x8;
	s12 =	smul.u32 $0x50, s15  }
0x6: {  	s31 =	simm.s32 $0x9;
	[smem:$0x7FF] =	sst s3;
	s24 =	smul.u32 $0x500, s15  }
0x7: {  	s5 =	sand.u32 $0x1, s5;
	s18 =	sshll.u32 s15, $0x6;
	s25 =	smul.u32 $0x28000, s15  }
0x8: {  	_ =	strace $0x80000050;
	s6 =	ssub.s32 $0x2, s5;
	s21 =	smul.u32 $0x500, s5  }
0x9: {  	s7 =	sshll.u32 s5, $0x4;
	s19 =	sor.u32 $0x1C0A, s18;
	s14 =	smul.u32 $0x5000, s5  }
0xa: {  	s5 =	smul.u32 $0x280000, s5;
	s18 =	simm.s32 $0x100;
	s4 =	sadd.s32 s4, s1  }
0xb: {  	s8 =	sshrl.u32 s6, $0x1;
	s7 =	sor.u32 s15, s7;
	s1 =	sadd.s32 $0x85200, s1  }
0xc: {  	s17 =	sshrl.u32 s9, $0x2;
	[dreg:$0x5] =	wrdreg s19;
	s16 =	smul.u32 $0x500, s7  }
0xd: {  	s19 =	simm.s32 $0x180;
	s11 =	ssub.s32 s6, s8;
	s7 =	smul.u32 $0x140000, s7  }
0xe: {  	s13 =	sadd.s32 s17, s2;
	s4 =	sadd.s32 $0xD200, s4;
	s26 =	sadd.s32 s5, s1  }
0xf: {  	s17 =	simm.s32 $0x80;
	[dreg:$0x4] =	wrdreg s4;
	s11 =	smax.u32 s11, $0x1  }
0x10: {  	s15 =	sshrl.u32 s13, $0x3;
	s6 =	sadd.s32 s0, s16;
	s20 =	sshrl.u32 s7, $0x3  }
0x11: {  	s7 =	sadd.s32 s12, s21;
	s0 =	sadd.s32 s14, s0;
	s16 =	simm.s32 $0xA  }
0x12: {  	s21 =	simm.s32 $0x5;
	s22 =	sadd.s32 $0x10, s6;
	s4 =	sadd.s32 s1, s20  }
0x13: {  	s23 =	sadd.s32 $0x20, s6;
	s7 =	sshll.u32 s7, $0xB;
	s12 =	sadd.s32 s24, s0  }
.Ltmp0:
0x14: {  	s20 =	simm.s32 $0x1;
	[dreg:$0x6] =	wrdreg s22;
	(pc) =	sbr.rel .LBB2_1-.Ltmp0, $4  }
0x15: {  	s24 =	simm.s32 $0x6;
	s0 =	simm.s32 $0x0;
	[dreg:$0x7] =	wrdreg s23  }
0x16: {  	s9 =	sadd.s32 $0x27000, s4;
	s10 =	sadd.s32 $0x27800, s4;
	s7 =	sadd.s32 s7, s1  }
0x17: {  	s1 =	sadd.s32 s25, s26;
	s22 =	simm.s32 $0x4180;
	s23 =	simm.s32 $0x2  }
0x18: {  	s25 =	simm.s32 $0x8180;
	s26 =	simm.s32 $0x3;
	s4 =	sadd.s32 $0x1000, s7  }
.LBB2_4:
0x19: {  	_ =	swait.ge [sflag:s20], $0x4000  }
0x1a: {  	[sflag:s20] =	ssyncset.done $0x0  }
0x1b: {  	[sflag:s20] =	ssyncadd.s32 $0xFFFFC000  }
0x1c: {  	_ =	swait.ge [sflag:s21], $0x80  }
0x1d: {  	[sflag:s21] =	ssyncset.done $0x0  }
0x1e: {  	[sflag:s21] =	ssyncadd.s32 $0xFFFFFF80  }
0x1f: {  	_ =	swait.ge [sflag:s30], $0x4000  }
0x20: {  	[sflag:s30] =	ssyncset.done $0x0  }
0x21: {  	[sflag:s30] =	ssyncadd.s32 $0xFFFFC000  }
0x22: {  	[tilespmem:s22], [sflag:$0x2] =	stream.indirect.gather [spmem:s2], $0x80, s17, s17, $0xb8;
	[tilespmem:$0x1FD80] =	vst v63  }
0x23: {  	_ = 	snop  }
0x24: {  	[hbm4b:s9+s3] =	stream.linear.scatter [tilespmem:s19], [sflag:$0x7], $0x4000, $0x38;
	[tilespmem:$0x1FD80] =	vst v63  }
0x25: {  	_ =	swait.ge [sflag:s23], $0x4000  }
0x26: {  	[sflag:s23] =	ssyncset.done $0x0  }
0x27: {  	[sflag:s23] =	ssyncadd.s32 $0xFFFFC000  }
0x28: {  	[hbm4b:s10+s3] =	stream.linear.scatter [tilespmem:s22], [sflag:$0x8], $0x4000, $0x38;
	[tilespmem:$0x1FD80] =	vst v63  }
0x29: {  	_ =	swait.ge [sflag:s31], $0x4000  }
0x2a: {  	[sflag:s31] =	ssyncset.done $0x0  }
0x2b: {  	s0 =	sadd.s32 $0x1, s0;
	[sflag:s31] =	ssyncadd.s32 $0xFFFFC000  }
0x2c: {  	p0 =	sne.s32 s0, s11;
	_ =	swait.ge [sflag:s29], $0x4000  }
.Ltmp1:
0x2d: {  	[sflag:s29] =	ssyncset.done $0x0;
	(pc) =	sbr.rel @!p0 .LBB2_5-.Ltmp1, $4  }
0x2e: {  	[sflag:s29] =	ssyncadd.s32 $0xFFFFC000  }
0x2f: {  	_ =	swait.ge [sflag:s30], $0x4000  }
0x30: {  	[sflag:s30] =	ssyncset.done $0x0  }
0x31: {  	[sflag:s30] =	ssyncadd.s32 $0xFFFFC000  }
.LBB2_1:
0x32: {  	s5 =	rddreg [dreg:$0x4]  }
0x33: {  	s7 =	rddreg [dreg:$0x5]  }
0x34: {  	[spmem:s15], [sflag:s7] =	dma.local [hbm:s5], $0x2780  }
0x35: {  	_ =	swait.ge [sflag:s16], $0x2780  }
0x36: {  	[sflag:s16] =	ssyncset.done $0x0  }
0x37: {  	[sflag:s16] =	ssyncadd.s32 $0xFFFFD880  }
0x38: {  	[bflag:$0x0] =	sbarrier.arrive $0xFFFF  }
0x39: {  	[tilespmem:s3], [sflag:$0xA] =	stream.linear.gather [hbm4b:s6+s3], $0x80, $0x38;
	[tilespmem:$0x1FD80] =	vst v63  }
0x3a: {  	_ =	swait.ge [sflag:s16], $0x80  }
0x3b: {  	[sflag:s16] =	ssyncset.done $0x0  }
0x3c: {  	s13 =	rddreg [dreg:$0x6];
	[sflag:s16] =	ssyncadd.s32 $0xFFFFFF80  }
0x3d: {  	[tilespmem:s17], [sflag:$0x5] =	stream.linear.gather [hbm4b:s13+s3], $0x80, $0x38;
	[tilespmem:$0x1FD80] =	vst v63  }
0x3e: {  	s14 =	rddreg [dreg:$0x7]  }
0x3f: {  	[tilespmem:s18], [sflag:$0x6] =	stream.linear.gather [hbm4b:s14+s3], $0x80, $0x38;
	[tilespmem:$0x1FD80] =	vst v63  }
0x40: {  	s5 =	simm.s32 $0x0;
	s13 =	smov.u32 s4;
	s14 =	smov.u32 s1  }
0x41: {  	[tilespmem:s19], [sflag:$0x1] =	stream.indirect.gather [spmem:s2], $0x80, s3, s17, $0xb8;
	[tilespmem:$0x1FD80] =	vst v63  }
.LBB2_2:
0x42: {  	_ =	swait.ge [sflag:s20], $0x4000  }
0x43: {  	[sflag:s20] =	ssyncset.done $0x0  }
0x44: {  	[sflag:s20] =	ssyncadd.s32 $0xFFFFC000  }
0x45: {  	_ =	swait.ge [sflag:s21], $0x80  }
0x46: {  	p0 =	seq.s32 s5, $0x0;
	[sflag:s21] =	ssyncset.done $0x0  }
0x47: {  	s7 =	simm.s32 @!p0 $0x8;
	[sflag:s21] =	ssyncadd.s32 $0xFFFFFF80  }
0x48: {  	_ =	swait.ge @!p0 [sflag:s7], $0x4000  }
0x49: {  	[sflag:s7] =	ssyncset.done @!p0 $0x0  }
0x4a: {  	[sflag:s7] =	ssyncadd.s32 @!p0 $0xFFFFC000  }
0x4b: {  	[tilespmem:s22], [sflag:$0x2] =	stream.indirect.gather [spmem:s2], $0x80, s17, s17, $0xb8;
	[tilespmem:$0x1FD80] =	vst v63  }
0x4c: {  	s7 =	sadd.s32 s5, s12  }
0x4d: {  	[hbm4b:s14+s3] =	stream.linear.scatter [tilespmem:s19], [sflag:$0x7], $0x4000, $0x38;
	[tilespmem:$0x1FD80] =	vst v63  }
0x4e: {  	s8 =	sadd.s32 $0x30, s7  }
0x4f: {  	[tilespmem:s3], [sflag:$0x4] =	stream.linear.gather [hbm4b:s8+s3], $0x80, $0x38;
	[tilespmem:$0x1FD80] =	vst v63  }
0x50: {  	_ =	swait.ge [sflag:s23], $0x4000  }
0x51: {  	[sflag:s23] =	ssyncset.done $0x0  }
0x52: {  	[sflag:s23] =	ssyncadd.s32 $0xFFFFC000  }
0x53: {  	_ =	swait.ge [sflag:s24], $0x80  }
0x54: {  	[sflag:s24] =	ssyncset.done $0x0  }
0x55: {  	s8 =	simm.s32 @!p0 $0x9;
	[sflag:s24] =	ssyncadd.s32 $0xFFFFFF80  }
0x56: {  	_ =	swait.ge @!p0 [sflag:s8], $0x4000  }
0x57: {  	[sflag:s8] =	ssyncset.done @!p0 $0x0  }
0x58: {  	[sflag:s8] =	ssyncadd.s32 @!p0 $0xFFFFC000  }
0x59: {  	[tilespmem:s25], [sflag:$0x3] =	stream.indirect.gather [spmem:s2], $0x80, s18, s17, $0xb8;
	[tilespmem:$0x1FD80] =	vst v63  }
0x5a: {  	s8 =	sadd.s32 $0xFFFFF800, s13  }
0x5b: {  	[hbm4b:s8+s3] =	stream.linear.scatter [tilespmem:s22], [sflag:$0x8], $0x4000, $0x38;
	[tilespmem:$0x1FD80] =	vst v63  }
0x5c: {  	s8 =	sadd.s32 $0x40, s7  }
0x5d: {  	[tilespmem:s17], [sflag:$0x5] =	stream.linear.gather [hbm4b:s8+s3], $0x80, $0x38;
	[tilespmem:$0x1FD80] =	vst v63  }
0x5e: {  	_ =	swait.ge [sflag:s26], $0x4000  }
0x5f: {  	[sflag:s26] =	ssyncset.done $0x0  }
0x60: {  	[sflag:s26] =	ssyncadd.s32 $0xFFFFC000  }
0x61: {  	_ =	swait.ge [sflag:s28], $0x80  }
0x62: {  	[sflag:s28] =	ssyncset.done $0x0  }
0x63: {  	[sflag:s28] =	ssyncadd.s32 $0xFFFFFF80  }
0x64: {  	p0 =	seq.s32 s5, $0x4B0;
	_ =	swait.ge [sflag:s29], $0x4000  }
.Ltmp2:
0x65: {  	[sflag:s29] =	ssyncset.done $0x0;
	(pc) =	sbr.rel @p0 .LBB2_4-.Ltmp2, $4  }
0x66: {  	[sflag:s29] =	ssyncadd.s32 $0xFFFFC000  }
0x67: {  	[tilespmem:s19], [sflag:$0x1] =	stream.indirect.gather [spmem:s2], $0x80, s3, s17, $0xb8;
	[tilespmem:$0x1FD80] =	vst v63  }
0x68: {  	_ = 	snop  }
0x69: {  	[hbm4b:s13+s3] =	stream.linear.scatter [tilespmem:s25], [sflag:$0x9], $0x4000, $0x38;
	[tilespmem:$0x1FD80] =	vst v63  }
.Ltmp3:
0x6a: {  	(pc) =	sbr.rel .LBB2_2-.Ltmp3, $4  }
0x6b: {  	_ = 	snop  }
0x6c: {  	s7 =	sadd.s32 $0x50, s7  }
0x6d: {  	s5 =	sadd.s32 $0x30, s5;
	s13 =	sadd.s32 $0x1800, s13;
	s14 =	sadd.s32 $0x1800, s14  }
0x6e: {  	[tilespmem:s18], [sflag:$0x6] =	stream.linear.gather [hbm4b:s7+s3], $0x80, $0x38;
	[tilespmem:$0x1FD80] =	vst v63  }
.LBB2_5:
0x6f: {  	_ =	sfence.sel $0x180000  }
0x70: {  	[bflag:$0x0] =	sbarrier.arrive $0xFFFF  }
0x71: {  	_ =	strace $0x90000050  }
0x72: {  	s0 =	stileid.u32;
	[bflag:$0x2] =	sbarrier.arrive $0xFFFF  }
0x73: {  	p0 =	sne.s32 s0, $0x0;
	s0 =	rddreg [dreg:$0x3]  }
0x74: {  	s0 =	sadd.s32 @!p0 $0x100000, s0  }
0x75: {  	[sflag:s0] =	ssyncadd.tile.s32 @!p0 $0x1;
	_ =	shalt  }
.Lfunc_end2:
_tile_overlayer_lowered:
.L_overlay_start_2:
0x76: {  	(tag) =	ssettag $0x2  }
0x77: {  	s0 =	rddreg [dreg:$0x0];
	s2 =	stileid.u32  }
0x78: {  	s1 =	rddreg [dreg:$0x1];
	p0 =	sne.s32 s2, $0x0  }
0x79: {  	s3 =	rddreg [dreg:$0x2];
	[bflag:$0x3] =	sbarrier.arrive $0xFFFF;
	s2 =	simm.s32 @!p0 $0x1C0A  }
0x7a: {  	[timem:s3], [sflag:s2] =	dma.local @!p0 [hbm:s0], s1  }
0x7b: {  	s0 =	simm.s32 @!p0 $0xA  }
0x7c: {  	_ =	swait.ge @!p0 [sflag:s0], s1  }
0x7d: {  	s1 =	ssub.s32 @!p0 $0x0, s1;
	[sflag:s0] =	ssyncset.done @!p0 $0x0  }
0x7e: {  	[sflag:s0] =	ssyncadd.s32 @!p0 s1  }
0x7f: {  	[bflag:$0x3] =	sbarrier.arrive $0xFFFF  }
0x80: {  	_ =	shalt  }

// kernel: kernel.22.cloned.1.call-start
scs
__scs_entry_jumppad:
0x0: {  	(pc) =	sbr.rel $0x88, $3  }
0x1: {  	(tag) =	ssettag $0x0;
	lr =	simm.s32 $0x1  }
0x2: {  	[smem:$0x3F99] =	sst lr;
	_ =	strace $0xD0000000  }
0x3: {  	_ = 	snop  }
0x4: {  	_ = 	snop  }
0x5: {  	_ = 	snop  }
0x6: {  	_ = 	snop  }
0x7: {  	_ = 	snop  }
__scs_overlays_trampoline_lowered:
0x8: {  	[smem:$0x3FA8] =	sst s0  }
0x9: {  	[smem:$0x3FA9] =	sst s1  }
0xa: {  	[smem:$0x3FAA] =	sst s2  }
0xb: {  	[smem:$0x3FAB] =	sst s3  }
0xc: {  	[smem:$0x3FAC] =	sst s4  }
0xd: {  	[smem:$0x3FAD] =	sst s5  }
0xe: {  	[smem:$0x3FAE] =	sst s6  }
0xf: {  	[smem:$0x3FAF] =	sst s7  }
0x10: {  	[smem:$0x3FB0] =	sst s8  }
0x11: {  	[smem:$0x3FB1] =	sst s9;
	s0 =	simm.s32 @!p0 $0x0  }
0x12: {  	s1 =	sld [smem:$0x3F97];
	s0 =	simm.s32 @p0 $0x1  }
0x13: {  	[smem:$0x3FB2] =	sst s0;
	s0 =	simm.s32 @!p1 $0x0  }
0x14: {  	s2 =	sld [smem:$0x3F96];
	s0 =	simm.s32 @p1 $0x1  }
0x15: {  	[smem:$0x3FB3] =	sst s0;
	s0 =	simm.s32 @!p2 $0x0  }
0x16: {  	s3 =	sld [smem:$0x3FDB];
	s0 =	simm.s32 @p2 $0x1  }
0x17: {  	s4 =	simm.s32 $0x1BF5;
	[smem:$0x3FB5] =	sst s0  }
0x18: {  	s0 =	sld [smem:$0x3F98];
	_ =	swait.ge [sflag:s4], $0x0  }
0x19: {  	s7 =	sld [smem:$0x3F99]  }
0x1a: {  	s8 =	sadd.s32 $0xFFFFE003, lr  }
0x1b: {  	s9 =	sadd.s32 $0xFFFFFEF7, lr;
	s5 =	simm.s32 $0xFFFFFFFF;
	p2 =	slt.u32 s8, $0xFFFFF086  }
0x1c: {  	p1 =	slt.u32 s9, $0xF7A;
	s5 =	simm.s32 @!p2 $0x0  }
0x1d: {  	s5 =	simm.s32 @p1 $0x1;
	p0 =	seq.s32 s7, s2  }
0x1e: {  	s7 =	smul.u32 @!p0 $0xF7A, s2;
	p2 =	seq.s32 @!p0 s5, $0x0  }
0x1f: {  	s9 =	smul.u32 $0xF7A, s1;
	s8 =	simm.s32 @!p0 $0x1BF5;
	p2 =	por !p2, p0  }
0x20: {  	[sflag:s8] =	ssyncset.s32 @!p0 $0xFFFFF086;
	s6 =	sadd.s32 @!p0 s3, s7;
	s7 =	simm.s32 @!p0 $0x108  }
0x21: {  	s3 =	sadd.s32 s3, s9;
	s6 =	sadd.s32 @!p0 $0x88, s6;
	s7 =	simm.s32 @p2 $0x1082  }
0x22: {  	[simem:s7], [sflag:s8] =	dma.local @!p0 [hbm:s6], $0xF7A  }
0x23: {  	s9 =	sor.u32 $0xD0000000, s2;
	s6 =	simm.s32 $0x108;
	_ =	swait.ge @!p0 [sflag:s8], $0x0  }
0x24: {  	s3 =	sadd.s32 $0x88, s3;
	s6 =	simm.s32 @!p1 $0x1082;
	[sflag:s4] =	ssyncset.s32 $0xFFFFF086  }
0x25: {  	[simem:s6], [sflag:s4] =	dma.local [hbm:s3], $0xF7A  }
0x26: {  	[smem:$0x3F99] =	sst s1;
	(tag) =	ssettag s2;
	_ =	strace s9  }
0x27: {  	s1 =	sld [smem:$0x3FA9]  }
0x28: {  	s2 =	sld [smem:$0x3FAA]  }
0x29: {  	s4 =	sld [smem:$0x3FAC]  }
0x2a: {  	p0 =	seq.s32 s5, $0x0;
	s5 =	sld [smem:$0x3FAD]  }
0x2b: {  	s6 =	sld [smem:$0x3FAE]  }
0x2c: {  	s7 =	sld [smem:$0x3FAF]  }
0x2d: {  	s3 =	simm.s32 $0x108;
	s8 =	sld [smem:$0x3FB0]  }
0x2e: {  	s3 =	simm.s32 @!p0 $0x1082;
	s9 =	sld [smem:$0x3FB1]  }
0x2f: {  	lr =	sadd.s32 s0, s3;
	s0 =	sld [smem:$0x3FA8]  }
0x30: {  	s3 =	sld [smem:$0x3FAB]  }
0x31: {  	[smem:$0x3FB4] =	sst s10  }
0x32: {  	s10 =	sld [smem:$0x3FB2];
	_ =	sdelay $0x3  }
0x33: {  	p0 =	seq.s32 s10, $0x1;
	s10 =	sld [smem:$0x3FB4];
	_ =	sdelay $0x3  }
0x34: {  	[smem:$0x3FB4] =	sst s10  }
0x35: {  	s10 =	sld [smem:$0x3FB3];
	_ =	sdelay $0x3  }
0x36: {  	p1 =	seq.s32 s10, $0x1;
	s10 =	sld [smem:$0x3FB4];
	_ =	sdelay $0x3  }
0x37: {  	[smem:$0x3FB4] =	sst s10  }
0x38: {  	s10 =	sld [smem:$0x3FB5]  }
0x39: {  	_ = 	snop;
	(pc) =	sbr.ind lr, $3  }
0x3a: {  	_ = 	snop  }
0x3b: {  	_ = 	snop  }
0x3c: {  	p2 =	seq.s32 s10, $0x1;
	s10 =	sld [smem:$0x3FB4]  }
0x3d: {  	_ =	shalt  }
0x3e: {  	_ =	shalt  }
0x3f: {  	_ =	shalt  }
0x40: {  	_ =	shalt  }
0x41: {  	_ =	shalt  }
0x42: {  	_ =	shalt  }
0x43: {  	_ =	shalt  }
0x44: {  	_ =	shalt  }
0x45: {  	_ =	shalt  }
0x46: {  	_ =	shalt  }
0x47: {  	_ =	shalt  }
0x48: {  	_ =	shalt  }
0x49: {  	_ =	shalt  }
0x4a: {  	_ =	shalt  }
0x4b: {  	_ =	shalt  }
0x4c: {  	_ =	shalt  }
0x4d: {  	_ =	shalt  }
0x4e: {  	_ =	shalt  }
0x4f: {  	_ =	shalt  }
0x50: {  	_ =	shalt  }
0x51: {  	_ =	shalt  }
0x52: {  	_ =	shalt  }
0x53: {  	_ =	shalt  }
0x54: {  	_ =	shalt  }
0x55: {  	_ =	shalt  }
0x56: {  	_ =	shalt  }
0x57: {  	_ =	shalt  }
0x58: {  	_ =	shalt  }
0x59: {  	_ =	shalt  }
0x5a: {  	_ =	shalt  }
0x5b: {  	_ =	shalt  }
0x5c: {  	_ =	shalt  }
0x5d: {  	_ =	shalt  }
0x5e: {  	_ =	shalt  }
0x5f: {  	_ =	shalt  }
0x60: {  	_ =	shalt  }
0x61: {  	_ =	shalt  }
0x62: {  	_ =	shalt  }
0x63: {  	_ =	shalt  }
0x64: {  	_ =	shalt  }
0x65: {  	_ =	shalt  }
0x66: {  	_ =	shalt  }
0x67: {  	_ =	shalt  }
0x68: {  	_ =	shalt  }
0x69: {  	_ =	shalt  }
0x6a: {  	_ =	shalt  }
0x6b: {  	_ =	shalt  }
0x6c: {  	_ =	shalt  }
0x6d: {  	_ =	shalt  }
0x6e: {  	_ =	shalt  }
0x6f: {  	_ =	shalt  }
0x70: {  	_ =	shalt  }
0x71: {  	_ =	shalt  }
0x72: {  	_ =	shalt  }
0x73: {  	_ =	shalt  }
0x74: {  	_ =	shalt  }
0x75: {  	_ =	shalt  }
0x76: {  	_ =	shalt  }
0x77: {  	_ =	shalt  }
0x78: {  	_ =	shalt  }
0x79: {  	_ =	shalt  }
0x7a: {  	_ =	shalt  }
0x7b: {  	_ =	shalt  }
0x7c: {  	_ =	shalt  }
0x7d: {  	_ =	shalt  }
0x7e: {  	_ =	shalt  }
0x7f: {  	_ =	shalt  }
0x80: {  	_ =	shalt  }
0x81: {  	_ =	shalt  }
0x82: {  	_ =	shalt  }
0x83: {  	_ =	shalt  }
0x84: {  	_ =	shalt  }
0x85: {  	_ =	shalt  }
0x86: {  	_ =	shalt  }
0x87: {  	_ =	shalt  }
.Lfunc_end0:
.L_simem_size_0:
called_computation.4_lowered:
.L_overlay_start_0:
0x88: {  	s2 =	sld [smem:$0x3FD9]  }
0x89: {  	s3 =	sld [smem:$0x3FFE];
	_ =	sdelay $0x1  }
0x8a: {  	s1 =	srdreg.scid  }
0x8b: {  	s0 =	sand.u32 $0x1, s1  }
0x8c: {  	s16 =	sshll.u32 s0, $0xA;
	s2 =	sadd.s32 s3, s2  }
0x8d: {  	s2 =	sadd.s32 s2, s16  }
0x8e: {  	[smem:$0x3FC0] =	sst s2  }
0x8f: {  	_ = 	snop  }
0x90: {  	(tm) =	ssettm $0x1  }
0x91: {  	s17 =	sld [smem:$0x3FFB];
	_ =	sdelay $0x3  }
0x92: {  	_ =	strace s17  }
0x93: {  	s2 =	sld [smem:$0x3FFC];
	_ =	sdelay $0x3  }
0x94: {  	_ =	strace s2  }
0x95: {  	s2 =	sld [smem:$0x3FFD];
	_ =	sdelay $0x3  }
0x96: {  	_ =	strace s2  }
0x97: {  	_ =	strace $0x8FFFFFFF  }
0x98: {  	s18 =	sld [smem:$0x3FDB];
	_ =	sdelay $0x1  }
0x99: {  	s19 =	simm.s32 $_scs_section_size  }
0x9a: {  	s4 =	simm.s32 $_size__tile_overlayer_lowered;
	s5 =	simm.s32 $_tile_overlayer_lowered  }
0x9b: {  	s22 =	simm.s32 $0x1BFF;
	s21 =	sshll.u32 s5, $0x1;
	s2 =	sadd.s32 s19, s18  }
0x9c: {  	s6 =	simm.s32 $0x0;
	s20 =	sshll.u32 s4, $0x1;
	s4 =	sadd.s32 s21, s2  }
0x9d: {  	[timem:s6], [sflag:s22] =	dma.local [hbm:s4], s20  }
0x9e: {  	_ =	swait.ge [sflag:s22], s20  }
0x9f: {  	s3 =	ssub.s32 $0x0, s20;
	[sflag:s22] =	ssyncset.done $0x0  }
0xa0: {  	[sflag:s22] =	ssyncadd.s32 s3;
	_ =	sdelay $0x1  }
0xa1: {  	s23 =	simm.s32 $0x1B8B  }
0xa2: {  	_ =	swait.ge [sflag:s23], $0x1  }
0xa3: {  	[sflag:s23] =	ssyncset.done $0x0  }
0xa4: {  	s25 =	simm.s32 $0x1B8E;
	s24 =	sld [smem:$0x3FFE];
	[sflag:s23] =	ssyncadd.s32 $0xFFFFFFFF  }
0xa5: {  	s26 =	simm.s32 $execute0_lowered;
	[smem:$0x3FD2] =	sst s25  }
0xa6: {  	s4 =	sshll.u32 s26, $0x1;
	_ =	strace $0x80000052;
	[dreg:$0x1] =	wrdreg $0xFFFFFFFF  }
0xa7: {  	s28 =	simm.s32 $_size_execute0_lowered;
	s2 =	sadd.s32 s2, s4;
	[dreg:$0x0] =	wrdreg $0x0  }
0xa8: {  	s4 =	sshll.u32 s28, $0x1;
	[dreg:$0x2] =	wrdreg s2  }
0xa9: {  	[dreg:$0x3] =	wrdreg s4  }
0xaa: {  	[dreg:$0x4] =	wrdreg $0xC0  }
0xab: {  	_ =	task [dreg:s6], $0x5FFFF  }
0xac: {  	[dreg:$0x1] =	wrdreg $0xFFFFFFFF  }
0xad: {  	[dreg:$0x0] =	wrdreg $0x60  }
0xae: {  	[dreg:$0x2] =	wrdreg s24  }
0xaf: {  	[dreg:$0x3] =	wrdreg $0x81000  }
0xb0: {  	[dreg:$0x4] =	wrdreg $0x9  }
0xb1: {  	_ =	task.clear_ibuf [dreg:s6], $0x5FFFF;
	_ =	strace $0x90000052  }
0xb2: {  	s29 =	simm.s32 $0x9;
	_ =	strace $0x80000054  }
0xb3: {  	_ =	swait.ge [sflag:s29], $0x1  }
0xb4: {  	[sflag:s29] =	ssyncadd.s32 $0xFFFFFFFF  }
0xb5: {  	_ =	strace $0x90000054  }
0xb6: {  	_ =	sfence  }
0xb7: {  	s30 =	sld [smem:$0x0];
	_ =	sdelay $0x2  }
0xb8: {  	s31 =	sshll.u32 s1, $0xD;
	s1 =	sshrl.u32 s1, $0x2  }
0xb9: {  	s3 =	sand.u32 $0x4000, s31;
	s1 =	sadd.s32 s1, s30  }
0xba: {  	s0 =	sor.u32 s3, s0;
	s1 =	sshll.u32 s1, $0x11  }
0xbb: {  	s0 =	sor.u32 s1, s0  }
0xbc: {  	s0 =	sadd.s32 $0x8F2B, s0  }
0xbd: {  	[sflag:s0] =	ssyncadd.remote.s32 $0x1  }
0xbe: {  	_ =	sfence.sel $0xFFFF  }
0xbf: {  	[dreg:$0x0] =	wrdreg $0xFFFFFFFF;
	(pc) =	sbr.abs _section_cstart, $3  }
0xc0: {  	[dreg:$0x1] =	wrdreg $0xFFFFFFFF  }
0xc1: {  	_ =	task.clear_ibuf [dreg:s6], $0x2FFFF;
	_ =	strace $0x9FFFFFFF  }
0xc2: {  	(tm) =	ssettm $0x7FFFFFFF  }
0xc3: {  	_ =	shalt  }
tec
execute0_lowered:
.L_overlay_start_1:
0x0: {  	(tag) =	ssettag $0x1  }
0x1: {  	s4 =	rddreg [dreg:$0x0]  }
0x2: {  	s2 =	rddreg [dreg:$0x1];
	s3 =	simm.s32 $0x0;
	s0 =	stileid.u32  }
0x3: {  	s5 =	srdreg.scid;
	s28 =	simm.s32 $0x0;
	s24 =	smul.u32 $0x2800, s0  }
0x4: {  	[smem:$0x7FF] =	sst s3;
	s12 =	sand.u32 $0x1, s5;
	s8 =	smul.u32 $0x50000, s0  }
0x5: {  	s13 =	sadd.s32 $0x3200, s4;
	s29 =	smul.u32 $0x500, s0;
	s7 =	sshll.u32 s12, $0x4  }
0x6: {  	s14 =	sadd.s32 $0x85200, s4;
	s5 =	smul.u32 $0x28000, s12;
	s19 =	sor.u32 s0, s7  }
0x7: {  	s21 =	sshll.u32 s0, $0x6;
	_ =	strace $0x80000053;
	s10 =	smul.u32 $0x500, s19  }
0x8: {  	s18 =	ssub.s32 $0x2, s12;
	s6 =	sadd.s32 s24, s4;
	s15 =	smul.u32 $0x50, s19  }
0x9: {  	s20 =	sshrl.u32 s18, $0x1;
	s8 =	sshrl.u32 s8, $0x2;
	s22 =	smul.u32 $0x28000, s19  }
0xa: {  	s9 =	sadd.s32 s5, s4;
	s11 =	ssub.s32 s18, s20;
	s18 =	smul.u32 $0x500, s12  }
0xb: {  	s17 =	sadd.s32 s8, s2;
	s5 =	sadd.s32 $0xA85200, s6;
	s19 =	smul.u32 $0x50, s0  }
0xc: {  	s6 =	sor.u32 $0x1C05, s21;
	s20 =	smul.u32 $0x5000, s12;
	s21 =	simm.s32 $0x1  }
0xd: {  	s25 =	sadd.s32 $0x585200, s9;
	s9 =	smax.u32 s11, $0x1;
	s17 =	sshrl.u32 s17, $0x3  }
0xe: {  	s4 =	sadd.s32 s13, s10;
	s8 =	sadd.s32 s14, s22;
	s16 =	sshll.u32 s15, $0xB  }
0xf: {  	s15 =	sor.u32 $0x1, s15;
	s26 =	sadd.s32 s19, s18;
	s30 =	sadd.s32 s20, s13  }
0x10: {  	s18 =	simm.s32 $0x5;
	s19 =	simm.s32 $0x80;
	s20 =	simm.s32 $0x100  }
0x11: {  	s22 =	simm.s32 $0x4100;
	s24 =	sadd.s32 s24, s25;
	s25 =	simm.s32 $0x4  }
0x12: {  	s7 =	sadd.s32 $0x10, s4;
	s23 =	sshll.u32 s15, $0xB;
	s11 =	sadd.s32 $0x20, s4  }
.Ltmp0:
0x13: {  	s16 =	sadd.s32 s16, s14;
	s15 =	sshll.u32 s15, $0x4;
	(pc) =	sbr.rel .LBB2_1-.Ltmp0, $4  }
0x14: {  	s31 =	sadd.s32 s29, s30;
	s10 =	sadd.s32 s14, s23;
	s12 =	sadd.s32 $0x1000, s16  }
0x15: {  	s16 =	sshll.u32 s26, $0xB;
	s13 =	sadd.s32 s15, s13;
	s15 =	sadd.s32 $0x50, s31  }
0x16: {  	s23 =	simm.s32 $0x2;
	s26 =	simm.s32 $0x3;
	s16 =	sadd.s32 s16, s14  }
0x17: {  	s13 =	sadd.s32 $0x20, s13;
	s14 =	sadd.s32 $0x2000, s16;
	s16 =	sadd.s32 $0x1800, s16  }
.LBB2_4:
0x18: {  	s28 =	sadd.s32 $0x1, s28  }
0x19: {  	p0 =	sne.s32 s28, s9  }
.Ltmp1:
0x1a: {  	[bflag:$0x0] =	sbarrier.arrive $0xFFFF;
	(pc) =	sbr.rel @!p0 .LBB2_5-.Ltmp1, $4  }
0x1b: {  	[hbm:s24], [sflag:s6] =	dma.local [spmem:s17], $0x2800  }
0x1c: {  	_ =	swait.ge [sflag:s18], $0x2800  }
0x1d: {  	[sflag:s18] =	ssyncset.done $0x0  }
0x1e: {  	[sflag:s18] =	ssyncadd.s32 $0xFFFFD800  }
.LBB2_1:
0x1f: {  	[spmem:s17], [sflag:s6] =	dma.local [hbm:s5], $0x2800  }
0x20: {  	_ =	swait.ge [sflag:s18], $0x2800  }
0x21: {  	[sflag:s18] =	ssyncset.done $0x0  }
0x22: {  	[sflag:s18] =	ssyncadd.s32 $0xFFFFD800  }
0x23: {  	[bflag:$0x0] =	sbarrier.arrive $0xFFFF  }
0x24: {  	[tilespmem:s3], [sflag:$0x5] =	stream.linear.gather [hbm4b:s4+s3], $0x80, $0x38;
	[tilespmem:$0x1C100] =	vst v63  }
0x25: {  	_ =	swait.ge [sflag:s18], $0x80  }
0x26: {  	[sflag:s18] =	ssyncset.done $0x0  }
0x27: {  	[sflag:s18] =	ssyncadd.s32 $0xFFFFFF80  }
0x28: {  	[tilespmem:s19], [sflag:$0x4] =	stream.linear.gather [hbm4b:s7+s3], $0x80, $0x38;
	[tilespmem:$0x1C100] =	vst v63  }
0x29: {  	_ = 	snop  }
0x2a: {  	[tilespmem:s20], [sflag:$0x1] =	stream.linear.gather [hbm4b:s8+s3], $0x4000, $0x38;
	[tilespmem:$0x1C100] =	vst v63  }
0x2b: {  	_ =	swait.ge [sflag:s21], $0x4000  }
0x2c: {  	[sflag:s21] =	ssyncset.done $0x0  }
0x2d: {  	[sflag:s21] =	ssyncadd.s32 $0xFFFFC000  }
0x2e: {  	[tilespmem:s22], [sflag:$0x2] =	stream.linear.gather [hbm4b:s10+s3], $0x4000, $0x38;
	[tilespmem:$0x1C100] =	vst v63  }
0x2f: {  	_ = 	snop  }
0x30: {  	[spmem:s2] =	stream.indirect.scatter.add.f32 [tilespmem:s20], [sflag:$0x5], $0x80, s3, s19, $0xb8;
	[tilespmem:$0x1C100] =	vst v63  }
0x31: {  	_ =	swait.ge [sflag:s18], $0x4000  }
0x32: {  	[sflag:s18] =	ssyncset.done $0x0  }
0x33: {  	[sflag:s18] =	ssyncadd.s32 $0xFFFFC000  }
0x34: {  	[tilespmem:s3], [sflag:$0x3] =	stream.linear.gather [hbm4b:s11+s3], $0x80, $0x38;
	[tilespmem:$0x1C100] =	vst v63  }
0x35: {  	_ =	swait.ge [sflag:s23], $0x4000  }
0x36: {  	[sflag:s23] =	ssyncset.done $0x0  }
0x37: {  	[sflag:s23] =	ssyncadd.s32 $0xFFFFC000  }
0x38: {  	[tilespmem:s20], [sflag:$0x1] =	stream.linear.gather [hbm4b:s12+s3], $0x4000, $0x38;
	[tilespmem:$0x1C100] =	vst v63  }
0x39: {  	_ =	swait.ge [sflag:s25], $0x80  }
0x3a: {  	[sflag:s25] =	ssyncset.done $0x0  }
0x3b: {  	[sflag:s25] =	ssyncadd.s32 $0xFFFFFF80  }
0x3c: {  	[spmem:s2] =	stream.indirect.scatter.add.f32 [tilespmem:s22], [sflag:$0x5], $0x80, s19, s19, $0xb8;
	[tilespmem:$0x1C100] =	vst v63  }
0x3d: {  	_ =	swait.ge [sflag:s18], $0x4000  }
0x3e: {  	[sflag:s18] =	ssyncset.done $0x0  }
0x3f: {  	s29 =	smov.u32 s15;
	s30 =	simm.s32 $0x0;
	[sflag:s18] =	ssyncadd.s32 $0xFFFFC000  }
0x40: {  	[tilespmem:s19], [sflag:$0x4] =	stream.linear.gather [hbm4b:s13+s3], $0x80, $0x38;
	[tilespmem:$0x1C100] =	vst v63  }
.LBB2_2:
0x41: {  	_ =	swait.ge [sflag:s21], $0x4000  }
0x42: {  	[sflag:s21] =	ssyncset.done $0x0  }
0x43: {  	s31 =	sadd.s32 s30, s16;
	[sflag:s21] =	ssyncadd.s32 $0xFFFFC000  }
0x44: {  	[tilespmem:s22], [sflag:$0x2] =	stream.linear.gather [hbm4b:s31+s3], $0x4000, $0x38;
	[tilespmem:$0x1C100] =	vst v63  }
0x45: {  	_ =	swait.ge [sflag:s26], $0x80  }
0x46: {  	[sflag:s26] =	ssyncset.done $0x0  }
0x47: {  	[sflag:s26] =	ssyncadd.s32 $0xFFFFFF80  }
0x48: {  	[spmem:s2] =	stream.indirect.scatter.add.f32 [tilespmem:s20], [sflag:$0x5], $0x80, s3, s19, $0xb8;
	[tilespmem:$0x1C100] =	vst v63  }
0x49: {  	_ =	swait.ge [sflag:s18], $0x4000  }
0x4a: {  	p0 =	sne.s32 s30, $0x26000;
	[sflag:s18] =	ssyncset.done $0x0  }
0x4b: {  	s0 =	simm.s32 @p0 $0x0;
	s31 =	sadd.s32 @p0 $0xFFFFFFF0, s29;
	[sflag:s18] =	ssyncadd.s32 $0xFFFFC000  }
0x4c: {  	[tilespmem:s0], [sflag:$0x3] =	stream.linear.gather @p0 [hbm4b:s31+s0], $0x80, $0x38;
	[tilespmem:$0x1C100] =	vst v63  }
0x4d: {  	s31 =	simm.s32 @p0 $0x2  }
0x4e: {  	_ =	swait.ge @p0 [sflag:s31], $0x4000  }
0x4f: {  	[sflag:s31] =	ssyncset.done @p0 $0x0  }
0x50: {  	s1 =	simm.s32 @p0 $0x100;
	[sflag:s31] =	ssyncadd.s32 @p0 $0xFFFFC000;
	s31 =	sadd.s32 @p0 s30, s14  }
0x51: {  	[tilespmem:s1], [sflag:$0x1] =	stream.linear.gather @p0 [hbm4b:s31+s0], $0x4000, $0x38;
	[tilespmem:$0x1C100] =	vst v63  }
0x52: {  	s0 =	simm.s32 @!p0 $0x2  }
0x53: {  	_ =	swait.ge @!p0 [sflag:s0], $0x4000  }
0x54: {  	[sflag:s0] =	ssyncset.done @!p0 $0x0  }
0x55: {  	[sflag:s0] =	ssyncadd.s32 @!p0 $0xFFFFC000  }
0x56: {  	_ =	swait.ge [sflag:s25], $0x80  }
0x57: {  	p0 =	seq.s32 s30, $0x26000;
	[sflag:s25] =	ssyncset.done $0x0  }
.Ltmp2:
0x58: {  	[sflag:s25] =	ssyncadd.s32 $0xFFFFFF80;
	(pc) =	sbr.rel @p0 .LBB2_4-.Ltmp2, $4  }
0x59: {  	[spmem:s2] =	stream.indirect.scatter.add.f32 [tilespmem:s22], [sflag:$0x5], $0x80, s19, s19, $0xb8;
	[tilespmem:$0x1C100] =	vst v63  }
0x5a: {  	_ =	swait.ge [sflag:s18], $0x4000  }
0x5b: {  	[sflag:s18] =	ssyncset.done $0x0  }
0x5c: {  	[sflag:s18] =	ssyncadd.s32 $0xFFFFC000  }
.Ltmp3:
0x5d: {  	(pc) =	sbr.rel .LBB2_2-.Ltmp3, $3  }
0x5e: {  	_ =	sdelay $0x1  }
0x5f: {  	[tilespmem:s19], [sflag:$0x4] =	stream.linear.gather [hbm4b:s29+s3], $0x80, $0x38;
	[tilespmem:$0x1C100] =	vst v63  }
0x60: {  	s30 =	sadd.s32 $0x1000, s30;
	s29 =	sadd.s32 $0x20, s29  }
.LBB2_5:
0x61: {  	_ =	sfence.sel $0x180000  }
0x62: {  	[bflag:$0x0] =	sbarrier.arrive $0xFFFF  }
0x63: {  	_ =	strace $0x90000053  }
0x64: {  	s0 =	stileid.u32;
	[bflag:$0x2] =	sbarrier.arrive $0xFFFF  }
0x65: {  	p0 =	sne.s32 s0, $0x0;
	s0 =	rddreg [dreg:$0x2]  }
0x66: {  	s0 =	sadd.s32 @!p0 $0x100000, s0  }
0x67: {  	[sflag:s0] =	ssyncadd.tile.s32 @!p0 $0x1;
	_ =	shalt  }
.Lfunc_end2:
_tile_overlayer_lowered:
.L_overlay_start_2:
0x68: {  	(tag) =	ssettag $0x2  }
0x69: {  	s0 =	rddreg [dreg:$0x0];
	s2 =	stileid.u32  }
0x6a: {  	s1 =	rddreg [dreg:$0x1];
	p0 =	sne.s32 s2, $0x0  }
0x6b: {  	s3 =	rddreg [dreg:$0x2];
	[bflag:$0x3] =	sbarrier.arrive $0xFFFF;
	s2 =	simm.s32 @!p0 $0x1C05  }
0x6c: {  	[timem:s3], [sflag:s2] =	dma.local @!p0 [hbm:s0], s1  }
0x6d: {  	s0 =	simm.s32 @!p0 $0x5  }
0x6e: {  	_ =	swait.ge @!p0 [sflag:s0], s1  }
0x6f: {  	s1 =	ssub.s32 @!p0 $0x0, s1;
	[sflag:s0] =	ssyncset.done @!p0 $0x0  }
0x70: {  	[sflag:s0] =	ssyncadd.s32 @!p0 s1  }
0x71: {  	[bflag:$0x3] =	sbarrier.arrive $0xFFFF  }
0x72: {  	_ =	shalt  }

</sc_bundles>
